<compile_context>
chip_gen: v7x
topology: tpu7x:2x2x1
jax: 0.10.2.dev20260603
libtpu: 0.0.44.dev20260713+nightly
codegen_flags: <defaults>
</compile_context>

<pallas_src>
import functools

import jax
import jax.numpy as jnp
from jax import lax
from jax.experimental import pallas as pl
from jax.experimental.pallas import tpu as pltpu
from jax.experimental.pallas import tpu_sc as plsc

N = 4096
KNN = 20
_PREC = jax.lax.Precision.DEFAULT

_SC_CORES = 2
_SC_SUBCORES = 16
_SC_WORKERS = _SC_CORES * _SC_SUBCORES


def _dot(a, b):
    return jnp.dot(a, b, precision=_PREC, preferred_element_type=jnp.float32)


WSEG = 1408


def _knn(x_like_ref, xt_scr, sqc_scr, d_scr, brow_ref, bcol_ref, seg_ref,
         idx_ref, R):
    xt = xt_scr[:]
    sqc_scr[:] = jnp.sum(xt * xt, axis=0, keepdims=True)
    col_iota = lax.broadcasted_iota(jnp.int32, (R, WSEG), 1)
    k_iota = lax.broadcasted_iota(jnp.int32, (R, KNN), 1)

    for b in range(4):
        w0 = pl.multiple_of(seg_ref[b], 128)
        xtw = xt_scr[:, pl.ds(w0, WSEG)]
        sq_col = sqc_scr[:, pl.ds(w0, WSEG)]
        bcol = bcol_ref[:, pl.ds(w0, WSEG)]

        def block(s, _):
            r0 = pl.multiple_of(jnp.minimum(w0 + s * R, N - R), 128)
            xr = x_like_ref[pl.ds(r0, R), :]
            mm = _dot(xr, xtw)
            sq_row = jnp.sum(xr * xr, axis=1, keepdims=True)
            d = (sq_row + sq_col) - 2.0 * mm
            brow = brow_ref[pl.ds(r0, R), :]
            d_scr[:] = jnp.where(brow != bcol, jnp.float32(1e10), d)

            def pick(t, carry):
                acc, sel_prev = carry
                dd = jnp.where(col_iota == sel_prev, jnp.float32(jnp.inf),
                               d_scr[:])
                d_scr[:] = dd
                m = jnp.min(dd, axis=1, keepdims=True)
                sel = jnp.min(jnp.where(dd == m, col_iota, jnp.int32(2**30)),
                              axis=1, keepdims=True)
                acc = jnp.where(k_iota == t, sel, acc)
                return acc, sel

            acc, _ = lax.fori_loop(
                0, KNN, pick,
                (jnp.zeros((R, KNN), jnp.int32),
                 jnp.full((R, 1), -1, jnp.int32)))
            old = idx_ref[pl.ds(r0, R), :]
            keep = brow == b
            idx_ref[pl.ds(r0, R), :] = jnp.where(keep, acc + w0, old)
            return 0

        lax.fori_loop(0, seg_ref[4 + b], block, 0)


def _edge_max(x, a, xj_hbm, wb, d_in, slab, sems):
    def cp(j, buf):
        return pltpu.make_async_copy(xj_hbm.at[pl.ds(j * N, N)],
                                     slab.at[buf], sems.at[buf])

    cp(0, 0).start()

    def step(j, acc):
        buf = j % 2

        @pl.when(j + 1 < KNN)
        def _():
            cp(j + 1, 1 - buf).start()

        cp(j, buf).wait()
        xj = slab[buf][:, 0:d_in]
        msg = jnp.maximum(a + _dot(xj - x, wb), 0.0)
        return jnp.maximum(acc, msg)

    init = jnp.full((N, a.shape[1]), -jnp.inf, jnp.float32)
    return lax.fori_loop(0, KNN, step, init)


def _first_body(pos_ref, brow_ref, bcol_ref, w0_ref, w1_ref, b1_ref, wl1_ref,
                bl1_ref, idx_ref, x_ref, a_ref, x64_scr, xt_scr, sqc_scr,
                d_scr):
    x = jnp.maximum(_dot(pos_ref[:], w1_ref[:]) + b1_ref[:], 0.0)
    x_ref[:, 0:64] = x
    x_ref[:, 64:128] = jnp.zeros((N, 64), jnp.float32)
    x64_scr[:] = x
    xt_scr[:] = x.T
    a_ref[:] = _dot(x, wl1_ref[0:64, :]) + bl1_ref[:]
    _knn(x64_scr, xt_scr, sqc_scr, d_scr, brow_ref, bcol_ref, w0_ref,
         idx_ref, 512)


def _mid_body(x1_ref, a1_ref, xj_ref, brow_ref, bcol_ref, w0_ref, wl1_ref,
              wl2_ref, bl2_ref, idx_ref, x_ref, a_ref, xt_scr, sqc_scr,
              d_scr, slab, sems):
    x2 = _edge_max(x1_ref[:, 0:64], a1_ref[:], xj_ref, wl1_ref[64:128, :],
                   64, slab, sems)
    x_ref[:] = x2
    xt_scr[:] = x2.T
    a_ref[:] = _dot(x2, wl2_ref[0:128, :]) + bl2_ref[:]
    _knn(x_ref, xt_scr, sqc_scr, d_scr, brow_ref, bcol_ref, w0_ref,
         idx_ref, 512)


def _last_body(x2_ref, a2_ref, xj_ref, wl2_ref, w2_ref, b2_ref, o_ref,
               slab, sems):
    x3 = _edge_max(x2_ref[:], a2_ref[:], xj_ref, wl2_ref[128:256, :],
                   128, slab, sems)
    o_ref[:] = _dot(x3, w2_ref[:]) + b2_ref[:]


_VMEM_SPEC = pl.BlockSpec(memory_space=pltpu.MemorySpace.VMEM)
_SMEM_SPEC = pl.BlockSpec(memory_space=pltpu.MemorySpace.SMEM)
_ANY_SPEC = pl.BlockSpec(memory_space=pl.ANY)

_TC_FIRST = pl.pallas_call(
    _first_body,
    in_specs=[_VMEM_SPEC, _VMEM_SPEC, _VMEM_SPEC, _SMEM_SPEC,
              _VMEM_SPEC, _VMEM_SPEC, _VMEM_SPEC, _VMEM_SPEC],
    out_shape=(
        jax.ShapeDtypeStruct((N, KNN), jnp.int32),
        jax.ShapeDtypeStruct((N, 128), jnp.float32),
        jax.ShapeDtypeStruct((N, 128), jnp.float32),
    ),
    scratch_shapes=[
        pltpu.VMEM((N, 64), jnp.float32),
        pltpu.VMEM((64, N), jnp.float32),
        pltpu.VMEM((1, N), jnp.float32),
        pltpu.VMEM((512, WSEG), jnp.float32),
    ],
)

_TC_MID = pl.pallas_call(
    _mid_body,
    in_specs=[_VMEM_SPEC, _VMEM_SPEC, _ANY_SPEC, _VMEM_SPEC, _VMEM_SPEC,
              _SMEM_SPEC, _VMEM_SPEC, _VMEM_SPEC, _VMEM_SPEC],
    out_shape=(
        jax.ShapeDtypeStruct((N, KNN), jnp.int32),
        jax.ShapeDtypeStruct((N, 128), jnp.float32),
        jax.ShapeDtypeStruct((N, 256), jnp.float32),
    ),
    scratch_shapes=[
        pltpu.VMEM((128, N), jnp.float32),
        pltpu.VMEM((1, N), jnp.float32),
        pltpu.VMEM((512, WSEG), jnp.float32),
        pltpu.VMEM((2, N, 128), jnp.float32),
        pltpu.SemaphoreType.DMA((2,)),
    ],
)

_TC_LAST = pl.pallas_call(
    _last_body,
    in_specs=[_VMEM_SPEC, _VMEM_SPEC, _ANY_SPEC,
              _VMEM_SPEC, _VMEM_SPEC, _VMEM_SPEC],
    out_shape=jax.ShapeDtypeStruct((N, 128), jnp.float32),
    scratch_shapes=[
        pltpu.VMEM((2, N, 128), jnp.float32),
        pltpu.SemaphoreType.DMA((2,)),
    ],
)


def _make_gather(D):
    G = N * KNN
    GPW = G // _SC_WORKERS
    CH = 128
    NCHUNK = GPW // CH
    mesh = plsc.VectorSubcoreMesh(core_axis_name="c", subcore_axis_name="s",
                                  num_cores=_SC_CORES,
                                  num_subcores=_SC_SUBCORES)

    @functools.partial(
        pl.kernel, mesh=mesh,
        out_type=jax.ShapeDtypeStruct((G, D), jnp.float32),
        scratch_types=[
            pltpu.VMEM((CH,), jnp.int32),
            pltpu.VMEM((CH, D), jnp.float32),
            pltpu.SemaphoreType.DMA,
        ],
    )
    def gather(idx_hbm, table_hbm, out_hbm, idx_v, rows_v, sem):
        wid = lax.axis_index("s") * _SC_CORES + lax.axis_index("c")
        base = wid * GPW

        def chunk(ci, _):
            g0 = base + ci * CH
            pltpu.sync_copy(idx_hbm.at[pl.ds(g0, CH)], idx_v)
            pltpu.async_copy(table_hbm.at[idx_v], rows_v, sem).wait()
            pltpu.sync_copy(rows_v, out_hbm.at[pl.ds(g0, CH)])
            return 0

        lax.fori_loop(0, NCHUNK, chunk, 0)

    return gather


_GATHER128 = functools.cache(lambda: _make_gather(128))


def kernel(pos, batch, W1, b1, Wl1, bl1, Wl2, bl2, W2, b2):
    brow = batch.reshape(N, 1)
    bcol = batch.reshape(1, N)
    seg_start = jnp.searchsorted(batch, jnp.arange(4, dtype=batch.dtype))
    seg_end = jnp.concatenate([seg_start[1:],
                               jnp.array([N], seg_start.dtype)])
    w0 = jnp.minimum((seg_start // 128) * 128, N - WSEG).astype(jnp.int32)
    nb = ((seg_end.astype(jnp.int32) - w0) + 511) // 512
    w0 = jnp.concatenate([w0, nb]).astype(jnp.int32)
    idx1, x1, A1 = _TC_FIRST(pos, brow, bcol, w0, W1, b1.reshape(1, -1),
                             Wl1, bl1.reshape(1, -1))
    XJ1 = _GATHER128()(idx1.T.reshape(-1), x1)
    idx2, x2, A2 = _TC_MID(x1, A1, XJ1, brow, bcol, w0, Wl1, Wl2,
                           bl2.reshape(1, -1))
    XJ2 = _GATHER128()(idx2.T.reshape(-1), x2)
    return _TC_LAST(x2, A2, XJ2, Wl2, W2, b2.reshape(1, -1))

# --- scband reference (transcript-rebuilt; emitter-appended) ---
"""Pipeline reference for scband-teacher-net-81896436400804 (READ-ONLY COPY).

The authoritative reference and input builder live on the scoring server;
editing this copy changes nothing except your own understanding.
"""

import jax, jax.numpy as jnp
import numpy as np

K_NN = 20

def knn_idx(x, batch, k):
    # squared pairwise distances, masked across batch boundaries
    sq = jnp.sum(x * x, axis=1)
    d = sq[:, None] + sq[None, :] - 2.0 * (x @ x.T)
    mask = batch[:, None] != batch[None, :]
    d = jnp.where(mask, 1e10, d)
    _, idx = jax.lax.top_k(-d, k)  # includes self (distance 0), matching PyG knn(x, x, k)
    return idx

def edge_conv(x, idx, W, b):
    # DynamicEdgeConv message: nn(cat([x_i, x_j - x_i])), max aggregation
    xj = x[idx]                                   # [N, k, d] gather
    xi = jnp.broadcast_to(x[:, None, :], xj.shape)
    m = jnp.concatenate([xi, xj - xi], axis=-1)   # [N, k, 2d]
    m = jax.nn.relu(m @ W + b)
    return jnp.max(m, axis=1)

def setup_inputs(seed: int = 0):
    key = jax.random.key(seed)
    ks = jax.random.split(key, 12)
    N = 4096
    feature_dim = 128
    pos = jax.random.normal(ks[0], (N, 3), dtype=jnp.float32)
    batch = jnp.sort(jax.random.randint(ks[1], (N,), 0, 4)).astype(jnp.int32)
    W1 = jax.random.normal(ks[2], (3, 64), dtype=jnp.float32) * (1.0 / np.sqrt(3.0))
    b1 = jnp.zeros((64,), dtype=jnp.float32)
    Wl1 = jax.random.normal(ks[3], (128, 128), dtype=jnp.float32) * (1.0 / np.sqrt(128.0))
    bl1 = jnp.zeros((128,), dtype=jnp.float32)
    Wl2 = jax.random.normal(ks[4], (256, 256), dtype=jnp.float32) * (1.0 / np.sqrt(256.0))
    bl2 = jnp.zeros((256,), dtype=jnp.float32)
    W2 = jax.random.normal(ks[5], (256, feature_dim), dtype=jnp.float32) * (1.0 / np.sqrt(256.0))
    b2 = jnp.zeros((feature_dim,), dtype=jnp.float32)
    return {"pos": pos, "batch": batch, "W1": W1, "b1": b1, "Wl1": Wl1, "bl1": bl1,
            "Wl2": Wl2, "bl2": bl2, "W2": W2, "b2": b2}

def reference(pos, batch, W1, b1, Wl1, bl1, Wl2, bl2, W2, b2):
    x = jax.nn.relu(pos @ W1 + b1)          # mlp1: 3 -> 64
    idx = knn_idx(x, batch, K_NN)
    x = edge_conv(x, idx, Wl1, bl1)         # lfa1: 2*64 -> 128
    idx = knn_idx(x, batch, K_NN)
    x = edge_conv(x, idx, Wl2, bl2)         # lfa2: 2*128 -> 256
    out = x @ W2 + b2                        # mlp2: 256 -> feature_dim
    return out

if __name__ == "__main__":
    import jax
    _d = setup_inputs()
    print(jax.jit(kernel)(*tuple(_d.values())))

</pallas_src>

<mosaic_0001>
#map = affine_map<(d0, d1) -> (0)>
#map1 = affine_map<(d0, d1) -> (0, 0)>
module attributes {stable_mosaic.version = 14 : i64} {
  func.func @gather(%arg0: i32, %arg1: i32, %arg2: memref<81920xi32, #tpu.memory_space<hbm>>, %arg3: memref<4096x128xf32, #tpu.memory_space<hbm>>, %arg4: memref<81920x128xf32, #tpu.memory_space<hbm>>, %arg5: memref<128xi32, #tpu.memory_space<vmem>>, %arg6: memref<128x128xf32, #tpu.memory_space<vmem>>, %arg7: memref<!tpu.dma_semaphore, #tpu.memory_space<semaphore_mem>>) attributes {dimension_semantics = [#tpu.dimension_semantics<core_parallel>, #tpu.dimension_semantics<subcore_parallel>], iteration_bounds = array<i64: 2, 16>, scalar_prefetch = 0 : i64, scratch_operands = 3 : i64, tpu.core_type = #tpu.core_type<sc_vector_subcore>, window_params = [{transform_indices = #map}, {transform_indices = #map1}, {transform_indices = #map1}]} {
    %mul3A = arith.constant 2 : i32
    %mul3A_0 = arith.muli %arg1, %mul3A : i32
    %add3A = arith.addi %mul3A_0, %arg0 : i32
    %mul3A_1 = arith.constant 2560 : i32
    %mul3A_2 = arith.muli %add3A, %mul3A_1 : i32
    %scan3A = arith.constant 0 : i32
    %scan3A_3 = arith.constant 0 : i32
    %scan3A_4 = arith.constant 20 : i32
    %scan3A_5 = arith.addi %scan3A_3, %scan3A_4 : i32
    %scan3A_6 = arith.constant 1 : i32
    %scan3A_7 = scf.for %scan3A_9 = %scan3A_3 to %scan3A_5 step %scan3A_6 iter_args(%scan3A_10 = %scan3A) -> (i32)  : i32 {
      %mul3A_11 = arith.constant 128 : i32
      %mul3A_12 = arith.muli %scan3A_9, %mul3A_11 : i32
      %add3A_13 = arith.addi %mul3A_2, %mul3A_12 : i32
      "tpu.region"() ({
        %run_scoped3A = tpu.sem_alloc : memref<!tpu.dma_semaphore, #tpu.memory_space<semaphore_mem>>
        %dma_start3A_19 = tpu.memref_slice %arg2[%add3A_13] : memref<81920xi32, #tpu.memory_space<hbm>> -> memref<128xi32, #tpu.memory_space<hbm>>
        %dma_start3A_20 = tpu.memref_slice %arg2[%add3A_13] : memref<81920xi32, #tpu.memory_space<hbm>> -> memref<128xi32, #tpu.memory_space<hbm>>
        tpu.enqueue_dma source(%dma_start3A_20 : memref<128xi32, #tpu.memory_space<hbm>>) target(%arg5 : memref<128xi32, #tpu.memory_space<vmem>>) target_semaphore(%run_scoped3A : memref<!tpu.dma_semaphore, #tpu.memory_space<semaphore_mem>>)
        %dma_wait3A_21 = tpu.memref_slice %arg2[%add3A_13] : memref<81920xi32, #tpu.memory_space<hbm>> -> memref<128xi32, #tpu.memory_space<hbm>>
        %dma_wait3A_22 = tpu.memref_slice %arg2[%add3A_13] : memref<81920xi32, #tpu.memory_space<hbm>> -> memref<128xi32, #tpu.memory_space<hbm>>
        tpu.wait_dma2 semaphore(%run_scoped3A : memref<!tpu.dma_semaphore, #tpu.memory_space<semaphore_mem>>) src(%dma_wait3A_22 : memref<128xi32, #tpu.memory_space<hbm>>) dst(%arg5 : memref<128xi32, #tpu.memory_space<vmem>>)
        tpu.yield
      }) : () -> ()
      %dma_start3A = arith.constant 0 : i32
      %dma_start3A_14 = arith.constant 0 : i32
      %dma_start3A_15 = tpu.memref_slice %arg3[%dma_start3A, %dma_start3A_14] : memref<4096x128xf32, #tpu.memory_space<hbm>> -> memref<4096x128xf32, #tpu.memory_space<hbm>>
      tpu.enqueue_indirect_dma source(%dma_start3A_15 : memref<4096x128xf32, #tpu.memory_space<hbm>>) target(%arg6 : memref<128x128xf32, #tpu.memory_space<vmem>>) offsets(%arg5 : memref<128xi32, #tpu.memory_space<vmem>>) semaphore(%arg7 : memref<!tpu.dma_semaphore, #tpu.memory_space<semaphore_mem>>)
      %dma_wait3A = arith.constant 0 : i32
      %dma_wait3A_16 = arith.constant 0 : i32
      %dma_wait3A_17 = tpu.memref_slice %arg3[%dma_wait3A, %dma_wait3A_16] : memref<4096x128xf32, #tpu.memory_space<hbm>> -> memref<4096x128xf32, #tpu.memory_space<hbm>>
      tpu.wait_indirect_dma semaphore(%arg7 : memref<!tpu.dma_semaphore, #tpu.memory_space<semaphore_mem>>) src(%dma_wait3A_17 : memref<4096x128xf32, #tpu.memory_space<hbm>>) dst(%arg6 : memref<128x128xf32, #tpu.memory_space<vmem>>)
      "tpu.region"() ({
        %run_scoped3A = tpu.sem_alloc : memref<!tpu.dma_semaphore, #tpu.memory_space<semaphore_mem>>
        %dma_start3A_19 = arith.constant 0 : i32
        %dma_start3A_20 = tpu.memref_slice %arg4[%add3A_13, %dma_start3A_19] : memref<81920x128xf32, #tpu.memory_space<hbm>> -> memref<128x128xf32, #tpu.memory_space<hbm>>
        %dma_start3A_21 = arith.constant 0 : i32
        %dma_start3A_22 = tpu.memref_slice %arg4[%add3A_13, %dma_start3A_21] : memref<81920x128xf32, #tpu.memory_space<hbm>> -> memref<128x128xf32, #tpu.memory_space<hbm>>
        tpu.enqueue_dma source(%arg6 : memref<128x128xf32, #tpu.memory_space<vmem>>) target(%dma_start3A_22 : memref<128x128xf32, #tpu.memory_space<hbm>>) target_semaphore(%run_scoped3A : memref<!tpu.dma_semaphore, #tpu.memory_space<semaphore_mem>>)
        %dma_wait3A_23 = arith.constant 0 : i32
        %dma_wait3A_24 = tpu.memref_slice %arg4[%add3A_13, %dma_wait3A_23] : memref<81920x128xf32, #tpu.memory_space<hbm>> -> memref<128x128xf32, #tpu.memory_space<hbm>>
        %dma_wait3A_25 = arith.constant 0 : i32
        %dma_wait3A_26 = tpu.memref_slice %arg4[%add3A_13, %dma_wait3A_25] : memref<81920x128xf32, #tpu.memory_space<hbm>> -> memref<128x128xf32, #tpu.memory_space<hbm>>
        tpu.wait_dma2 semaphore(%run_scoped3A : memref<!tpu.dma_semaphore, #tpu.memory_space<semaphore_mem>>) src(%arg6 : memref<128x128xf32, #tpu.memory_space<vmem>>) dst(%dma_wait3A_26 : memref<128x128xf32, #tpu.memory_space<hbm>>)
        tpu.yield
      }) : () -> ()
      %scan3A_18 = arith.constant 0 : i32
      scf.yield %scan3A_18 : i32
    }
    %scan3A_8 = arith.constant 20 : i32
    return
  }
}

#map = affine_map<(d0, d1) -> (0)>
#map1 = affine_map<(d0, d1) -> (0, 0)>
module attributes {stable_mosaic.version = 14 : i64} {
  func.func @gather(%arg0: i32, %arg1: i32, %arg2: memref<81920xi32, #tpu.memory_space<hbm>>, %arg3: memref<4096x128xf32, #tpu.memory_space<hbm>>, %arg4: memref<81920x128xf32, #tpu.memory_space<hbm>>, %arg5: memref<128xi32, #tpu.memory_space<vmem>>, %arg6: memref<128x128xf32, #tpu.memory_space<vmem>>, %arg7: memref<!tpu.dma_semaphore, #tpu.memory_space<semaphore_mem>>) attributes {dimension_semantics = [#tpu.dimension_semantics<core_parallel>, #tpu.dimension_semantics<subcore_parallel>], iteration_bounds = array<i64: 2, 16>, scalar_prefetch = 0 : i64, scratch_operands = 3 : i64, tpu.core_type = #tpu.core_type<sc_vector_subcore>, window_params = [{transform_indices = #map}, {transform_indices = #map1}, {transform_indices = #map1}]} {
    %mul3A = arith.constant 2 : i32
    %mul3A_0 = arith.muli %arg1, %mul3A : i32
    %add3A = arith.addi %mul3A_0, %arg0 : i32
    %mul3A_1 = arith.constant 2560 : i32
    %mul3A_2 = arith.muli %add3A, %mul3A_1 : i32
    %scan3A = arith.constant 0 : i32
    %scan3A_3 = arith.constant 0 : i32
    %scan3A_4 = arith.constant 20 : i32
    %scan3A_5 = arith.addi %scan3A_3, %scan3A_4 : i32
    %scan3A_6 = arith.constant 1 : i32
    %scan3A_7 = scf.for %scan3A_9 = %scan3A_3 to %scan3A_5 step %scan3A_6 iter_args(%scan3A_10 = %scan3A) -> (i32)  : i32 {
      %mul3A_11 = arith.constant 128 : i32
      %mul3A_12 = arith.muli %scan3A_9, %mul3A_11 : i32
      %add3A_13 = arith.addi %mul3A_2, %mul3A_12 : i32
      "tpu.region"() ({
        %run_scoped3A = tpu.sem_alloc : memref<!tpu.dma_semaphore, #tpu.memory_space<semaphore_mem>>
        %dma_start3A_19 = tpu.memref_slice %arg2[%add3A_13] : memref<81920xi32, #tpu.memory_space<hbm>> -> memref<128xi32, #tpu.memory_space<hbm>>
        %dma_start3A_20 = tpu.memref_slice %arg2[%add3A_13] : memref<81920xi32, #tpu.memory_space<hbm>> -> memref<128xi32, #tpu.memory_space<hbm>>
        tpu.enqueue_dma source(%dma_start3A_20 : memref<128xi32, #tpu.memory_space<hbm>>) target(%arg5 : memref<128xi32, #tpu.memory_space<vmem>>) target_semaphore(%run_scoped3A : memref<!tpu.dma_semaphore, #tpu.memory_space<semaphore_mem>>)
        %dma_wait3A_21 = tpu.memref_slice %arg2[%add3A_13] : memref<81920xi32, #tpu.memory_space<hbm>> -> memref<128xi32, #tpu.memory_space<hbm>>
        %dma_wait3A_22 = tpu.memref_slice %arg2[%add3A_13] : memref<81920xi32, #tpu.memory_space<hbm>> -> memref<128xi32, #tpu.memory_space<hbm>>
        tpu.wait_dma2 semaphore(%run_scoped3A : memref<!tpu.dma_semaphore, #tpu.memory_space<semaphore_mem>>) src(%dma_wait3A_22 : memref<128xi32, #tpu.memory_space<hbm>>) dst(%arg5 : memref<128xi32, #tpu.memory_space<vmem>>)
        tpu.yield
      }) : () -> ()
      %dma_start3A = arith.constant 0 : i32
      %dma_start3A_14 = arith.constant 0 : i32
      %dma_start3A_15 = tpu.memref_slice %arg3[%dma_start3A, %dma_start3A_14] : memref<4096x128xf32, #tpu.memory_space<hbm>> -> memref<4096x128xf32, #tpu.memory_space<hbm>>
      tpu.enqueue_indirect_dma source(%dma_start3A_15 : memref<4096x128xf32, #tpu.memory_space<hbm>>) target(%arg6 : memref<128x128xf32, #tpu.memory_space<vmem>>) offsets(%arg5 : memref<128xi32, #tpu.memory_space<vmem>>) semaphore(%arg7 : memref<!tpu.dma_semaphore, #tpu.memory_space<semaphore_mem>>)
      %dma_wait3A = arith.constant 0 : i32
      %dma_wait3A_16 = arith.constant 0 : i32
      %dma_wait3A_17 = tpu.memref_slice %arg3[%dma_wait3A, %dma_wait3A_16] : memref<4096x128xf32, #tpu.memory_space<hbm>> -> memref<4096x128xf32, #tpu.memory_space<hbm>>
      tpu.wait_indirect_dma semaphore(%arg7 : memref<!tpu.dma_semaphore, #tpu.memory_space<semaphore_mem>>) src(%dma_wait3A_17 : memref<4096x128xf32, #tpu.memory_space<hbm>>) dst(%arg6 : memref<128x128xf32, #tpu.memory_space<vmem>>)
      "tpu.region"() ({
        %run_scoped3A = tpu.sem_alloc : memref<!tpu.dma_semaphore, #tpu.memory_space<semaphore_mem>>
        %dma_start3A_19 = arith.constant 0 : i32
        %dma_start3A_20 = tpu.memref_slice %arg4[%add3A_13, %dma_start3A_19] : memref<81920x128xf32, #tpu.memory_space<hbm>> -> memref<128x128xf32, #tpu.memory_space<hbm>>
        %dma_start3A_21 = arith.constant 0 : i32
        %dma_start3A_22 = tpu.memref_slice %arg4[%add3A_13, %dma_start3A_21] : memref<81920x128xf32, #tpu.memory_space<hbm>> -> memref<128x128xf32, #tpu.memory_space<hbm>>
        tpu.enqueue_dma source(%arg6 : memref<128x128xf32, #tpu.memory_space<vmem>>) target(%dma_start3A_22 : memref<128x128xf32, #tpu.memory_space<hbm>>) target_semaphore(%run_scoped3A : memref<!tpu.dma_semaphore, #tpu.memory_space<semaphore_mem>>)
        %dma_wait3A_23 = arith.constant 0 : i32
        %dma_wait3A_24 = tpu.memref_slice %arg4[%add3A_13, %dma_wait3A_23] : memref<81920x128xf32, #tpu.memory_space<hbm>> -> memref<128x128xf32, #tpu.memory_space<hbm>>
        %dma_wait3A_25 = arith.constant 0 : i32
        %dma_wait3A_26 = tpu.memref_slice %arg4[%add3A_13, %dma_wait3A_25] : memref<81920x128xf32, #tpu.memory_space<hbm>> -> memref<128x128xf32, #tpu.memory_space<hbm>>
        tpu.wait_dma2 semaphore(%run_scoped3A : memref<!tpu.dma_semaphore, #tpu.memory_space<semaphore_mem>>) src(%arg6 : memref<128x128xf32, #tpu.memory_space<vmem>>) dst(%dma_wait3A_26 : memref<128x128xf32, #tpu.memory_space<hbm>>)
        tpu.yield
      }) : () -> ()
      %scan3A_18 = arith.constant 0 : i32
      scf.yield %scan3A_18 : i32
    }
    %scan3A_8 = arith.constant 20 : i32
    return
  }
}

module attributes {stable_mosaic.version = 14 : i64} {
  func.func @_first_body(%arg0: memref<4096x3xf32, #tpu.memory_space<vmem>>, %arg1: memref<4096x1xi32, #tpu.memory_space<vmem>>, %arg2: memref<1x4096xi32, #tpu.memory_space<vmem>>, %arg3: memref<8xi32, #tpu.memory_space<smem>>, %arg4: memref<3x64xf32, #tpu.memory_space<vmem>>, %arg5: memref<1x64xf32, #tpu.memory_space<vmem>>, %arg6: memref<128x128xf32, #tpu.memory_space<vmem>>, %arg7: memref<1x128xf32, #tpu.memory_space<vmem>>, %arg8: memref<4096x20xi32, #tpu.memory_space<vmem>>, %arg9: memref<4096x128xf32, #tpu.memory_space<vmem>>, %arg10: memref<4096x128xf32, #tpu.memory_space<vmem>>, %arg11: memref<4096x64xf32, #tpu.memory_space<vmem>>, %arg12: memref<64x4096xf32, #tpu.memory_space<vmem>>, %arg13: memref<1x4096xf32, #tpu.memory_space<vmem>>, %arg14: memref<512x1408xf32, #tpu.memory_space<vmem>>) attributes {dimension_semantics = [], scalar_prefetch = 0 : i64, scratch_operands = 4 : i64, tpu.core_type = #tpu.core_type<tc>} {
    %get3A = arith.constant 0 : index
    %get3A_0 = arith.constant 0 : index
    %get3A_1 = vector.load %arg0[%get3A, %get3A_0] : memref<4096x3xf32, #tpu.memory_space<vmem>>, vector<4096x3xf32>
    %get3A_2 = arith.constant 0 : index
    %get3A_3 = arith.constant 0 : index
    %get3A_4 = vector.load %arg4[%get3A_2, %get3A_3] : memref<3x64xf32, #tpu.memory_space<vmem>>, vector<3x64xf32>
    %dot_general3A = arith.constant dense<0.000000e+00> : vector<4096x64xf32>
    %dot_general3A_5 = tpu.matmul %get3A_1, %get3A_4, %dot_general3A {dimension_numbers = #tpu.dot_dimension_numbers<[1], [0], [0], [1], [0, 0, 1, 1], [], []>, transpose_lhs_hint = false} : vector<4096x3xf32>, vector<3x64xf32>, vector<4096x64xf32> -> vector<4096x64xf32>
    %get3A_6 = arith.constant 0 : index
    %get3A_7 = arith.constant 0 : index
    %get3A_8 = vector.load %arg5[%get3A_6, %get3A_7] : memref<1x64xf32, #tpu.memory_space<vmem>>, vector<1x64xf32>
    %add3A = vector.broadcast %get3A_8 : vector<1x64xf32> to vector<4096x64xf32>
    %add3A_9 = arith.addf %dot_general3A_5, %add3A : vector<4096x64xf32>
    %max3A = arith.constant 0.000000e+00 : f32
    %max3A_10 = vector.broadcast %max3A : f32 to vector<4096x64xf32>
    %max3A_11 = arith.maximumf %add3A_9, %max3A_10 : vector<4096x64xf32>
    %swap3A = arith.constant 0 : index
    %swap3A_12 = arith.constant 0 : index
    %swap3A_13 = vector.load %arg9[%swap3A, %swap3A_12] : memref<4096x128xf32, #tpu.memory_space<vmem>>, vector<4096x64xf32>
    tpu.vector_store %arg9[%swap3A, %swap3A_12], %max3A_11 {strides = array<i32>} : memref<4096x128xf32, #tpu.memory_space<vmem>>, vector<4096x64xf32>,
    %broadcast_in_dim3A = arith.constant 0.000000e+00 : f32
    %broadcast_in_dim3A_14 = vector.broadcast %broadcast_in_dim3A : f32 to vector<4096x64xf32>
    %swap3A_15 = arith.constant 0 : index
    %swap3A_16 = arith.constant 64 : index
    %swap3A_17 = vector.load %arg9[%swap3A_15, %swap3A_16] : memref<4096x128xf32, #tpu.memory_space<vmem>>, vector<4096x64xf32>
    tpu.vector_store %arg9[%swap3A_15, %swap3A_16], %broadcast_in_dim3A_14 {strides = array<i32>} : memref<4096x128xf32, #tpu.memory_space<vmem>>, vector<4096x64xf32>,
    %swap3A_18 = arith.constant 0 : index
    %swap3A_19 = arith.constant 0 : index
    %swap3A_20 = vector.load %arg11[%swap3A_18, %swap3A_19] : memref<4096x64xf32, #tpu.memory_space<vmem>>, vector<4096x64xf32>
    tpu.vector_store %arg11[%swap3A_18, %swap3A_19], %max3A_11 {strides = array<i32>} : memref<4096x64xf32, #tpu.memory_space<vmem>>, vector<4096x64xf32>,
    %transpose3A = tpu.transpose %max3A_11, [1, 0] : vector<4096x64xf32> -> vector<64x4096xf32>
    %swap3A_21 = arith.constant 0 : index
    %swap3A_22 = arith.constant 0 : index
    %swap3A_23 = vector.load %arg12[%swap3A_21, %swap3A_22] : memref<64x4096xf32, #tpu.memory_space<vmem>>, vector<64x4096xf32>
    tpu.vector_store %arg12[%swap3A_21, %swap3A_22], %transpose3A {strides = array<i32>} : memref<64x4096xf32, #tpu.memory_space<vmem>>, vector<64x4096xf32>,
    %get3A_24 = arith.constant 0 : index
    %get3A_25 = arith.constant 0 : index
    %get3A_26 = vector.load %arg6[%get3A_24, %get3A_25] : memref<128x128xf32, #tpu.memory_space<vmem>>, vector<64x128xf32>
    %dot_general3A_27 = arith.constant dense<0.000000e+00> : vector<4096x128xf32>
    %dot_general3A_28 = tpu.matmul %max3A_11, %get3A_26, %dot_general3A_27 {dimension_numbers = #tpu.dot_dimension_numbers<[1], [0], [0], [1], [0, 0, 1, 1], [], []>, transpose_lhs_hint = false} : vector<4096x64xf32>, vector<64x128xf32>, vector<4096x128xf32> -> vector<4096x128xf32>
    %get3A_29 = arith.constant 0 : index
    %get3A_30 = arith.constant 0 : index
    %get3A_31 = vector.load %arg7[%get3A_29, %get3A_30] : memref<1x128xf32, #tpu.memory_space<vmem>>, vector<1x128xf32>
    %add3A_32 = vector.broadcast %get3A_31 : vector<1x128xf32> to vector<4096x128xf32>
    %add3A_33 = arith.addf %dot_general3A_28, %add3A_32 : vector<4096x128xf32>
    %swap3A_34 = arith.constant 0 : index
    %swap3A_35 = arith.constant 0 : index
    %swap3A_36 = vector.load %arg10[%swap3A_34, %swap3A_35] : memref<4096x128xf32, #tpu.memory_space<vmem>>, vector<4096x128xf32>
    tpu.vector_store %arg10[%swap3A_34, %swap3A_35], %add3A_33 {strides = array<i32>} : memref<4096x128xf32, #tpu.memory_space<vmem>>, vector<4096x128xf32>,
    %get3A_37 = arith.constant 0 : index
    %get3A_38 = arith.constant 0 : index
    %get3A_39 = vector.load %arg12[%get3A_37, %get3A_38] : memref<64x4096xf32, #tpu.memory_space<vmem>>, vector<64x4096xf32>
    %mul3A = arith.mulf %get3A_39, %get3A_39 : vector<64x4096xf32>
    %reduce_sum3A = arith.constant dense<0.000000e+00> : vector<4096xf32>
    %reduce_sum3A_40 = vector.multi_reduction <add>, %mul3A, %reduce_sum3A [0] : vector<64x4096xf32> to vector<4096xf32>
    %broadcast_in_dim3A_41 = vector.shape_cast %reduce_sum3A_40 : vector<4096xf32> to vector<1x4096xf32>
    %swap3A_42 = arith.constant 0 : index
    %swap3A_43 = arith.constant 0 : index
    %swap3A_44 = vector.load %arg13[%swap3A_42, %swap3A_43] : memref<1x4096xf32, #tpu.memory_space<vmem>>, vector<1x4096xf32>
    tpu.vector_store %arg13[%swap3A_42, %swap3A_43], %broadcast_in_dim3A_41 {strides = array<i32>} : memref<1x4096xf32, #tpu.memory_space<vmem>>, vector<1x4096xf32>,
    %iota3A = tpu.iota {dimensions = array<i32: 1>} : vector<512x1408xi32>
    %iota3A_45 = tpu.iota {dimensions = array<i32: 1>} : vector<512x20xi32>
    %get3A_46 = arith.constant 0 : index
    %get3A_47 = memref.load %arg3[%get3A_46] : memref<8xi32, #tpu.memory_space<smem>>
    %multiple_of3A = tpu.assume_multiple %get3A_47, 128 : i32
    %get3A_48 = arith.constant 0 : index
    %get3A_49 = arith.index_cast %multiple_of3A : i32 to index
    %get3A_50 = vector.load %arg12[%get3A_48, %get3A_49] : memref<64x4096xf32, #tpu.memory_space<vmem>>, vector<64x1408xf32>
    %get3A_51 = arith.constant 0 : index
    %get3A_52 = arith.index_cast %multiple_of3A : i32 to index
    %get3A_53 = vector.load %arg13[%get3A_51, %get3A_52] : memref<1x4096xf32, #tpu.memory_space<vmem>>, vector<1x1408xf32>
    %get3A_54 = arith.constant 0 : index
    %get3A_55 = arith.index_cast %multiple_of3A : i32 to index
    %get3A_56 = vector.load %arg2[%get3A_54, %get3A_55] : memref<1x4096xi32, #tpu.memory_space<vmem>>, vector<1x1408xi32>
    %get3A_57 = arith.constant 4 : index
    %get3A_58 = memref.load %arg3[%get3A_57] : memref<8xi32, #tpu.memory_space<smem>>
    %while3A = arith.constant 0 : i32
    %while3A_59 = arith.constant 0 : i32
    %while3A_60 = arith.subi %get3A_58, %while3A : i32
    %while3A_61 = arith.addi %while3A, %while3A_60 : i32
    %while3A_62 = arith.constant 1 : i32
    %while3A_63 = arith.divsi %while3A_60, %while3A_62 : i32
    %while3A_64 = arith.muli %while3A_63, %while3A_62 : i32
    %while3A_65 = arith.addi %while3A, %while3A_64 : i32
    %while3A_66 = arith.constant 1 : i32
    %while3A_67 = scf.for %while3A_148 = %while3A to %while3A_65 step %while3A_66 iter_args(%while3A_149 = %while3A_59) -> (i32)  : i32 {
      %mul3A_150 = arith.constant 512 : i32
      %mul3A_151 = arith.muli %while3A_148, %mul3A_150 : i32
      %add3A_152 = arith.addi %multiple_of3A, %mul3A_151 : i32
      %min3A = arith.constant 3584 : i32
      %min3A_153 = arith.minsi %add3A_152, %min3A : i32
      %multiple_of3A_154 = tpu.assume_multiple %min3A_153, 128 : i32
      %get3A_155 = arith.index_cast %multiple_of3A_154 : i32 to index
      %get3A_156 = arith.constant 0 : index
      %get3A_157 = vector.load %arg11[%get3A_155, %get3A_156] : memref<4096x64xf32, #tpu.memory_space<vmem>>, vector<512x64xf32>
      %dot_general3A_158 = arith.constant dense<0.000000e+00> : vector<512x1408xf32>
      %dot_general3A_159 = tpu.matmul %get3A_157, %get3A_50, %dot_general3A_158 {dimension_numbers = #tpu.dot_dimension_numbers<[1], [0], [0], [1], [0, 0, 1, 1], [], []>, transpose_lhs_hint = false} : vector<512x64xf32>, vector<64x1408xf32>, vector<512x1408xf32> -> vector<512x1408xf32>
      %mul3A_160 = arith.mulf %get3A_157, %get3A_157 : vector<512x64xf32>
      %reduce_sum3A_161 = arith.constant dense<0.000000e+00> : vector<512xf32>
      %reduce_sum3A_162 = vector.multi_reduction <add>, %mul3A_160, %reduce_sum3A_161 [1] : vector<512x64xf32> to vector<512xf32>
      %broadcast_in_dim3A_163 = vector.shape_cast %reduce_sum3A_162 : vector<512xf32> to vector<512x1xf32>
      %add3A_164 = vector.broadcast %broadcast_in_dim3A_163 : vector<512x1xf32> to vector<512x1408xf32>
      %add3A_165 = vector.broadcast %get3A_53 : vector<1x1408xf32> to vector<512x1408xf32>
      %add3A_166 = arith.addf %add3A_164, %add3A_165 : vector<512x1408xf32>
      %mul3A_167 = arith.constant 2.000000e+00 : f32
      %mul3A_168 = vector.broadcast %mul3A_167 : f32 to vector<512x1408xf32>
      %mul3A_169 = arith.mulf %mul3A_168, %dot_general3A_159 : vector<512x1408xf32>
      %sub3A = arith.subf %add3A_166, %mul3A_169 : vector<512x1408xf32>
      %get3A_170 = arith.index_cast %multiple_of3A_154 : i32 to index
      %get3A_171 = arith.constant 0 : index
      %get3A_172 = vector.load %arg1[%get3A_170, %get3A_171] : memref<4096x1xi32, #tpu.memory_space<vmem>>, vector<512x1xi32>
      %ne3A = vector.broadcast %get3A_172 : vector<512x1xi32> to vector<512x1408xi32>
      %ne3A_173 = vector.broadcast %get3A_56 : vector<1x1408xi32> to vector<512x1408xi32>
      %ne3A_174 = arith.cmpi ne, %ne3A, %ne3A_173 : vector<512x1408xi32>
      %jit3A = arith.constant 1.000000e+10 : f32
      %broadcast_in_dim3A_175 = vector.broadcast %jit3A : f32 to vector<512x1408xf32>
      %select_n3A = arith.select %ne3A_174, %broadcast_in_dim3A_175, %sub3A : vector<512x1408xi1>, vector<512x1408xf32>
      %swap3A_176 = arith.constant 0 : index
      %swap3A_177 = arith.constant 0 : index
      %swap3A_178 = vector.load %arg14[%swap3A_176, %swap3A_177] : memref<512x1408xf32, #tpu.memory_space<vmem>>, vector<512x1408xf32>
      tpu.vector_store %arg14[%swap3A_176, %swap3A_177], %select_n3A {strides = array<i32>} : memref<512x1408xf32, #tpu.memory_space<vmem>>, vector<512x1408xf32>,
      %broadcast_in_dim3A_179 = arith.constant 0 : i32
      %broadcast_in_dim3A_180 = vector.broadcast %broadcast_in_dim3A_179 : i32 to vector<512x20xi32>
      %broadcast_in_dim3A_181 = arith.constant -1 : i32
      %broadcast_in_dim3A_182 = vector.broadcast %broadcast_in_dim3A_181 : i32 to vector<512x1xi32>
      %scan3A = arith.constant 0 : i32
      %scan3A_183 = arith.constant 20 : i32
      %scan3A_184 = arith.addi %scan3A, %scan3A_183 : i32
      %scan3A_185 = arith.constant 1 : i32
      %scan3A_186:2 = scf.for %scan3A_202 = %scan3A to %scan3A_184 step %scan3A_185 iter_args(%scan3A_203 = %broadcast_in_dim3A_180, %scan3A_204 = %broadcast_in_dim3A_182) -> (vector<512x20xi32>, vector<512x1xi32>)  : i32 {
        %eq3A_205 = vector.broadcast %scan3A_204 : vector<512x1xi32> to vector<512x1408xi32>
        %eq3A_206 = arith.cmpi eq, %iota3A, %eq3A_205 : vector<512x1408xi32>
        %get3A_207 = arith.constant 0 : index
        %get3A_208 = arith.constant 0 : index
        %get3A_209 = vector.load %arg14[%get3A_207, %get3A_208] : memref<512x1408xf32, #tpu.memory_space<vmem>>, vector<512x1408xf32>
        %jit3A_210 = arith.constant 0x7F800000 : f32
        %broadcast_in_dim3A_211 = vector.broadcast %jit3A_210 : f32 to vector<512x1408xf32>
        %select_n3A_212 = arith.select %eq3A_206, %broadcast_in_dim3A_211, %get3A_209 : vector<512x1408xi1>, vector<512x1408xf32>
        %swap3A_213 = arith.constant 0 : index
        %swap3A_214 = arith.constant 0 : index
        %swap3A_215 = vector.load %arg14[%swap3A_213, %swap3A_214] : memref<512x1408xf32, #tpu.memory_space<vmem>>, vector<512x1408xf32>
        tpu.vector_store %arg14[%swap3A_213, %swap3A_214], %select_n3A_212 {strides = array<i32>} : memref<512x1408xf32, #tpu.memory_space<vmem>>, vector<512x1408xf32>,
        %reduce_min3A = arith.constant dense<0x7F800000> : vector<512xf32>
        %reduce_min3A_216 = vector.multi_reduction <minimumf>, %select_n3A_212, %reduce_min3A [1] : vector<512x1408xf32> to vector<512xf32>
        %broadcast_in_dim3A_217 = vector.shape_cast %reduce_min3A_216 : vector<512xf32> to vector<512x1xf32>
        %eq3A_218 = vector.broadcast %broadcast_in_dim3A_217 : vector<512x1xf32> to vector<512x1408xf32>
        %eq3A_219 = arith.cmpf oeq, %select_n3A_212, %eq3A_218 : vector<512x1408xf32>
        %jit3A_220 = arith.constant 1073741824 : i32
        %broadcast_in_dim3A_221 = vector.broadcast %jit3A_220 : i32 to vector<512x1408xi32>
        %select_n3A_222 = arith.select %eq3A_219, %iota3A, %broadcast_in_dim3A_221 : vector<512x1408xi1>, vector<512x1408xi32>
        %reduce_min3A_223 = arith.constant dense<2147483647> : vector<512xi32>
        %reduce_min3A_224 = vector.multi_reduction <minsi>, %select_n3A_222, %reduce_min3A_223 [1] : vector<512x1408xi32> to vector<512xi32>
        %broadcast_in_dim3A_225 = vector.shape_cast %reduce_min3A_224 : vector<512xi32> to vector<512x1xi32>
        %eq3A_226 = vector.broadcast %scan3A_202 : i32 to vector<512x20xi32>
        %eq3A_227 = arith.cmpi eq, %iota3A_45, %eq3A_226 : vector<512x20xi32>
        %broadcast_in_dim3A_228 = vector.shape_cast %broadcast_in_dim3A_225 : vector<512x1xi32> to vector<512x1xi32>
        %broadcast_in_dim3A_229 = vector.broadcast %broadcast_in_dim3A_228 : vector<512x1xi32> to vector<512x20xi32>
        %select_n3A_230 = arith.select %eq3A_227, %broadcast_in_dim3A_229, %scan3A_203 : vector<512x20xi1>, vector<512x20xi32>
        scf.yield %select_n3A_230, %broadcast_in_dim3A_225 : vector<512x20xi32>, vector<512x1xi32>
      }
      %scan3A_187 = arith.constant 20 : i32
      %get3A_188 = arith.index_cast %multiple_of3A_154 : i32 to index
      %get3A_189 = arith.constant 0 : index
      %get3A_190 = vector.load %arg8[%get3A_188, %get3A_189] : memref<4096x20xi32, #tpu.memory_space<vmem>>, vector<512x20xi32>
      %eq3A = arith.constant 0 : i32
      %eq3A_191 = vector.broadcast %eq3A : i32 to vector<512x1xi32>
      %eq3A_192 = arith.cmpi eq, %get3A_172, %eq3A_191 : vector<512x1xi32>
      %add3A_193 = vector.broadcast %multiple_of3A : i32 to vector<512x20xi32>
      %add3A_194 = arith.addi %scan3A_186#0, %add3A_193 : vector<512x20xi32>
      %broadcast_in_dim3A_195 = vector.shape_cast %eq3A_192 : vector<512x1xi1> to vector<512x1xi1>
      %broadcast_in_dim3A_196 = vector.broadcast %broadcast_in_dim3A_195 : vector<512x1xi1> to vector<512x20xi1>
      %select_n3A_197 = arith.select %broadcast_in_dim3A_196, %add3A_194, %get3A_190 : vector<512x20xi1>, vector<512x20xi32>
      %swap3A_198 = arith.index_cast %multiple_of3A_154 : i32 to index
      %swap3A_199 = arith.constant 0 : index
      %swap3A_200 = vector.load %arg8[%swap3A_198, %swap3A_199] : memref<4096x20xi32, #tpu.memory_space<vmem>>, vector<512x20xi32>
      tpu.vector_store %arg8[%swap3A_198, %swap3A_199], %select_n3A_197 {strides = array<i32>} : memref<4096x20xi32, #tpu.memory_space<vmem>>, vector<512x20xi32>,
      %while3A_201 = arith.constant 0 : i32
      scf.yield %while3A_201 : i32
    }
    %while3A_68 = arith.constant 1 : i32
    %while3A_69 = scf.for %while3A_148 = %while3A_65 to %while3A_61 step %while3A_68 iter_args(%while3A_149 = %while3A_67) -> (i32)  : i32 {
      %mul3A_150 = arith.constant 512 : i32
      %mul3A_151 = arith.muli %while3A_148, %mul3A_150 : i32
      %add3A_152 = arith.addi %multiple_of3A, %mul3A_151 : i32
      %min3A = arith.constant 3584 : i32
      %min3A_153 = arith.minsi %add3A_152, %min3A : i32
      %multiple_of3A_154 = tpu.assume_multiple %min3A_153, 128 : i32
      %get3A_155 = arith.index_cast %multiple_of3A_154 : i32 to index
      %get3A_156 = arith.constant 0 : index
      %get3A_157 = vector.load %arg11[%get3A_155, %get3A_156] : memref<4096x64xf32, #tpu.memory_space<vmem>>, vector<512x64xf32>
      %dot_general3A_158 = arith.constant dense<0.000000e+00> : vector<512x1408xf32>
      %dot_general3A_159 = tpu.matmul %get3A_157, %get3A_50, %dot_general3A_158 {dimension_numbers = #tpu.dot_dimension_numbers<[1], [0], [0], [1], [0, 0, 1, 1], [], []>, transpose_lhs_hint = false} : vector<512x64xf32>, vector<64x1408xf32>, vector<512x1408xf32> -> vector<512x1408xf32>
      %mul3A_160 = arith.mulf %get3A_157, %get3A_157 : vector<512x64xf32>
      %reduce_sum3A_161 = arith.constant dense<0.000000e+00> : vector<512xf32>
      %reduce_sum3A_162 = vector.multi_reduction <add>, %mul3A_160, %reduce_sum3A_161 [1] : vector<512x64xf32> to vector<512xf32>
      %broadcast_in_dim3A_163 = vector.shape_cast %reduce_sum3A_162 : vector<512xf32> to vector<512x1xf32>
      %add3A_164 = vector.broadcast %broadcast_in_dim3A_163 : vector<512x1xf32> to vector<512x1408xf32>
      %add3A_165 = vector.broadcast %get3A_53 : vector<1x1408xf32> to vector<512x1408xf32>
      %add3A_166 = arith.addf %add3A_164, %add3A_165 : vector<512x1408xf32>
      %mul3A_167 = arith.constant 2.000000e+00 : f32
      %mul3A_168 = vector.broadcast %mul3A_167 : f32 to vector<512x1408xf32>
      %mul3A_169 = arith.mulf %mul3A_168, %dot_general3A_159 : vector<512x1408xf32>
      %sub3A = arith.subf %add3A_166, %mul3A_169 : vector<512x1408xf32>
      %get3A_170 = arith.index_cast %multiple_of3A_154 : i32 to index
      %get3A_171 = arith.constant 0 : index
      %get3A_172 = vector.load %arg1[%get3A_170, %get3A_171] : memref<4096x1xi32, #tpu.memory_space<vmem>>, vector<512x1xi32>
      %ne3A = vector.broadcast %get3A_172 : vector<512x1xi32> to vector<512x1408xi32>
      %ne3A_173 = vector.broadcast %get3A_56 : vector<1x1408xi32> to vector<512x1408xi32>
      %ne3A_174 = arith.cmpi ne, %ne3A, %ne3A_173 : vector<512x1408xi32>
      %jit3A = arith.constant 1.000000e+10 : f32
      %broadcast_in_dim3A_175 = vector.broadcast %jit3A : f32 to vector<512x1408xf32>
      %select_n3A = arith.select %ne3A_174, %broadcast_in_dim3A_175, %sub3A : vector<512x1408xi1>, vector<512x1408xf32>
      %swap3A_176 = arith.constant 0 : index
      %swap3A_177 = arith.constant 0 : index
      %swap3A_178 = vector.load %arg14[%swap3A_176, %swap3A_177] : memref<512x1408xf32, #tpu.memory_space<vmem>>, vector<512x1408xf32>
      tpu.vector_store %arg14[%swap3A_176, %swap3A_177], %select_n3A {strides = array<i32>} : memref<512x1408xf32, #tpu.memory_space<vmem>>, vector<512x1408xf32>,
      %broadcast_in_dim3A_179 = arith.constant 0 : i32
      %broadcast_in_dim3A_180 = vector.broadcast %broadcast_in_dim3A_179 : i32 to vector<512x20xi32>
      %broadcast_in_dim3A_181 = arith.constant -1 : i32
      %broadcast_in_dim3A_182 = vector.broadcast %broadcast_in_dim3A_181 : i32 to vector<512x1xi32>
      %scan3A = arith.constant 0 : i32
      %scan3A_183 = arith.constant 20 : i32
      %scan3A_184 = arith.addi %scan3A, %scan3A_183 : i32
      %scan3A_185 = arith.constant 1 : i32
      %scan3A_186:2 = scf.for %scan3A_202 = %scan3A to %scan3A_184 step %scan3A_185 iter_args(%scan3A_203 = %broadcast_in_dim3A_180, %scan3A_204 = %broadcast_in_dim3A_182) -> (vector<512x20xi32>, vector<512x1xi32>)  : i32 {
        %eq3A_205 = vector.broadcast %scan3A_204 : vector<512x1xi32> to vector<512x1408xi32>
        %eq3A_206 = arith.cmpi eq, %iota3A, %eq3A_205 : vector<512x1408xi32>
        %get3A_207 = arith.constant 0 : index
        %get3A_208 = arith.constant 0 : index
        %get3A_209 = vector.load %arg14[%get3A_207, %get3A_208] : memref<512x1408xf32, #tpu.memory_space<vmem>>, vector<512x1408xf32>
        %jit3A_210 = arith.constant 0x7F800000 : f32
        %broadcast_in_dim3A_211 = vector.broadcast %jit3A_210 : f32 to vector<512x1408xf32>
        %select_n3A_212 = arith.select %eq3A_206, %broadcast_in_dim3A_211, %get3A_209 : vector<512x1408xi1>, vector<512x1408xf32>
        %swap3A_213 = arith.constant 0 : index
        %swap3A_214 = arith.constant 0 : index
        %swap3A_215 = vector.load %arg14[%swap3A_213, %swap3A_214] : memref<512x1408xf32, #tpu.memory_space<vmem>>, vector<512x1408xf32>
        tpu.vector_store %arg14[%swap3A_213, %swap3A_214], %select_n3A_212 {strides = array<i32>} : memref<512x1408xf32, #tpu.memory_space<vmem>>, vector<512x1408xf32>,
        %reduce_min3A = arith.constant dense<0x7F800000> : vector<512xf32>
        %reduce_min3A_216 = vector.multi_reduction <minimumf>, %select_n3A_212, %reduce_min3A [1] : vector<512x1408xf32> to vector<512xf32>
        %broadcast_in_dim3A_217 = vector.shape_cast %reduce_min3A_216 : vector<512xf32> to vector<512x1xf32>
        %eq3A_218 = vector.broadcast %broadcast_in_dim3A_217 : vector<512x1xf32> to vector<512x1408xf32>
        %eq3A_219 = arith.cmpf oeq, %select_n3A_212, %eq3A_218 : vector<512x1408xf32>
        %jit3A_220 = arith.constant 1073741824 : i32
        %broadcast_in_dim3A_221 = vector.broadcast %jit3A_220 : i32 to vector<512x1408xi32>
        %select_n3A_222 = arith.select %eq3A_219, %iota3A, %broadcast_in_dim3A_221 : vector<512x1408xi1>, vector<512x1408xi32>
        %reduce_min3A_223 = arith.constant dense<2147483647> : vector<512xi32>
        %reduce_min3A_224 = vector.multi_reduction <minsi>, %select_n3A_222, %reduce_min3A_223 [1] : vector<512x1408xi32> to vector<512xi32>
        %broadcast_in_dim3A_225 = vector.shape_cast %reduce_min3A_224 : vector<512xi32> to vector<512x1xi32>
        %eq3A_226 = vector.broadcast %scan3A_202 : i32 to vector<512x20xi32>
        %eq3A_227 = arith.cmpi eq, %iota3A_45, %eq3A_226 : vector<512x20xi32>
        %broadcast_in_dim3A_228 = vector.shape_cast %broadcast_in_dim3A_225 : vector<512x1xi32> to vector<512x1xi32>
        %broadcast_in_dim3A_229 = vector.broadcast %broadcast_in_dim3A_228 : vector<512x1xi32> to vector<512x20xi32>
        %select_n3A_230 = arith.select %eq3A_227, %broadcast_in_dim3A_229, %scan3A_203 : vector<512x20xi1>, vector<512x20xi32>
        scf.yield %select_n3A_230, %broadcast_in_dim3A_225 : vector<512x20xi32>, vector<512x1xi32>
      }
      %scan3A_187 = arith.constant 20 : i32
      %get3A_188 = arith.index_cast %multiple_of3A_154 : i32 to index
      %get3A_189 = arith.constant 0 : index
      %get3A_190 = vector.load %arg8[%get3A_188, %get3A_189] : memref<4096x20xi32, #tpu.memory_space<vmem>>, vector<512x20xi32>
      %eq3A = arith.constant 0 : i32
      %eq3A_191 = vector.broadcast %eq3A : i32 to vector<512x1xi32>
      %eq3A_192 = arith.cmpi eq, %get3A_172, %eq3A_191 : vector<512x1xi32>
      %add3A_193 = vector.broadcast %multiple_of3A : i32 to vector<512x20xi32>
      %add3A_194 = arith.addi %scan3A_186#0, %add3A_193 : vector<512x20xi32>
      %broadcast_in_dim3A_195 = vector.shape_cast %eq3A_192 : vector<512x1xi1> to vector<512x1xi1>
      %broadcast_in_dim3A_196 = vector.broadcast %broadcast_in_dim3A_195 : vector<512x1xi1> to vector<512x20xi1>
      %select_n3A_197 = arith.select %broadcast_in_dim3A_196, %add3A_194, %get3A_190 : vector<512x20xi1>, vector<512x20xi32>
      %swap3A_198 = arith.index_cast %multiple_of3A_154 : i32 to index
      %swap3A_199 = arith.constant 0 : index
      %swap3A_200 = vector.load %arg8[%swap3A_198, %swap3A_199] : memref<4096x20xi32, #tpu.memory_space<vmem>>, vector<512x20xi32>
      tpu.vector_store %arg8[%swap3A_198, %swap3A_199], %select_n3A_197 {strides = array<i32>} : memref<4096x20xi32, #tpu.memory_space<vmem>>, vector<512x20xi32>,
      %while3A_201 = arith.constant 0 : i32
      scf.yield %while3A_201 : i32
    }
    %get3A_70 = arith.constant 1 : index
    %get3A_71 = memref.load %arg3[%get3A_70] : memref<8xi32, #tpu.memory_space<smem>>
    %multiple_of3A_72 = tpu.assume_multiple %get3A_71, 128 : i32
    %get3A_73 = arith.constant 0 : index
    %get3A_74 = arith.index_cast %multiple_of3A_72 : i32 to index
    %get3A_75 = vector.load %arg12[%get3A_73, %get3A_74] : memref<64x4096xf32, #tpu.memory_space<vmem>>, vector<64x1408xf32>
    %get3A_76 = arith.constant 0 : index
    %get3A_77 = arith.index_cast %multiple_of3A_72 : i32 to index
    %get3A_78 = vector.load %arg13[%get3A_76, %get3A_77] : memref<1x4096xf32, #tpu.memory_space<vmem>>, vector<1x1408xf32>
    %get3A_79 = arith.constant 0 : index
    %get3A_80 = arith.index_cast %multiple_of3A_72 : i32 to index
    %get3A_81 = vector.load %arg2[%get3A_79, %get3A_80] : memref<1x4096xi32, #tpu.memory_space<vmem>>, vector<1x1408xi32>
    %get3A_82 = arith.constant 5 : index
    %get3A_83 = memref.load %arg3[%get3A_82] : memref<8xi32, #tpu.memory_space<smem>>
    %while3A_84 = arith.constant 0 : i32
    %while3A_85 = arith.constant 0 : i32
    %while3A_86 = arith.subi %get3A_83, %while3A_84 : i32
    %while3A_87 = arith.addi %while3A_84, %while3A_86 : i32
    %while3A_88 = arith.constant 1 : i32
    %while3A_89 = arith.divsi %while3A_86, %while3A_88 : i32
    %while3A_90 = arith.muli %while3A_89, %while3A_88 : i32
    %while3A_91 = arith.addi %while3A_84, %while3A_90 : i32
    %while3A_92 = arith.constant 1 : i32
    %while3A_93 = scf.for %while3A_148 = %while3A_84 to %while3A_91 step %while3A_92 iter_args(%while3A_149 = %while3A_85) -> (i32)  : i32 {
      %mul3A_150 = arith.constant 512 : i32
      %mul3A_151 = arith.muli %while3A_148, %mul3A_150 : i32
      %add3A_152 = arith.addi %multiple_of3A_72, %mul3A_151 : i32
      %min3A = arith.constant 3584 : i32
      %min3A_153 = arith.minsi %add3A_152, %min3A : i32
      %multiple_of3A_154 = tpu.assume_multiple %min3A_153, 128 : i32
      %get3A_155 = arith.index_cast %multiple_of3A_154 : i32 to index
      %get3A_156 = arith.constant 0 : index
      %get3A_157 = vector.load %arg11[%get3A_155, %get3A_156] : memref<4096x64xf32, #tpu.memory_space<vmem>>, vector<512x64xf32>
      %dot_general3A_158 = arith.constant dense<0.000000e+00> : vector<512x1408xf32>
      %dot_general3A_159 = tpu.matmul %get3A_157, %get3A_75, %dot_general3A_158 {dimension_numbers = #tpu.dot_dimension_numbers<[1], [0], [0], [1], [0, 0, 1, 1], [], []>, transpose_lhs_hint = false} : vector<512x64xf32>, vector<64x1408xf32>, vector<512x1408xf32> -> vector<512x1408xf32>
      %mul3A_160 = arith.mulf %get3A_157, %get3A_157 : vector<512x64xf32>
      %reduce_sum3A_161 = arith.constant dense<0.000000e+00> : vector<512xf32>
      %reduce_sum3A_162 = vector.multi_reduction <add>, %mul3A_160, %reduce_sum3A_161 [1] : vector<512x64xf32> to vector<512xf32>
      %broadcast_in_dim3A_163 = vector.shape_cast %reduce_sum3A_162 : vector<512xf32> to vector<512x1xf32>
      %add3A_164 = vector.broadcast %broadcast_in_dim3A_163 : vector<512x1xf32> to vector<512x1408xf32>
      %add3A_165 = vector.broadcast %get3A_78 : vector<1x1408xf32> to vector<512x1408xf32>
      %add3A_166 = arith.addf %add3A_164, %add3A_165 : vector<512x1408xf32>
      %mul3A_167 = arith.constant 2.000000e+00 : f32
      %mul3A_168 = vector.broadcast %mul3A_167 : f32 to vector<512x1408xf32>
      %mul3A_169 = arith.mulf %mul3A_168, %dot_general3A_159 : vector<512x1408xf32>
      %sub3A = arith.subf %add3A_166, %mul3A_169 : vector<512x1408xf32>
      %get3A_170 = arith.index_cast %multiple_of3A_154 : i32 to index
      %get3A_171 = arith.constant 0 : index
      %get3A_172 = vector.load %arg1[%get3A_170, %get3A_171] : memref<4096x1xi32, #tpu.memory_space<vmem>>, vector<512x1xi32>
      %ne3A = vector.broadcast %get3A_172 : vector<512x1xi32> to vector<512x1408xi32>
      %ne3A_173 = vector.broadcast %get3A_81 : vector<1x1408xi32> to vector<512x1408xi32>
      %ne3A_174 = arith.cmpi ne, %ne3A, %ne3A_173 : vector<512x1408xi32>
      %jit3A = arith.constant 1.000000e+10 : f32
      %broadcast_in_dim3A_175 = vector.broadcast %jit3A : f32 to vector<512x1408xf32>
      %select_n3A = arith.select %ne3A_174, %broadcast_in_dim3A_175, %sub3A : vector<512x1408xi1>, vector<512x1408xf32>
      %swap3A_176 = arith.constant 0 : index
      %swap3A_177 = arith.constant 0 : index
      %swap3A_178 = vector.load %arg14[%swap3A_176, %swap3A_177] : memref<512x1408xf32, #tpu.memory_space<vmem>>, vector<512x1408xf32>
      tpu.vector_store %arg14[%swap3A_176, %swap3A_177], %select_n3A {strides = array<i32>} : memref<512x1408xf32, #tpu.memory_space<vmem>>, vector<512x1408xf32>,
      %broadcast_in_dim3A_179 = arith.constant 0 : i32
      %broadcast_in_dim3A_180 = vector.broadcast %broadcast_in_dim3A_179 : i32 to vector<512x20xi32>
      %broadcast_in_dim3A_181 = arith.constant -1 : i32
      %broadcast_in_dim3A_182 = vector.broadcast %broadcast_in_dim3A_181 : i32 to vector<512x1xi32>
      %scan3A = arith.constant 0 : i32
      %scan3A_183 = arith.constant 20 : i32
      %scan3A_184 = arith.addi %scan3A, %scan3A_183 : i32
      %scan3A_185 = arith.constant 1 : i32
      %scan3A_186:2 = scf.for %scan3A_202 = %scan3A to %scan3A_184 step %scan3A_185 iter_args(%scan3A_203 = %broadcast_in_dim3A_180, %scan3A_204 = %broadcast_in_dim3A_182) -> (vector<512x20xi32>, vector<512x1xi32>)  : i32 {
        %eq3A_205 = vector.broadcast %scan3A_204 : vector<512x1xi32> to vector<512x1408xi32>
        %eq3A_206 = arith.cmpi eq, %iota3A, %eq3A_205 : vector<512x1408xi32>
        %get3A_207 = arith.constant 0 : index
        %get3A_208 = arith.constant 0 : index
        %get3A_209 = vector.load %arg14[%get3A_207, %get3A_208] : memref<512x1408xf32, #tpu.memory_space<vmem>>, vector<512x1408xf32>
        %jit3A_210 = arith.constant 0x7F800000 : f32
        %broadcast_in_dim3A_211 = vector.broadcast %jit3A_210 : f32 to vector<512x1408xf32>
        %select_n3A_212 = arith.select %eq3A_206, %broadcast_in_dim3A_211, %get3A_209 : vector<512x1408xi1>, vector<512x1408xf32>
        %swap3A_213 = arith.constant 0 : index
        %swap3A_214 = arith.constant 0 : index
        %swap3A_215 = vector.load %arg14[%swap3A_213, %swap3A_214] : memref<512x1408xf32, #tpu.memory_space<vmem>>, vector<512x1408xf32>
        tpu.vector_store %arg14[%swap3A_213, %swap3A_214], %select_n3A_212 {strides = array<i32>} : memref<512x1408xf32, #tpu.memory_space<vmem>>, vector<512x1408xf32>,
        %reduce_min3A = arith.constant dense<0x7F800000> : vector<512xf32>
        %reduce_min3A_216 = vector.multi_reduction <minimumf>, %select_n3A_212, %reduce_min3A [1] : vector<512x1408xf32> to vector<512xf32>
        %broadcast_in_dim3A_217 = vector.shape_cast %reduce_min3A_216 : vector<512xf32> to vector<512x1xf32>
        %eq3A_218 = vector.broadcast %broadcast_in_dim3A_217 : vector<512x1xf32> to vector<512x1408xf32>
        %eq3A_219 = arith.cmpf oeq, %select_n3A_212, %eq3A_218 : vector<512x1408xf32>
        %jit3A_220 = arith.constant 1073741824 : i32
        %broadcast_in_dim3A_221 = vector.broadcast %jit3A_220 : i32 to vector<512x1408xi32>
        %select_n3A_222 = arith.select %eq3A_219, %iota3A, %broadcast_in_dim3A_221 : vector<512x1408xi1>, vector<512x1408xi32>
        %reduce_min3A_223 = arith.constant dense<2147483647> : vector<512xi32>
        %reduce_min3A_224 = vector.multi_reduction <minsi>, %select_n3A_222, %reduce_min3A_223 [1] : vector<512x1408xi32> to vector<512xi32>
        %broadcast_in_dim3A_225 = vector.shape_cast %reduce_min3A_224 : vector<512xi32> to vector<512x1xi32>
        %eq3A_226 = vector.broadcast %scan3A_202 : i32 to vector<512x20xi32>
        %eq3A_227 = arith.cmpi eq, %iota3A_45, %eq3A_226 : vector<512x20xi32>
        %broadcast_in_dim3A_228 = vector.shape_cast %broadcast_in_dim3A_225 : vector<512x1xi32> to vector<512x1xi32>
        %broadcast_in_dim3A_229 = vector.broadcast %broadcast_in_dim3A_228 : vector<512x1xi32> to vector<512x20xi32>
        %select_n3A_230 = arith.select %eq3A_227, %broadcast_in_dim3A_229, %scan3A_203 : vector<512x20xi1>, vector<512x20xi32>
        scf.yield %select_n3A_230, %broadcast_in_dim3A_225 : vector<512x20xi32>, vector<512x1xi32>
      }
      %scan3A_187 = arith.constant 20 : i32
      %get3A_188 = arith.index_cast %multiple_of3A_154 : i32 to index
      %get3A_189 = arith.constant 0 : index
      %get3A_190 = vector.load %arg8[%get3A_188, %get3A_189] : memref<4096x20xi32, #tpu.memory_space<vmem>>, vector<512x20xi32>
      %eq3A = arith.constant 1 : i32
      %eq3A_191 = vector.broadcast %eq3A : i32 to vector<512x1xi32>
      %eq3A_192 = arith.cmpi eq, %get3A_172, %eq3A_191 : vector<512x1xi32>
      %add3A_193 = vector.broadcast %multiple_of3A_72 : i32 to vector<512x20xi32>
      %add3A_194 = arith.addi %scan3A_186#0, %add3A_193 : vector<512x20xi32>
      %broadcast_in_dim3A_195 = vector.shape_cast %eq3A_192 : vector<512x1xi1> to vector<512x1xi1>
      %broadcast_in_dim3A_196 = vector.broadcast %broadcast_in_dim3A_195 : vector<512x1xi1> to vector<512x20xi1>
      %select_n3A_197 = arith.select %broadcast_in_dim3A_196, %add3A_194, %get3A_190 : vector<512x20xi1>, vector<512x20xi32>
      %swap3A_198 = arith.index_cast %multiple_of3A_154 : i32 to index
      %swap3A_199 = arith.constant 0 : index
      %swap3A_200 = vector.load %arg8[%swap3A_198, %swap3A_199] : memref<4096x20xi32, #tpu.memory_space<vmem>>, vector<512x20xi32>
      tpu.vector_store %arg8[%swap3A_198, %swap3A_199], %select_n3A_197 {strides = array<i32>} : memref<4096x20xi32, #tpu.memory_space<vmem>>, vector<512x20xi32>,
      %while3A_201 = arith.constant 0 : i32
      scf.yield %while3A_201 : i32
    }
    %while3A_94 = arith.constant 1 : i32
    %while3A_95 = scf.for %while3A_148 = %while3A_91 to %while3A_87 step %while3A_94 iter_args(%while3A_149 = %while3A_93) -> (i32)  : i32 {
      %mul3A_150 = arith.constant 512 : i32
      %mul3A_151 = arith.muli %while3A_148, %mul3A_150 : i32
      %add3A_152 = arith.addi %multiple_of3A_72, %mul3A_151 : i32
      %min3A = arith.constant 3584 : i32
      %min3A_153 = arith.minsi %add3A_152, %min3A : i32
      %multiple_of3A_154 = tpu.assume_multiple %min3A_153, 128 : i32
      %get3A_155 = arith.index_cast %multiple_of3A_154 : i32 to index
      %get3A_156 = arith.constant 0 : index
      %get3A_157 = vector.load %arg11[%get3A_155, %get3A_156] : memref<4096x64xf32, #tpu.memory_space<vmem>>, vector<512x64xf32>
      %dot_general3A_158 = arith.constant dense<0.000000e+00> : vector<512x1408xf32>
      %dot_general3A_159 = tpu.matmul %get3A_157, %get3A_75, %dot_general3A_158 {dimension_numbers = #tpu.dot_dimension_numbers<[1], [0], [0], [1], [0, 0, 1, 1], [], []>, transpose_lhs_hint = false} : vector<512x64xf32>, vector<64x1408xf32>, vector<512x1408xf32> -> vector<512x1408xf32>
      %mul3A_160 = arith.mulf %get3A_157, %get3A_157 : vector<512x64xf32>
      %reduce_sum3A_161 = arith.constant dense<0.000000e+00> : vector<512xf32>
      %reduce_sum3A_162 = vector.multi_reduction <add>, %mul3A_160, %reduce_sum3A_161 [1] : vector<512x64xf32> to vector<512xf32>
      %broadcast_in_dim3A_163 = vector.shape_cast %reduce_sum3A_162 : vector<512xf32> to vector<512x1xf32>
      %add3A_164 = vector.broadcast %broadcast_in_dim3A_163 : vector<512x1xf32> to vector<512x1408xf32>
      %add3A_165 = vector.broadcast %get3A_78 : vector<1x1408xf32> to vector<512x1408xf32>
      %add3A_166 = arith.addf %add3A_164, %add3A_165 : vector<512x1408xf32>
      %mul3A_167 = arith.constant 2.000000e+00 : f32
      %mul3A_168 = vector.broadcast %mul3A_167 : f32 to vector<512x1408xf32>
      %mul3A_169 = arith.mulf %mul3A_168, %dot_general3A_159 : vector<512x1408xf32>
      %sub3A = arith.subf %add3A_166, %mul3A_169 : vector<512x1408xf32>
      %get3A_170 = arith.index_cast %multiple_of3A_154 : i32 to index
      %get3A_171 = arith.constant 0 : index
      %get3A_172 = vector.load %arg1[%get3A_170, %get3A_171] : memref<4096x1xi32, #tpu.memory_space<vmem>>, vector<512x1xi32>
      %ne3A = vector.broadcast %get3A_172 : vector<512x1xi32> to vector<512x1408xi32>
      %ne3A_173 = vector.broadcast %get3A_81 : vector<1x1408xi32> to vector<512x1408xi32>
      %ne3A_174 = arith.cmpi ne, %ne3A, %ne3A_173 : vector<512x1408xi32>
      %jit3A = arith.constant 1.000000e+10 : f32
      %broadcast_in_dim3A_175 = vector.broadcast %jit3A : f32 to vector<512x1408xf32>
      %select_n3A = arith.select %ne3A_174, %broadcast_in_dim3A_175, %sub3A : vector<512x1408xi1>, vector<512x1408xf32>
      %swap3A_176 = arith.constant 0 : index
      %swap3A_177 = arith.constant 0 : index
      %swap3A_178 = vector.load %arg14[%swap3A_176, %swap3A_177] : memref<512x1408xf32, #tpu.memory_space<vmem>>, vector<512x1408xf32>
      tpu.vector_store %arg14[%swap3A_176, %swap3A_177], %select_n3A {strides = array<i32>} : memref<512x1408xf32, #tpu.memory_space<vmem>>, vector<512x1408xf32>,
      %broadcast_in_dim3A_179 = arith.constant 0 : i32
      %broadcast_in_dim3A_180 = vector.broadcast %broadcast_in_dim3A_179 : i32 to vector<512x20xi32>
      %broadcast_in_dim3A_181 = arith.constant -1 : i32
      %broadcast_in_dim3A_182 = vector.broadcast %broadcast_in_dim3A_181 : i32 to vector<512x1xi32>
      %scan3A = arith.constant 0 : i32
      %scan3A_183 = arith.constant 20 : i32
      %scan3A_184 = arith.addi %scan3A, %scan3A_183 : i32
      %scan3A_185 = arith.constant 1 : i32
      %scan3A_186:2 = scf.for %scan3A_202 = %scan3A to %scan3A_184 step %scan3A_185 iter_args(%scan3A_203 = %broadcast_in_dim3A_180, %scan3A_204 = %broadcast_in_dim3A_182) -> (vector<512x20xi32>, vector<512x1xi32>)  : i32 {
        %eq3A_205 = vector.broadcast %scan3A_204 : vector<512x1xi32> to vector<512x1408xi32>
        %eq3A_206 = arith.cmpi eq, %iota3A, %eq3A_205 : vector<512x1408xi32>
        %get3A_207 = arith.constant 0 : index
        %get3A_208 = arith.constant 0 : index
        %get3A_209 = vector.load %arg14[%get3A_207, %get3A_208] : memref<512x1408xf32, #tpu.memory_space<vmem>>, vector<512x1408xf32>
        %jit3A_210 = arith.constant 0x7F800000 : f32
        %broadcast_in_dim3A_211 = vector.broadcast %jit3A_210 : f32 to vector<512x1408xf32>
        %select_n3A_212 = arith.select %eq3A_206, %broadcast_in_dim3A_211, %get3A_209 : vector<512x1408xi1>, vector<512x1408xf32>
        %swap3A_213 = arith.constant 0 : index
        %swap3A_214 = arith.constant 0 : index
        %swap3A_215 = vector.load %arg14[%swap3A_213, %swap3A_214] : memref<512x1408xf32, #tpu.memory_space<vmem>>, vector<512x1408xf32>
        tpu.vector_store %arg14[%swap3A_213, %swap3A_214], %select_n3A_212 {strides = array<i32>} : memref<512x1408xf32, #tpu.memory_space<vmem>>, vector<512x1408xf32>,
        %reduce_min3A = arith.constant dense<0x7F800000> : vector<512xf32>
        %reduce_min3A_216 = vector.multi_reduction <minimumf>, %select_n3A_212, %reduce_min3A [1] : vector<512x1408xf32> to vector<512xf32>
        %broadcast_in_dim3A_217 = vector.shape_cast %reduce_min3A_216 : vector<512xf32> to vector<512x1xf32>
        %eq3A_218 = vector.broadcast %broadcast_in_dim3A_217 : vector<512x1xf32> to vector<512x1408xf32>
        %eq3A_219 = arith.cmpf oeq, %select_n3A_212, %eq3A_218 : vector<512x1408xf32>
        %jit3A_220 = arith.constant 1073741824 : i32
        %broadcast_in_dim3A_221 = vector.broadcast %jit3A_220 : i32 to vector<512x1408xi32>
        %select_n3A_222 = arith.select %eq3A_219, %iota3A, %broadcast_in_dim3A_221 : vector<512x1408xi1>, vector<512x1408xi32>
        %reduce_min3A_223 = arith.constant dense<2147483647> : vector<512xi32>
        %reduce_min3A_224 = vector.multi_reduction <minsi>, %select_n3A_222, %reduce_min3A_223 [1] : vector<512x1408xi32> to vector<512xi32>
        %broadcast_in_dim3A_225 = vector.shape_cast %reduce_min3A_224 : vector<512xi32> to vector<512x1xi32>
        %eq3A_226 = vector.broadcast %scan3A_202 : i32 to vector<512x20xi32>
        %eq3A_227 = arith.cmpi eq, %iota3A_45, %eq3A_226 : vector<512x20xi32>
        %broadcast_in_dim3A_228 = vector.shape_cast %broadcast_in_dim3A_225 : vector<512x1xi32> to vector<512x1xi32>
        %broadcast_in_dim3A_229 = vector.broadcast %broadcast_in_dim3A_228 : vector<512x1xi32> to vector<512x20xi32>
        %select_n3A_230 = arith.select %eq3A_227, %broadcast_in_dim3A_229, %scan3A_203 : vector<512x20xi1>, vector<512x20xi32>
        scf.yield %select_n3A_230, %broadcast_in_dim3A_225 : vector<512x20xi32>, vector<512x1xi32>
      }
      %scan3A_187 = arith.constant 20 : i32
      %get3A_188 = arith.index_cast %multiple_of3A_154 : i32 to index
      %get3A_189 = arith.constant 0 : index
      %get3A_190 = vector.load %arg8[%get3A_188, %get3A_189] : memref<4096x20xi32, #tpu.memory_space<vmem>>, vector<512x20xi32>
      %eq3A = arith.constant 1 : i32
      %eq3A_191 = vector.broadcast %eq3A : i32 to vector<512x1xi32>
      %eq3A_192 = arith.cmpi eq, %get3A_172, %eq3A_191 : vector<512x1xi32>
      %add3A_193 = vector.broadcast %multiple_of3A_72 : i32 to vector<512x20xi32>
      %add3A_194 = arith.addi %scan3A_186#0, %add3A_193 : vector<512x20xi32>
      %broadcast_in_dim3A_195 = vector.shape_cast %eq3A_192 : vector<512x1xi1> to vector<512x1xi1>
      %broadcast_in_dim3A_196 = vector.broadcast %broadcast_in_dim3A_195 : vector<512x1xi1> to vector<512x20xi1>
      %select_n3A_197 = arith.select %broadcast_in_dim3A_196, %add3A_194, %get3A_190 : vector<512x20xi1>, vector<512x20xi32>
      %swap3A_198 = arith.index_cast %multiple_of3A_154 : i32 to index
      %swap3A_199 = arith.constant 0 : index
      %swap3A_200 = vector.load %arg8[%swap3A_198, %swap3A_199] : memref<4096x20xi32, #tpu.memory_space<vmem>>, vector<512x20xi32>
      tpu.vector_store %arg8[%swap3A_198, %swap3A_199], %select_n3A_197 {strides = array<i32>} : memref<4096x20xi32, #tpu.memory_space<vmem>>, vector<512x20xi32>,
      %while3A_201 = arith.constant 0 : i32
      scf.yield %while3A_201 : i32
    }
    %get3A_96 = arith.constant 2 : index
    %get3A_97 = memref.load %arg3[%get3A_96] : memref<8xi32, #tpu.memory_space<smem>>
    %multiple_of3A_98 = tpu.assume_multiple %get3A_97, 128 : i32
    %get3A_99 = arith.constant 0 : index
    %get3A_100 = arith.index_cast %multiple_of3A_98 : i32 to index
    %get3A_101 = vector.load %arg12[%get3A_99, %get3A_100] : memref<64x4096xf32, #tpu.memory_space<vmem>>, vector<64x1408xf32>
    %get3A_102 = arith.constant 0 : index
    %get3A_103 = arith.index_cast %multiple_of3A_98 : i32 to index
    %get3A_104 = vector.load %arg13[%get3A_102, %get3A_103] : memref<1x4096xf32, #tpu.memory_space<vmem>>, vector<1x1408xf32>
    %get3A_105 = arith.constant 0 : index
    %get3A_106 = arith.index_cast %multiple_of3A_98 : i32 to index
    %get3A_107 = vector.load %arg2[%get3A_105, %get3A_106] : memref<1x4096xi32, #tpu.memory_space<vmem>>, vector<1x1408xi32>
    %get3A_108 = arith.constant 6 : index
    %get3A_109 = memref.load %arg3[%get3A_108] : memref<8xi32, #tpu.memory_space<smem>>
    %while3A_110 = arith.constant 0 : i32
    %while3A_111 = arith.constant 0 : i32
    %while3A_112 = arith.subi %get3A_109, %while3A_110 : i32
    %while3A_113 = arith.addi %while3A_110, %while3A_112 : i32
    %while3A_114 = arith.constant 1 : i32
    %while3A_115 = arith.divsi %while3A_112, %while3A_114 : i32
    %while3A_116 = arith.muli %while3A_115, %while3A_114 : i32
    %while3A_117 = arith.addi %while3A_110, %while3A_116 : i32
    %while3A_118 = arith.constant 1 : i32
    %while3A_119 = scf.for %while3A_148 = %while3A_110 to %while3A_117 step %while3A_118 iter_args(%while3A_149 = %while3A_111) -> (i32)  : i32 {
      %mul3A_150 = arith.constant 512 : i32
      %mul3A_151 = arith.muli %while3A_148, %mul3A_150 : i32
      %add3A_152 = arith.addi %multiple_of3A_98, %mul3A_151 : i32
      %min3A = arith.constant 3584 : i32
      %min3A_153 = arith.minsi %add3A_152, %min3A : i32
      %multiple_of3A_154 = tpu.assume_multiple %min3A_153, 128 : i32
      %get3A_155 = arith.index_cast %multiple_of3A_154 : i32 to index
      %get3A_156 = arith.constant 0 : index
      %get3A_157 = vector.load %arg11[%get3A_155, %get3A_156] : memref<4096x64xf32, #tpu.memory_space<vmem>>, vector<512x64xf32>
      %dot_general3A_158 = arith.constant dense<0.000000e+00> : vector<512x1408xf32>
      %dot_general3A_159 = tpu.matmul %get3A_157, %get3A_101, %dot_general3A_158 {dimension_numbers = #tpu.dot_dimension_numbers<[1], [0], [0], [1], [0, 0, 1, 1], [], []>, transpose_lhs_hint = false} : vector<512x64xf32>, vector<64x1408xf32>, vector<512x1408xf32> -> vector<512x1408xf32>
      %mul3A_160 = arith.mulf %get3A_157, %get3A_157 : vector<512x64xf32>
      %reduce_sum3A_161 = arith.constant dense<0.000000e+00> : vector<512xf32>
      %reduce_sum3A_162 = vector.multi_reduction <add>, %mul3A_160, %reduce_sum3A_161 [1] : vector<512x64xf32> to vector<512xf32>
      %broadcast_in_dim3A_163 = vector.shape_cast %reduce_sum3A_162 : vector<512xf32> to vector<512x1xf32>
      %add3A_164 = vector.broadcast %broadcast_in_dim3A_163 : vector<512x1xf32> to vector<512x1408xf32>
      %add3A_165 = vector.broadcast %get3A_104 : vector<1x1408xf32> to vector<512x1408xf32>
      %add3A_166 = arith.addf %add3A_164, %add3A_165 : vector<512x1408xf32>
      %mul3A_167 = arith.constant 2.000000e+00 : f32
      %mul3A_168 = vector.broadcast %mul3A_167 : f32 to vector<512x1408xf32>
      %mul3A_169 = arith.mulf %mul3A_168, %dot_general3A_159 : vector<512x1408xf32>
      %sub3A = arith.subf %add3A_166, %mul3A_169 : vector<512x1408xf32>
      %get3A_170 = arith.index_cast %multiple_of3A_154 : i32 to index
      %get3A_171 = arith.constant 0 : index
      %get3A_172 = vector.load %arg1[%get3A_170, %get3A_171] : memref<4096x1xi32, #tpu.memory_space<vmem>>, vector<512x1xi32>
      %ne3A = vector.broadcast %get3A_172 : vector<512x1xi32> to vector<512x1408xi32>
      %ne3A_173 = vector.broadcast %get3A_107 : vector<1x1408xi32> to vector<512x1408xi32>
      %ne3A_174 = arith.cmpi ne, %ne3A, %ne3A_173 : vector<512x1408xi32>
      %jit3A = arith.constant 1.000000e+10 : f32
      %broadcast_in_dim3A_175 = vector.broadcast %jit3A : f32 to vector<512x1408xf32>
      %select_n3A = arith.select %ne3A_174, %broadcast_in_dim3A_175, %sub3A : vector<512x1408xi1>, vector<512x1408xf32>
      %swap3A_176 = arith.constant 0 : index
      %swap3A_177 = arith.constant 0 : index
      %swap3A_178 = vector.load %arg14[%swap3A_176, %swap3A_177] : memref<512x1408xf32, #tpu.memory_space<vmem>>, vector<512x1408xf32>
      tpu.vector_store %arg14[%swap3A_176, %swap3A_177], %select_n3A {strides = array<i32>} : memref<512x1408xf32, #tpu.memory_space<vmem>>, vector<512x1408xf32>,
      %broadcast_in_dim3A_179 = arith.constant 0 : i32
      %broadcast_in_dim3A_180 = vector.broadcast %broadcast_in_dim3A_179 : i32 to vector<512x20xi32>
      %broadcast_in_dim3A_181 = arith.constant -1 : i32
      %broadcast_in_dim3A_182 = vector.broadcast %broadcast_in_dim3A_181 : i32 to vector<512x1xi32>
      %scan3A = arith.constant 0 : i32
      %scan3A_183 = arith.constant 20 : i32
      %scan3A_184 = arith.addi %scan3A, %scan3A_183 : i32
      %scan3A_185 = arith.constant 1 : i32
      %scan3A_186:2 = scf.for %scan3A_202 = %scan3A to %scan3A_184 step %scan3A_185 iter_args(%scan3A_203 = %broadcast_in_dim3A_180, %scan3A_204 = %broadcast_in_dim3A_182) -> (vector<512x20xi32>, vector<512x1xi32>)  : i32 {
        %eq3A_205 = vector.broadcast %scan3A_204 : vector<512x1xi32> to vector<512x1408xi32>
        %eq3A_206 = arith.cmpi eq, %iota3A, %eq3A_205 : vector<512x1408xi32>
        %get3A_207 = arith.constant 0 : index
        %get3A_208 = arith.constant 0 : index
        %get3A_209 = vector.load %arg14[%get3A_207, %get3A_208] : memref<512x1408xf32, #tpu.memory_space<vmem>>, vector<512x1408xf32>
        %jit3A_210 = arith.constant 0x7F800000 : f32
        %broadcast_in_dim3A_211 = vector.broadcast %jit3A_210 : f32 to vector<512x1408xf32>
        %select_n3A_212 = arith.select %eq3A_206, %broadcast_in_dim3A_211, %get3A_209 : vector<512x1408xi1>, vector<512x1408xf32>
        %swap3A_213 = arith.constant 0 : index
        %swap3A_214 = arith.constant 0 : index
        %swap3A_215 = vector.load %arg14[%swap3A_213, %swap3A_214] : memref<512x1408xf32, #tpu.memory_space<vmem>>, vector<512x1408xf32>
        tpu.vector_store %arg14[%swap3A_213, %swap3A_214], %select_n3A_212 {strides = array<i32>} : memref<512x1408xf32, #tpu.memory_space<vmem>>, vector<512x1408xf32>,
        %reduce_min3A = arith.constant dense<0x7F800000> : vector<512xf32>
        %reduce_min3A_216 = vector.multi_reduction <minimumf>, %select_n3A_212, %reduce_min3A [1] : vector<512x1408xf32> to vector<512xf32>
        %broadcast_in_dim3A_217 = vector.shape_cast %reduce_min3A_216 : vector<512xf32> to vector<512x1xf32>
        %eq3A_218 = vector.broadcast %broadcast_in_dim3A_217 : vector<512x1xf32> to vector<512x1408xf32>
        %eq3A_219 = arith.cmpf oeq, %select_n3A_212, %eq3A_218 : vector<512x1408xf32>
        %jit3A_220 = arith.constant 1073741824 : i32
        %broadcast_in_dim3A_221 = vector.broadcast %jit3A_220 : i32 to vector<512x1408xi32>
        %select_n3A_222 = arith.select %eq3A_219, %iota3A, %broadcast_in_dim3A_221 : vector<512x1408xi1>, vector<512x1408xi32>
        %reduce_min3A_223 = arith.constant dense<2147483647> : vector<512xi32>
        %reduce_min3A_224 = vector.multi_reduction <minsi>, %select_n3A_222, %reduce_min3A_223 [1] : vector<512x1408xi32> to vector<512xi32>
        %broadcast_in_dim3A_225 = vector.shape_cast %reduce_min3A_224 : vector<512xi32> to vector<512x1xi32>
        %eq3A_226 = vector.broadcast %scan3A_202 : i32 to vector<512x20xi32>
        %eq3A_227 = arith.cmpi eq, %iota3A_45, %eq3A_226 : vector<512x20xi32>
        %broadcast_in_dim3A_228 = vector.shape_cast %broadcast_in_dim3A_225 : vector<512x1xi32> to vector<512x1xi32>
        %broadcast_in_dim3A_229 = vector.broadcast %broadcast_in_dim3A_228 : vector<512x1xi32> to vector<512x20xi32>
        %select_n3A_230 = arith.select %eq3A_227, %broadcast_in_dim3A_229, %scan3A_203 : vector<512x20xi1>, vector<512x20xi32>
        scf.yield %select_n3A_230, %broadcast_in_dim3A_225 : vector<512x20xi32>, vector<512x1xi32>
      }
      %scan3A_187 = arith.constant 20 : i32
      %get3A_188 = arith.index_cast %multiple_of3A_154 : i32 to index
      %get3A_189 = arith.constant 0 : index
      %get3A_190 = vector.load %arg8[%get3A_188, %get3A_189] : memref<4096x20xi32, #tpu.memory_space<vmem>>, vector<512x20xi32>
      %eq3A = arith.constant 2 : i32
      %eq3A_191 = vector.broadcast %eq3A : i32 to vector<512x1xi32>
      %eq3A_192 = arith.cmpi eq, %get3A_172, %eq3A_191 : vector<512x1xi32>
      %add3A_193 = vector.broadcast %multiple_of3A_98 : i32 to vector<512x20xi32>
      %add3A_194 = arith.addi %scan3A_186#0, %add3A_193 : vector<512x20xi32>
      %broadcast_in_dim3A_195 = vector.shape_cast %eq3A_192 : vector<512x1xi1> to vector<512x1xi1>
      %broadcast_in_dim3A_196 = vector.broadcast %broadcast_in_dim3A_195 : vector<512x1xi1> to vector<512x20xi1>
      %select_n3A_197 = arith.select %broadcast_in_dim3A_196, %add3A_194, %get3A_190 : vector<512x20xi1>, vector<512x20xi32>
      %swap3A_198 = arith.index_cast %multiple_of3A_154 : i32 to index
      %swap3A_199 = arith.constant 0 : index
      %swap3A_200 = vector.load %arg8[%swap3A_198, %swap3A_199] : memref<4096x20xi32, #tpu.memory_space<vmem>>, vector<512x20xi32>
      tpu.vector_store %arg8[%swap3A_198, %swap3A_199], %select_n3A_197 {strides = array<i32>} : memref<4096x20xi32, #tpu.memory_space<vmem>>, vector<512x20xi32>,
      %while3A_201 = arith.constant 0 : i32
      scf.yield %while3A_201 : i32
    }
    %while3A_120 = arith.constant 1 : i32
    %while3A_121 = scf.for %while3A_148 = %while3A_117 to %while3A_113 step %while3A_120 iter_args(%while3A_149 = %while3A_119) -> (i32)  : i32 {
      %mul3A_150 = arith.constant 512 : i32
      %mul3A_151 = arith.muli %while3A_148, %mul3A_150 : i32
      %add3A_152 = arith.addi %multiple_of3A_98, %mul3A_151 : i32
      %min3A = arith.constant 3584 : i32
      %min3A_153 = arith.minsi %add3A_152, %min3A : i32
      %multiple_of3A_154 = tpu.assume_multiple %min3A_153, 128 : i32
      %get3A_155 = arith.index_cast %multiple_of3A_154 : i32 to index
      %get3A_156 = arith.constant 0 : index
      %get3A_157 = vector.load %arg11[%get3A_155, %get3A_156] : memref<4096x64xf32, #tpu.memory_space<vmem>>, vector<512x64xf32>
      %dot_general3A_158 = arith.constant dense<0.000000e+00> : vector<512x1408xf32>
      %dot_general3A_159 = tpu.matmul %get3A_157, %get3A_101, %dot_general3A_158 {dimension_numbers = #tpu.dot_dimension_numbers<[1], [0], [0], [1], [0, 0, 1, 1], [], []>, transpose_lhs_hint = false} : vector<512x64xf32>, vector<64x1408xf32>, vector<512x1408xf32> -> vector<512x1408xf32>
      %mul3A_160 = arith.mulf %get3A_157, %get3A_157 : vector<512x64xf32>
      %reduce_sum3A_161 = arith.constant dense<0.000000e+00> : vector<512xf32>
      %reduce_sum3A_162 = vector.multi_reduction <add>, %mul3A_160, %reduce_sum3A_161 [1] : vector<512x64xf32> to vector<512xf32>
      %broadcast_in_dim3A_163 = vector.shape_cast %reduce_sum3A_162 : vector<512xf32> to vector<512x1xf32>
      %add3A_164 = vector.broadcast %broadcast_in_dim3A_163 : vector<512x1xf32> to vector<512x1408xf32>
      %add3A_165 = vector.broadcast %get3A_104 : vector<1x1408xf32> to vector<512x1408xf32>
      %add3A_166 = arith.addf %add3A_164, %add3A_165 : vector<512x1408xf32>
      %mul3A_167 = arith.constant 2.000000e+00 : f32
      %mul3A_168 = vector.broadcast %mul3A_167 : f32 to vector<512x1408xf32>
      %mul3A_169 = arith.mulf %mul3A_168, %dot_general3A_159 : vector<512x1408xf32>
      %sub3A = arith.subf %add3A_166, %mul3A_169 : vector<512x1408xf32>
      %get3A_170 = arith.index_cast %multiple_of3A_154 : i32 to index
      %get3A_171 = arith.constant 0 : index
      %get3A_172 = vector.load %arg1[%get3A_170, %get3A_171] : memref<4096x1xi32, #tpu.memory_space<vmem>>, vector<512x1xi32>
      %ne3A = vector.broadcast %get3A_172 : vector<512x1xi32> to vector<512x1408xi32>
      %ne3A_173 = vector.broadcast %get3A_107 : vector<1x1408xi32> to vector<512x1408xi32>
      %ne3A_174 = arith.cmpi ne, %ne3A, %ne3A_173 : vector<512x1408xi32>
      %jit3A = arith.constant 1.000000e+10 : f32
      %broadcast_in_dim3A_175 = vector.broadcast %jit3A : f32 to vector<512x1408xf32>
      %select_n3A = arith.select %ne3A_174, %broadcast_in_dim3A_175, %sub3A : vector<512x1408xi1>, vector<512x1408xf32>
      %swap3A_176 = arith.constant 0 : index
      %swap3A_177 = arith.constant 0 : index
      %swap3A_178 = vector.load %arg14[%swap3A_176, %swap3A_177] : memref<512x1408xf32, #tpu.memory_space<vmem>>, vector<512x1408xf32>
      tpu.vector_store %arg14[%swap3A_176, %swap3A_177], %select_n3A {strides = array<i32>} : memref<512x1408xf32, #tpu.memory_space<vmem>>, vector<512x1408xf32>,
      %broadcast_in_dim3A_179 = arith.constant 0 : i32
      %broadcast_in_dim3A_180 = vector.broadcast %broadcast_in_dim3A_179 : i32 to vector<512x20xi32>
      %broadcast_in_dim3A_181 = arith.constant -1 : i32
      %broadcast_in_dim3A_182 = vector.broadcast %broadcast_in_dim3A_181 : i32 to vector<512x1xi32>
      %scan3A = arith.constant 0 : i32
      %scan3A_183 = arith.constant 20 : i32
      %scan3A_184 = arith.addi %scan3A, %scan3A_183 : i32
      %scan3A_185 = arith.constant 1 : i32
      %scan3A_186:2 = scf.for %scan3A_202 = %scan3A to %scan3A_184 step %scan3A_185 iter_args(%scan3A_203 = %broadcast_in_dim3A_180, %scan3A_204 = %broadcast_in_dim3A_182) -> (vector<512x20xi32>, vector<512x1xi32>)  : i32 {
        %eq3A_205 = vector.broadcast %scan3A_204 : vector<512x1xi32> to vector<512x1408xi32>
        %eq3A_206 = arith.cmpi eq, %iota3A, %eq3A_205 : vector<512x1408xi32>
        %get3A_207 = arith.constant 0 : index
        %get3A_208 = arith.constant 0 : index
        %get3A_209 = vector.load %arg14[%get3A_207, %get3A_208] : memref<512x1408xf32, #tpu.memory_space<vmem>>, vector<512x1408xf32>
        %jit3A_210 = arith.constant 0x7F800000 : f32
        %broadcast_in_dim3A_211 = vector.broadcast %jit3A_210 : f32 to vector<512x1408xf32>
        %select_n3A_212 = arith.select %eq3A_206, %broadcast_in_dim3A_211, %get3A_209 : vector<512x1408xi1>, vector<512x1408xf32>
        %swap3A_213 = arith.constant 0 : index
        %swap3A_214 = arith.constant 0 : index
        %swap3A_215 = vector.load %arg14[%swap3A_213, %swap3A_214] : memref<512x1408xf32, #tpu.memory_space<vmem>>, vector<512x1408xf32>
        tpu.vector_store %arg14[%swap3A_213, %swap3A_214], %select_n3A_212 {strides = array<i32>} : memref<512x1408xf32, #tpu.memory_space<vmem>>, vector<512x1408xf32>,
        %reduce_min3A = arith.constant dense<0x7F800000> : vector<512xf32>
        %reduce_min3A_216 = vector.multi_reduction <minimumf>, %select_n3A_212, %reduce_min3A [1] : vector<512x1408xf32> to vector<512xf32>
        %broadcast_in_dim3A_217 = vector.shape_cast %reduce_min3A_216 : vector<512xf32> to vector<512x1xf32>
        %eq3A_218 = vector.broadcast %broadcast_in_dim3A_217 : vector<512x1xf32> to vector<512x1408xf32>
        %eq3A_219 = arith.cmpf oeq, %select_n3A_212, %eq3A_218 : vector<512x1408xf32>
        %jit3A_220 = arith.constant 1073741824 : i32
        %broadcast_in_dim3A_221 = vector.broadcast %jit3A_220 : i32 to vector<512x1408xi32>
        %select_n3A_222 = arith.select %eq3A_219, %iota3A, %broadcast_in_dim3A_221 : vector<512x1408xi1>, vector<512x1408xi32>
        %reduce_min3A_223 = arith.constant dense<2147483647> : vector<512xi32>
        %reduce_min3A_224 = vector.multi_reduction <minsi>, %select_n3A_222, %reduce_min3A_223 [1] : vector<512x1408xi32> to vector<512xi32>
        %broadcast_in_dim3A_225 = vector.shape_cast %reduce_min3A_224 : vector<512xi32> to vector<512x1xi32>
        %eq3A_226 = vector.broadcast %scan3A_202 : i32 to vector<512x20xi32>
        %eq3A_227 = arith.cmpi eq, %iota3A_45, %eq3A_226 : vector<512x20xi32>
        %broadcast_in_dim3A_228 = vector.shape_cast %broadcast_in_dim3A_225 : vector<512x1xi32> to vector<512x1xi32>
        %broadcast_in_dim3A_229 = vector.broadcast %broadcast_in_dim3A_228 : vector<512x1xi32> to vector<512x20xi32>
        %select_n3A_230 = arith.select %eq3A_227, %broadcast_in_dim3A_229, %scan3A_203 : vector<512x20xi1>, vector<512x20xi32>
        scf.yield %select_n3A_230, %broadcast_in_dim3A_225 : vector<512x20xi32>, vector<512x1xi32>
      }
      %scan3A_187 = arith.constant 20 : i32
      %get3A_188 = arith.index_cast %multiple_of3A_154 : i32 to index
      %get3A_189 = arith.constant 0 : index
      %get3A_190 = vector.load %arg8[%get3A_188, %get3A_189] : memref<4096x20xi32, #tpu.memory_space<vmem>>, vector<512x20xi32>
      %eq3A = arith.constant 2 : i32
      %eq3A_191 = vector.broadcast %eq3A : i32 to vector<512x1xi32>
      %eq3A_192 = arith.cmpi eq, %get3A_172, %eq3A_191 : vector<512x1xi32>
      %add3A_193 = vector.broadcast %multiple_of3A_98 : i32 to vector<512x20xi32>
      %add3A_194 = arith.addi %scan3A_186#0, %add3A_193 : vector<512x20xi32>
      %broadcast_in_dim3A_195 = vector.shape_cast %eq3A_192 : vector<512x1xi1> to vector<512x1xi1>
      %broadcast_in_dim3A_196 = vector.broadcast %broadcast_in_dim3A_195 : vector<512x1xi1> to vector<512x20xi1>
      %select_n3A_197 = arith.select %broadcast_in_dim3A_196, %add3A_194, %get3A_190 : vector<512x20xi1>, vector<512x20xi32>
      %swap3A_198 = arith.index_cast %multiple_of3A_154 : i32 to index
      %swap3A_199 = arith.constant 0 : index
      %swap3A_200 = vector.load %arg8[%swap3A_198, %swap3A_199] : memref<4096x20xi32, #tpu.memory_space<vmem>>, vector<512x20xi32>
      tpu.vector_store %arg8[%swap3A_198, %swap3A_199], %select_n3A_197 {strides = array<i32>} : memref<4096x20xi32, #tpu.memory_space<vmem>>, vector<512x20xi32>,
      %while3A_201 = arith.constant 0 : i32
      scf.yield %while3A_201 : i32
    }
    %get3A_122 = arith.constant 3 : index
    %get3A_123 = memref.load %arg3[%get3A_122] : memref<8xi32, #tpu.memory_space<smem>>
    %multiple_of3A_124 = tpu.assume_multiple %get3A_123, 128 : i32
    %get3A_125 = arith.constant 0 : index
    %get3A_126 = arith.index_cast %multiple_of3A_124 : i32 to index
    %get3A_127 = vector.load %arg12[%get3A_125, %get3A_126] : memref<64x4096xf32, #tpu.memory_space<vmem>>, vector<64x1408xf32>
    %get3A_128 = arith.constant 0 : index
    %get3A_129 = arith.index_cast %multiple_of3A_124 : i32 to index
    %get3A_130 = vector.load %arg13[%get3A_128, %get3A_129] : memref<1x4096xf32, #tpu.memory_space<vmem>>, vector<1x1408xf32>
    %get3A_131 = arith.constant 0 : index
    %get3A_132 = arith.index_cast %multiple_of3A_124 : i32 to index
    %get3A_133 = vector.load %arg2[%get3A_131, %get3A_132] : memref<1x4096xi32, #tpu.memory_space<vmem>>, vector<1x1408xi32>
    %get3A_134 = arith.constant 7 : index
    %get3A_135 = memref.load %arg3[%get3A_134] : memref<8xi32, #tpu.memory_space<smem>>
    %while3A_136 = arith.constant 0 : i32
    %while3A_137 = arith.constant 0 : i32
    %while3A_138 = arith.subi %get3A_135, %while3A_136 : i32
    %while3A_139 = arith.addi %while3A_136, %while3A_138 : i32
    %while3A_140 = arith.constant 1 : i32
    %while3A_141 = arith.divsi %while3A_138, %while3A_140 : i32
    %while3A_142 = arith.muli %while3A_141, %while3A_140 : i32
    %while3A_143 = arith.addi %while3A_136, %while3A_142 : i32
    %while3A_144 = arith.constant 1 : i32
    %while3A_145 = scf.for %while3A_148 = %while3A_136 to %while3A_143 step %while3A_144 iter_args(%while3A_149 = %while3A_137) -> (i32)  : i32 {
      %mul3A_150 = arith.constant 512 : i32
      %mul3A_151 = arith.muli %while3A_148, %mul3A_150 : i32
      %add3A_152 = arith.addi %multiple_of3A_124, %mul3A_151 : i32
      %min3A = arith.constant 3584 : i32
      %min3A_153 = arith.minsi %add3A_152, %min3A : i32
      %multiple_of3A_154 = tpu.assume_multiple %min3A_153, 128 : i32
      %get3A_155 = arith.index_cast %multiple_of3A_154 : i32 to index
      %get3A_156 = arith.constant 0 : index
      %get3A_157 = vector.load %arg11[%get3A_155, %get3A_156] : memref<4096x64xf32, #tpu.memory_space<vmem>>, vector<512x64xf32>
      %dot_general3A_158 = arith.constant dense<0.000000e+00> : vector<512x1408xf32>
      %dot_general3A_159 = tpu.matmul %get3A_157, %get3A_127, %dot_general3A_158 {dimension_numbers = #tpu.dot_dimension_numbers<[1], [0], [0], [1], [0, 0, 1, 1], [], []>, transpose_lhs_hint = false} : vector<512x64xf32>, vector<64x1408xf32>, vector<512x1408xf32> -> vector<512x1408xf32>
      %mul3A_160 = arith.mulf %get3A_157, %get3A_157 : vector<512x64xf32>
      %reduce_sum3A_161 = arith.constant dense<0.000000e+00> : vector<512xf32>
      %reduce_sum3A_162 = vector.multi_reduction <add>, %mul3A_160, %reduce_sum3A_161 [1] : vector<512x64xf32> to vector<512xf32>
      %broadcast_in_dim3A_163 = vector.shape_cast %reduce_sum3A_162 : vector<512xf32> to vector<512x1xf32>
      %add3A_164 = vector.broadcast %broadcast_in_dim3A_163 : vector<512x1xf32> to vector<512x1408xf32>
      %add3A_165 = vector.broadcast %get3A_130 : vector<1x1408xf32> to vector<512x1408xf32>
      %add3A_166 = arith.addf %add3A_164, %add3A_165 : vector<512x1408xf32>
      %mul3A_167 = arith.constant 2.000000e+00 : f32
      %mul3A_168 = vector.broadcast %mul3A_167 : f32 to vector<512x1408xf32>
      %mul3A_169 = arith.mulf %mul3A_168, %dot_general3A_159 : vector<512x1408xf32>
      %sub3A = arith.subf %add3A_166, %mul3A_169 : vector<512x1408xf32>
      %get3A_170 = arith.index_cast %multiple_of3A_154 : i32 to index
      %get3A_171 = arith.constant 0 : index
      %get3A_172 = vector.load %arg1[%get3A_170, %get3A_171] : memref<4096x1xi32, #tpu.memory_space<vmem>>, vector<512x1xi32>
      %ne3A = vector.broadcast %get3A_172 : vector<512x1xi32> to vector<512x1408xi32>
      %ne3A_173 = vector.broadcast %get3A_133 : vector<1x1408xi32> to vector<512x1408xi32>
      %ne3A_174 = arith.cmpi ne, %ne3A, %ne3A_173 : vector<512x1408xi32>
      %jit3A = arith.constant 1.000000e+10 : f32
      %broadcast_in_dim3A_175 = vector.broadcast %jit3A : f32 to vector<512x1408xf32>
      %select_n3A = arith.select %ne3A_174, %broadcast_in_dim3A_175, %sub3A : vector<512x1408xi1>, vector<512x1408xf32>
      %swap3A_176 = arith.constant 0 : index
      %swap3A_177 = arith.constant 0 : index
      %swap3A_178 = vector.load %arg14[%swap3A_176, %swap3A_177] : memref<512x1408xf32, #tpu.memory_space<vmem>>, vector<512x1408xf32>
      tpu.vector_store %arg14[%swap3A_176, %swap3A_177], %select_n3A {strides = array<i32>} : memref<512x1408xf32, #tpu.memory_space<vmem>>, vector<512x1408xf32>,
      %broadcast_in_dim3A_179 = arith.constant 0 : i32
      %broadcast_in_dim3A_180 = vector.broadcast %broadcast_in_dim3A_179 : i32 to vector<512x20xi32>
      %broadcast_in_dim3A_181 = arith.constant -1 : i32
      %broadcast_in_dim3A_182 = vector.broadcast %broadcast_in_dim3A_181 : i32 to vector<512x1xi32>
      %scan3A = arith.constant 0 : i32
      %scan3A_183 = arith.constant 20 : i32
      %scan3A_184 = arith.addi %scan3A, %scan3A_183 : i32
      %scan3A_185 = arith.constant 1 : i32
      %scan3A_186:2 = scf.for %scan3A_202 = %scan3A to %scan3A_184 step %scan3A_185 iter_args(%scan3A_203 = %broadcast_in_dim3A_180, %scan3A_204 = %broadcast_in_dim3A_182) -> (vector<512x20xi32>, vector<512x1xi32>)  : i32 {
        %eq3A_205 = vector.broadcast %scan3A_204 : vector<512x1xi32> to vector<512x1408xi32>
        %eq3A_206 = arith.cmpi eq, %iota3A, %eq3A_205 : vector<512x1408xi32>
        %get3A_207 = arith.constant 0 : index
        %get3A_208 = arith.constant 0 : index
        %get3A_209 = vector.load %arg14[%get3A_207, %get3A_208] : memref<512x1408xf32, #tpu.memory_space<vmem>>, vector<512x1408xf32>
        %jit3A_210 = arith.constant 0x7F800000 : f32
        %broadcast_in_dim3A_211 = vector.broadcast %jit3A_210 : f32 to vector<512x1408xf32>
        %select_n3A_212 = arith.select %eq3A_206, %broadcast_in_dim3A_211, %get3A_209 : vector<512x1408xi1>, vector<512x1408xf32>
        %swap3A_213 = arith.constant 0 : index
        %swap3A_214 = arith.constant 0 : index
        %swap3A_215 = vector.load %arg14[%swap3A_213, %swap3A_214] : memref<512x1408xf32, #tpu.memory_space<vmem>>, vector<512x1408xf32>
        tpu.vector_store %arg14[%swap3A_213, %swap3A_214], %select_n3A_212 {strides = array<i32>} : memref<512x1408xf32, #tpu.memory_space<vmem>>, vector<512x1408xf32>,
        %reduce_min3A = arith.constant dense<0x7F800000> : vector<512xf32>
        %reduce_min3A_216 = vector.multi_reduction <minimumf>, %select_n3A_212, %reduce_min3A [1] : vector<512x1408xf32> to vector<512xf32>
        %broadcast_in_dim3A_217 = vector.shape_cast %reduce_min3A_216 : vector<512xf32> to vector<512x1xf32>
        %eq3A_218 = vector.broadcast %broadcast_in_dim3A_217 : vector<512x1xf32> to vector<512x1408xf32>
        %eq3A_219 = arith.cmpf oeq, %select_n3A_212, %eq3A_218 : vector<512x1408xf32>
        %jit3A_220 = arith.constant 1073741824 : i32
        %broadcast_in_dim3A_221 = vector.broadcast %jit3A_220 : i32 to vector<512x1408xi32>
        %select_n3A_222 = arith.select %eq3A_219, %iota3A, %broadcast_in_dim3A_221 : vector<512x1408xi1>, vector<512x1408xi32>
        %reduce_min3A_223 = arith.constant dense<2147483647> : vector<512xi32>
        %reduce_min3A_224 = vector.multi_reduction <minsi>, %select_n3A_222, %reduce_min3A_223 [1] : vector<512x1408xi32> to vector<512xi32>
        %broadcast_in_dim3A_225 = vector.shape_cast %reduce_min3A_224 : vector<512xi32> to vector<512x1xi32>
        %eq3A_226 = vector.broadcast %scan3A_202 : i32 to vector<512x20xi32>
        %eq3A_227 = arith.cmpi eq, %iota3A_45, %eq3A_226 : vector<512x20xi32>
        %broadcast_in_dim3A_228 = vector.shape_cast %broadcast_in_dim3A_225 : vector<512x1xi32> to vector<512x1xi32>
        %broadcast_in_dim3A_229 = vector.broadcast %broadcast_in_dim3A_228 : vector<512x1xi32> to vector<512x20xi32>
        %select_n3A_230 = arith.select %eq3A_227, %broadcast_in_dim3A_229, %scan3A_203 : vector<512x20xi1>, vector<512x20xi32>
        scf.yield %select_n3A_230, %broadcast_in_dim3A_225 : vector<512x20xi32>, vector<512x1xi32>
      }
      %scan3A_187 = arith.constant 20 : i32
      %get3A_188 = arith.index_cast %multiple_of3A_154 : i32 to index
      %get3A_189 = arith.constant 0 : index
      %get3A_190 = vector.load %arg8[%get3A_188, %get3A_189] : memref<4096x20xi32, #tpu.memory_space<vmem>>, vector<512x20xi32>
      %eq3A = arith.constant 3 : i32
      %eq3A_191 = vector.broadcast %eq3A : i32 to vector<512x1xi32>
      %eq3A_192 = arith.cmpi eq, %get3A_172, %eq3A_191 : vector<512x1xi32>
      %add3A_193 = vector.broadcast %multiple_of3A_124 : i32 to vector<512x20xi32>
      %add3A_194 = arith.addi %scan3A_186#0, %add3A_193 : vector<512x20xi32>
      %broadcast_in_dim3A_195 = vector.shape_cast %eq3A_192 : vector<512x1xi1> to vector<512x1xi1>
      %broadcast_in_dim3A_196 = vector.broadcast %broadcast_in_dim3A_195 : vector<512x1xi1> to vector<512x20xi1>
      %select_n3A_197 = arith.select %broadcast_in_dim3A_196, %add3A_194, %get3A_190 : vector<512x20xi1>, vector<512x20xi32>
      %swap3A_198 = arith.index_cast %multiple_of3A_154 : i32 to index
      %swap3A_199 = arith.constant 0 : index
      %swap3A_200 = vector.load %arg8[%swap3A_198, %swap3A_199] : memref<4096x20xi32, #tpu.memory_space<vmem>>, vector<512x20xi32>
      tpu.vector_store %arg8[%swap3A_198, %swap3A_199], %select_n3A_197 {strides = array<i32>} : memref<4096x20xi32, #tpu.memory_space<vmem>>, vector<512x20xi32>,
      %while3A_201 = arith.constant 0 : i32
      scf.yield %while3A_201 : i32
    }
    %while3A_146 = arith.constant 1 : i32
    %while3A_147 = scf.for %while3A_148 = %while3A_143 to %while3A_139 step %while3A_146 iter_args(%while3A_149 = %while3A_145) -> (i32)  : i32 {
      %mul3A_150 = arith.constant 512 : i32
      %mul3A_151 = arith.muli %while3A_148, %mul3A_150 : i32
      %add3A_152 = arith.addi %multiple_of3A_124, %mul3A_151 : i32
      %min3A = arith.constant 3584 : i32
      %min3A_153 = arith.minsi %add3A_152, %min3A : i32
      %multiple_of3A_154 = tpu.assume_multiple %min3A_153, 128 : i32
      %get3A_155 = arith.index_cast %multiple_of3A_154 : i32 to index
      %get3A_156 = arith.constant 0 : index
      %get3A_157 = vector.load %arg11[%get3A_155, %get3A_156] : memref<4096x64xf32, #tpu.memory_space<vmem>>, vector<512x64xf32>
      %dot_general3A_158 = arith.constant dense<0.000000e+00> : vector<512x1408xf32>
      %dot_general3A_159 = tpu.matmul %get3A_157, %get3A_127, %dot_general3A_158 {dimension_numbers = #tpu.dot_dimension_numbers<[1], [0], [0], [1], [0, 0, 1, 1], [], []>, transpose_lhs_hint = false} : vector<512x64xf32>, vector<64x1408xf32>, vector<512x1408xf32> -> vector<512x1408xf32>
      %mul3A_160 = arith.mulf %get3A_157, %get3A_157 : vector<512x64xf32>
      %reduce_sum3A_161 = arith.constant dense<0.000000e+00> : vector<512xf32>
      %reduce_sum3A_162 = vector.multi_reduction <add>, %mul3A_160, %reduce_sum3A_161 [1] : vector<512x64xf32> to vector<512xf32>
      %broadcast_in_dim3A_163 = vector.shape_cast %reduce_sum3A_162 : vector<512xf32> to vector<512x1xf32>
      %add3A_164 = vector.broadcast %broadcast_in_dim3A_163 : vector<512x1xf32> to vector<512x1408xf32>
      %add3A_165 = vector.broadcast %get3A_130 : vector<1x1408xf32> to vector<512x1408xf32>
      %add3A_166 = arith.addf %add3A_164, %add3A_165 : vector<512x1408xf32>
      %mul3A_167 = arith.constant 2.000000e+00 : f32
      %mul3A_168 = vector.broadcast %mul3A_167 : f32 to vector<512x1408xf32>
      %mul3A_169 = arith.mulf %mul3A_168, %dot_general3A_159 : vector<512x1408xf32>
      %sub3A = arith.subf %add3A_166, %mul3A_169 : vector<512x1408xf32>
      %get3A_170 = arith.index_cast %multiple_of3A_154 : i32 to index
      %get3A_171 = arith.constant 0 : index
      %get3A_172 = vector.load %arg1[%get3A_170, %get3A_171] : memref<4096x1xi32, #tpu.memory_space<vmem>>, vector<512x1xi32>
      %ne3A = vector.broadcast %get3A_172 : vector<512x1xi32> to vector<512x1408xi32>
      %ne3A_173 = vector.broadcast %get3A_133 : vector<1x1408xi32> to vector<512x1408xi32>
      %ne3A_174 = arith.cmpi ne, %ne3A, %ne3A_173 : vector<512x1408xi32>
      %jit3A = arith.constant 1.000000e+10 : f32
      %broadcast_in_dim3A_175 = vector.broadcast %jit3A : f32 to vector<512x1408xf32>
      %select_n3A = arith.select %ne3A_174, %broadcast_in_dim3A_175, %sub3A : vector<512x1408xi1>, vector<512x1408xf32>
      %swap3A_176 = arith.constant 0 : index
      %swap3A_177 = arith.constant 0 : index
      %swap3A_178 = vector.load %arg14[%swap3A_176, %swap3A_177] : memref<512x1408xf32, #tpu.memory_space<vmem>>, vector<512x1408xf32>
      tpu.vector_store %arg14[%swap3A_176, %swap3A_177], %select_n3A {strides = array<i32>} : memref<512x1408xf32, #tpu.memory_space<vmem>>, vector<512x1408xf32>,
      %broadcast_in_dim3A_179 = arith.constant 0 : i32
      %broadcast_in_dim3A_180 = vector.broadcast %broadcast_in_dim3A_179 : i32 to vector<512x20xi32>
      %broadcast_in_dim3A_181 = arith.constant -1 : i32
      %broadcast_in_dim3A_182 = vector.broadcast %broadcast_in_dim3A_181 : i32 to vector<512x1xi32>
      %scan3A = arith.constant 0 : i32
      %scan3A_183 = arith.constant 20 : i32
      %scan3A_184 = arith.addi %scan3A, %scan3A_183 : i32
      %scan3A_185 = arith.constant 1 : i32
      %scan3A_186:2 = scf.for %scan3A_202 = %scan3A to %scan3A_184 step %scan3A_185 iter_args(%scan3A_203 = %broadcast_in_dim3A_180, %scan3A_204 = %broadcast_in_dim3A_182) -> (vector<512x20xi32>, vector<512x1xi32>)  : i32 {
        %eq3A_205 = vector.broadcast %scan3A_204 : vector<512x1xi32> to vector<512x1408xi32>
        %eq3A_206 = arith.cmpi eq, %iota3A, %eq3A_205 : vector<512x1408xi32>
        %get3A_207 = arith.constant 0 : index
        %get3A_208 = arith.constant 0 : index
        %get3A_209 = vector.load %arg14[%get3A_207, %get3A_208] : memref<512x1408xf32, #tpu.memory_space<vmem>>, vector<512x1408xf32>
        %jit3A_210 = arith.constant 0x7F800000 : f32
        %broadcast_in_dim3A_211 = vector.broadcast %jit3A_210 : f32 to vector<512x1408xf32>
        %select_n3A_212 = arith.select %eq3A_206, %broadcast_in_dim3A_211, %get3A_209 : vector<512x1408xi1>, vector<512x1408xf32>
        %swap3A_213 = arith.constant 0 : index
        %swap3A_214 = arith.constant 0 : index
        %swap3A_215 = vector.load %arg14[%swap3A_213, %swap3A_214] : memref<512x1408xf32, #tpu.memory_space<vmem>>, vector<512x1408xf32>
        tpu.vector_store %arg14[%swap3A_213, %swap3A_214], %select_n3A_212 {strides = array<i32>} : memref<512x1408xf32, #tpu.memory_space<vmem>>, vector<512x1408xf32>,
        %reduce_min3A = arith.constant dense<0x7F800000> : vector<512xf32>
        %reduce_min3A_216 = vector.multi_reduction <minimumf>, %select_n3A_212, %reduce_min3A [1] : vector<512x1408xf32> to vector<512xf32>
        %broadcast_in_dim3A_217 = vector.shape_cast %reduce_min3A_216 : vector<512xf32> to vector<512x1xf32>
        %eq3A_218 = vector.broadcast %broadcast_in_dim3A_217 : vector<512x1xf32> to vector<512x1408xf32>
        %eq3A_219 = arith.cmpf oeq, %select_n3A_212, %eq3A_218 : vector<512x1408xf32>
        %jit3A_220 = arith.constant 1073741824 : i32
        %broadcast_in_dim3A_221 = vector.broadcast %jit3A_220 : i32 to vector<512x1408xi32>
        %select_n3A_222 = arith.select %eq3A_219, %iota3A, %broadcast_in_dim3A_221 : vector<512x1408xi1>, vector<512x1408xi32>
        %reduce_min3A_223 = arith.constant dense<2147483647> : vector<512xi32>
        %reduce_min3A_224 = vector.multi_reduction <minsi>, %select_n3A_222, %reduce_min3A_223 [1] : vector<512x1408xi32> to vector<512xi32>
        %broadcast_in_dim3A_225 = vector.shape_cast %reduce_min3A_224 : vector<512xi32> to vector<512x1xi32>
        %eq3A_226 = vector.broadcast %scan3A_202 : i32 to vector<512x20xi32>
        %eq3A_227 = arith.cmpi eq, %iota3A_45, %eq3A_226 : vector<512x20xi32>
        %broadcast_in_dim3A_228 = vector.shape_cast %broadcast_in_dim3A_225 : vector<512x1xi32> to vector<512x1xi32>
        %broadcast_in_dim3A_229 = vector.broadcast %broadcast_in_dim3A_228 : vector<512x1xi32> to vector<512x20xi32>
        %select_n3A_230 = arith.select %eq3A_227, %broadcast_in_dim3A_229, %scan3A_203 : vector<512x20xi1>, vector<512x20xi32>
        scf.yield %select_n3A_230, %broadcast_in_dim3A_225 : vector<512x20xi32>, vector<512x1xi32>
      }
      %scan3A_187 = arith.constant 20 : i32
      %get3A_188 = arith.index_cast %multiple_of3A_154 : i32 to index
      %get3A_189 = arith.constant 0 : index
      %get3A_190 = vector.load %arg8[%get3A_188, %get3A_189] : memref<4096x20xi32, #tpu.memory_space<vmem>>, vector<512x20xi32>
      %eq3A = arith.constant 3 : i32
      %eq3A_191 = vector.broadcast %eq3A : i32 to vector<512x1xi32>
      %eq3A_192 = arith.cmpi eq, %get3A_172, %eq3A_191 : vector<512x1xi32>
      %add3A_193 = vector.broadcast %multiple_of3A_124 : i32 to vector<512x20xi32>
      %add3A_194 = arith.addi %scan3A_186#0, %add3A_193 : vector<512x20xi32>
      %broadcast_in_dim3A_195 = vector.shape_cast %eq3A_192 : vector<512x1xi1> to vector<512x1xi1>
      %broadcast_in_dim3A_196 = vector.broadcast %broadcast_in_dim3A_195 : vector<512x1xi1> to vector<512x20xi1>
      %select_n3A_197 = arith.select %broadcast_in_dim3A_196, %add3A_194, %get3A_190 : vector<512x20xi1>, vector<512x20xi32>
      %swap3A_198 = arith.index_cast %multiple_of3A_154 : i32 to index
      %swap3A_199 = arith.constant 0 : index
      %swap3A_200 = vector.load %arg8[%swap3A_198, %swap3A_199] : memref<4096x20xi32, #tpu.memory_space<vmem>>, vector<512x20xi32>
      tpu.vector_store %arg8[%swap3A_198, %swap3A_199], %select_n3A_197 {strides = array<i32>} : memref<4096x20xi32, #tpu.memory_space<vmem>>, vector<512x20xi32>,
      %while3A_201 = arith.constant 0 : i32
      scf.yield %while3A_201 : i32
    }
    return
  }
}

module attributes {stable_mosaic.version = 14 : i64} {
  func.func @_mid_body(%arg0: memref<4096x128xf32, #tpu.memory_space<vmem>>, %arg1: memref<4096x128xf32, #tpu.memory_space<vmem>>, %arg2: memref<81920x128xf32, #tpu.memory_space<any>>, %arg3: memref<4096x1xi32, #tpu.memory_space<vmem>>, %arg4: memref<1x4096xi32, #tpu.memory_space<vmem>>, %arg5: memref<8xi32, #tpu.memory_space<smem>>, %arg6: memref<128x128xf32, #tpu.memory_space<vmem>>, %arg7: memref<256x256xf32, #tpu.memory_space<vmem>>, %arg8: memref<1x256xf32, #tpu.memory_space<vmem>>, %arg9: memref<4096x20xi32, #tpu.memory_space<vmem>>, %arg10: memref<4096x128xf32, #tpu.memory_space<vmem>>, %arg11: memref<4096x256xf32, #tpu.memory_space<vmem>>, %arg12: memref<128x4096xf32, #tpu.memory_space<vmem>>, %arg13: memref<1x4096xf32, #tpu.memory_space<vmem>>, %arg14: memref<512x1408xf32, #tpu.memory_space<vmem>>, %arg15: memref<2x4096x128xf32, #tpu.memory_space<vmem>>, %arg16: memref<2x!tpu.dma_semaphore, #tpu.memory_space<semaphore_mem>>) attributes {dimension_semantics = [], scalar_prefetch = 0 : i64, scratch_operands = 5 : i64, tpu.core_type = #tpu.core_type<tc>} {
    %get3A = arith.constant 0 : index
    %get3A_0 = arith.constant 0 : index
    %get3A_1 = vector.load %arg0[%get3A, %get3A_0] : memref<4096x128xf32, #tpu.memory_space<vmem>>, vector<4096x64xf32>
    %get3A_2 = arith.constant 0 : index
    %get3A_3 = arith.constant 0 : index
    %get3A_4 = vector.load %arg1[%get3A_2, %get3A_3] : memref<4096x128xf32, #tpu.memory_space<vmem>>, vector<4096x128xf32>
    %get3A_5 = arith.constant 64 : index
    %get3A_6 = arith.constant 0 : index
    %get3A_7 = vector.load %arg6[%get3A_5, %get3A_6] : memref<128x128xf32, #tpu.memory_space<vmem>>, vector<64x128xf32>
    %dma_start3A = arith.constant 0 : i32
    %dma_start3A_8 = arith.constant 0 : i32
    %dma_start3A_9 = tpu.memref_slice %arg16[%dma_start3A_8] : memref<2x!tpu.dma_semaphore, #tpu.memory_space<semaphore_mem>> -> memref<1x!tpu.dma_semaphore, #tpu.memory_space<semaphore_mem>>
    %dma_start3A_10 = tpu.memref_squeeze %dma_start3A_9 : memref<1x!tpu.dma_semaphore, #tpu.memory_space<semaphore_mem>> -> memref<!tpu.dma_semaphore, #tpu.memory_space<semaphore_mem>>
    %dma_start3A_11 = arith.constant 0 : i32
    %dma_start3A_12 = arith.constant 0 : i32
    %dma_start3A_13 = tpu.memref_slice %arg15[%dma_start3A, %dma_start3A_11, %dma_start3A_12] : memref<2x4096x128xf32, #tpu.memory_space<vmem>> -> memref<1x4096x128xf32, #tpu.memory_space<vmem>>
    %dma_start3A_14 = tpu.memref_squeeze %dma_start3A_13 : memref<1x4096x128xf32, #tpu.memory_space<vmem>> -> memref<4096x128xf32, #tpu.memory_space<vmem>>
    %dma_start3A_15 = arith.constant 0 : i32
    %dma_start3A_16 = arith.constant 0 : i32
    %dma_start3A_17 = tpu.memref_slice %arg2[%dma_start3A_15, %dma_start3A_16] : memref<81920x128xf32, #tpu.memory_space<any>> -> memref<4096x128xf32, #tpu.memory_space<any>>
    tpu.enqueue_dma source(%dma_start3A_17 : memref<4096x128xf32, #tpu.memory_space<any>>) target(%dma_start3A_14 : memref<4096x128xf32, #tpu.memory_space<vmem>>) target_semaphore(%dma_start3A_10 : memref<!tpu.dma_semaphore, #tpu.memory_space<semaphore_mem>>)
    %broadcast_in_dim3A = arith.constant 0xFF800000 : f32
    %broadcast_in_dim3A_18 = vector.broadcast %broadcast_in_dim3A : f32 to vector<4096x128xf32>
    %scan3A = arith.constant 0 : i32
    %scan3A_19 = arith.constant 20 : i32
    %scan3A_20 = arith.addi %scan3A, %scan3A_19 : i32
    %scan3A_21 = arith.constant 1 : i32
    %scan3A_22 = scf.for %scan3A_151 = %scan3A to %scan3A_20 step %scan3A_21 iter_args(%scan3A_152 = %broadcast_in_dim3A_18) -> (vector<4096x128xf32>)  : i32 {
      %jit3A = arith.constant 2 : i32
      %eq3A = arith.constant 0 : i32
      %eq3A_153 = arith.cmpi eq, %jit3A, %eq3A : i32
      %jit3A_154 = arith.constant 1 : i32
      %select_n3A = arith.select %eq3A_153, %jit3A_154, %jit3A : i32
      %rem3A = arith.remsi %scan3A_151, %select_n3A : i32
      %ne3A = arith.constant 0 : i32
      %ne3A_155 = arith.cmpi ne, %rem3A, %ne3A : i32
      %lt3A = arith.constant 0 : i32
      %lt3A_156 = arith.cmpi slt, %rem3A, %lt3A : i32
      %lt3A_157 = arith.constant 0 : i32
      %lt3A_158 = arith.cmpi slt, %select_n3A, %lt3A_157 : i32
      %ne3A_159 = arith.xori %lt3A_156, %lt3A_158 : i1
      %and3A = arith.andi %ne3A_159, %ne3A_155 : i1
      %add3A_160 = arith.addi %rem3A, %select_n3A : i32
      %select_n3A_161 = arith.select %and3A, %add3A_160, %rem3A : i32
      %add3A_162 = arith.constant 1 : i32
      %add3A_163 = arith.addi %scan3A_151, %add3A_162 : i32
      %lt3A_164 = arith.constant 20 : i32
      %lt3A_165 = arith.cmpi slt, %add3A_163, %lt3A_164 : i32
      %convert_element_type3A = arith.extui %lt3A_165 : i1 to i32
      %cond3A = arith.constant 0 : i32
      %cond3A_166 = arith.cmpi ne, %convert_element_type3A, %cond3A : i32
      scf.if %cond3A_166 {
        %add3A_187 = arith.constant 1 : i32
        %add3A_188 = arith.addi %scan3A_151, %add3A_187 : i32
        %sub3A_189 = arith.constant 1 : i32
        %sub3A_190 = arith.subi %sub3A_189, %select_n3A_161 : i32
        %mul3A_191 = arith.constant 4096 : i32
        %mul3A_192 = arith.muli %add3A_188, %mul3A_191 : i32
        %dma_start3A_193 = tpu.memref_slice %arg16[%sub3A_190] : memref<2x!tpu.dma_semaphore, #tpu.memory_space<semaphore_mem>> -> memref<1x!tpu.dma_semaphore, #tpu.memory_space<semaphore_mem>>
        %dma_start3A_194 = tpu.memref_squeeze %dma_start3A_193 : memref<1x!tpu.dma_semaphore, #tpu.memory_space<semaphore_mem>> -> memref<!tpu.dma_semaphore, #tpu.memory_space<semaphore_mem>>
        %dma_start3A_195 = arith.constant 0 : i32
        %dma_start3A_196 = arith.constant 0 : i32
        %dma_start3A_197 = tpu.memref_slice %arg15[%sub3A_190, %dma_start3A_195, %dma_start3A_196] : memref<2x4096x128xf32, #tpu.memory_space<vmem>> -> memref<1x4096x128xf32, #tpu.memory_space<vmem>>
        %dma_start3A_198 = tpu.memref_squeeze %dma_start3A_197 : memref<1x4096x128xf32, #tpu.memory_space<vmem>> -> memref<4096x128xf32, #tpu.memory_space<vmem>>
        %dma_start3A_199 = arith.constant 0 : i32
        %dma_start3A_200 = tpu.memref_slice %arg2[%mul3A_192, %dma_start3A_199] : memref<81920x128xf32, #tpu.memory_space<any>> -> memref<4096x128xf32, #tpu.memory_space<any>>
        tpu.enqueue_dma source(%dma_start3A_200 : memref<4096x128xf32, #tpu.memory_space<any>>) target(%dma_start3A_198 : memref<4096x128xf32, #tpu.memory_space<vmem>>) target_semaphore(%dma_start3A_194 : memref<!tpu.dma_semaphore, #tpu.memory_space<semaphore_mem>>)
      } else {
      }
      %mul3A_167 = arith.constant 4096 : i32
      %mul3A_168 = arith.muli %scan3A_151, %mul3A_167 : i32
      %dma_wait3A = tpu.memref_slice %arg16[%select_n3A_161] : memref<2x!tpu.dma_semaphore, #tpu.memory_space<semaphore_mem>> -> memref<1x!tpu.dma_semaphore, #tpu.memory_space<semaphore_mem>>
      %dma_wait3A_169 = tpu.memref_squeeze %dma_wait3A : memref<1x!tpu.dma_semaphore, #tpu.memory_space<semaphore_mem>> -> memref<!tpu.dma_semaphore, #tpu.memory_space<semaphore_mem>>
      %dma_wait3A_170 = arith.constant 0 : i32
      %dma_wait3A_171 = arith.constant 0 : i32
      %dma_wait3A_172 = tpu.memref_slice %arg15[%select_n3A_161, %dma_wait3A_170, %dma_wait3A_171] : memref<2x4096x128xf32, #tpu.memory_space<vmem>> -> memref<1x4096x128xf32, #tpu.memory_space<vmem>>
      %dma_wait3A_173 = tpu.memref_squeeze %dma_wait3A_172 : memref<1x4096x128xf32, #tpu.memory_space<vmem>> -> memref<4096x128xf32, #tpu.memory_space<vmem>>
      %dma_wait3A_174 = arith.constant 0 : i32
      %dma_wait3A_175 = tpu.memref_slice %arg2[%mul3A_168, %dma_wait3A_174] : memref<81920x128xf32, #tpu.memory_space<any>> -> memref<4096x128xf32, #tpu.memory_space<any>>
      tpu.wait_dma2 semaphore(%dma_wait3A_169 : memref<!tpu.dma_semaphore, #tpu.memory_space<semaphore_mem>>) src(%dma_wait3A_175 : memref<4096x128xf32, #tpu.memory_space<any>>) dst(%dma_wait3A_173 : memref<4096x128xf32, #tpu.memory_space<vmem>>)
      %get3A_176 = arith.index_cast %select_n3A_161 : i32 to index
      %get3A_177 = arith.constant 0 : index
      %get3A_178 = arith.constant 0 : index
      %get3A_179 = vector.load %arg15[%get3A_176, %get3A_177, %get3A_178] : memref<2x4096x128xf32, #tpu.memory_space<vmem>>, vector<1x4096x128xf32>
      %get3A_180 = vector.shape_cast %get3A_179 : vector<1x4096x128xf32> to vector<4096x128xf32>
      %slice3A = vector.extract_strided_slice %get3A_180 {offsets = [0, 0], sizes = [4096, 64], strides = [1, 1]} : vector<4096x128xf32> to vector<4096x64xf32>
      %sub3A = arith.subf %slice3A, %get3A_1 : vector<4096x64xf32>
      %dot_general3A_181 = arith.constant dense<0.000000e+00> : vector<4096x128xf32>
      %dot_general3A_182 = tpu.matmul %sub3A, %get3A_7, %dot_general3A_181 {dimension_numbers = #tpu.dot_dimension_numbers<[1], [0], [0], [1], [0, 0, 1, 1], [], []>, transpose_lhs_hint = false} : vector<4096x64xf32>, vector<64x128xf32>, vector<4096x128xf32> -> vector<4096x128xf32>
      %add3A_183 = arith.addf %get3A_4, %dot_general3A_182 : vector<4096x128xf32>
      %max3A = arith.constant 0.000000e+00 : f32
      %max3A_184 = vector.broadcast %max3A : f32 to vector<4096x128xf32>
      %max3A_185 = arith.maximumf %add3A_183, %max3A_184 : vector<4096x128xf32>
      %max3A_186 = arith.maximumf %scan3A_152, %max3A_185 : vector<4096x128xf32>
      scf.yield %max3A_186 : vector<4096x128xf32>
    }
    %scan3A_23 = arith.constant 20 : i32
    %swap3A = arith.constant 0 : index
    %swap3A_24 = arith.constant 0 : index
    %swap3A_25 = vector.load %arg10[%swap3A, %swap3A_24] : memref<4096x128xf32, #tpu.memory_space<vmem>>, vector<4096x128xf32>
    tpu.vector_store %arg10[%swap3A, %swap3A_24], %scan3A_22 {strides = array<i32>} : memref<4096x128xf32, #tpu.memory_space<vmem>>, vector<4096x128xf32>,
    %transpose3A = tpu.transpose %scan3A_22, [1, 0] : vector<4096x128xf32> -> vector<128x4096xf32>
    %swap3A_26 = arith.constant 0 : index
    %swap3A_27 = arith.constant 0 : index
    %swap3A_28 = vector.load %arg12[%swap3A_26, %swap3A_27] : memref<128x4096xf32, #tpu.memory_space<vmem>>, vector<128x4096xf32>
    tpu.vector_store %arg12[%swap3A_26, %swap3A_27], %transpose3A {strides = array<i32>} : memref<128x4096xf32, #tpu.memory_space<vmem>>, vector<128x4096xf32>,
    %get3A_29 = arith.constant 0 : index
    %get3A_30 = arith.constant 0 : index
    %get3A_31 = vector.load %arg7[%get3A_29, %get3A_30] : memref<256x256xf32, #tpu.memory_space<vmem>>, vector<128x256xf32>
    %dot_general3A = arith.constant dense<0.000000e+00> : vector<4096x256xf32>
    %dot_general3A_32 = tpu.matmul %scan3A_22, %get3A_31, %dot_general3A {dimension_numbers = #tpu.dot_dimension_numbers<[1], [0], [0], [1], [0, 0, 1, 1], [], []>, transpose_lhs_hint = false} : vector<4096x128xf32>, vector<128x256xf32>, vector<4096x256xf32> -> vector<4096x256xf32>
    %get3A_33 = arith.constant 0 : index
    %get3A_34 = arith.constant 0 : index
    %get3A_35 = vector.load %arg8[%get3A_33, %get3A_34] : memref<1x256xf32, #tpu.memory_space<vmem>>, vector<1x256xf32>
    %add3A = vector.broadcast %get3A_35 : vector<1x256xf32> to vector<4096x256xf32>
    %add3A_36 = arith.addf %dot_general3A_32, %add3A : vector<4096x256xf32>
    %swap3A_37 = arith.constant 0 : index
    %swap3A_38 = arith.constant 0 : index
    %swap3A_39 = vector.load %arg11[%swap3A_37, %swap3A_38] : memref<4096x256xf32, #tpu.memory_space<vmem>>, vector<4096x256xf32>
    tpu.vector_store %arg11[%swap3A_37, %swap3A_38], %add3A_36 {strides = array<i32>} : memref<4096x256xf32, #tpu.memory_space<vmem>>, vector<4096x256xf32>,
    %get3A_40 = arith.constant 0 : index
    %get3A_41 = arith.constant 0 : index
    %get3A_42 = vector.load %arg12[%get3A_40, %get3A_41] : memref<128x4096xf32, #tpu.memory_space<vmem>>, vector<128x4096xf32>
    %mul3A = arith.mulf %get3A_42, %get3A_42 : vector<128x4096xf32>
    %reduce_sum3A = arith.constant dense<0.000000e+00> : vector<4096xf32>
    %reduce_sum3A_43 = vector.multi_reduction <add>, %mul3A, %reduce_sum3A [0] : vector<128x4096xf32> to vector<4096xf32>
    %broadcast_in_dim3A_44 = vector.shape_cast %reduce_sum3A_43 : vector<4096xf32> to vector<1x4096xf32>
    %swap3A_45 = arith.constant 0 : index
    %swap3A_46 = arith.constant 0 : index
    %swap3A_47 = vector.load %arg13[%swap3A_45, %swap3A_46] : memref<1x4096xf32, #tpu.memory_space<vmem>>, vector<1x4096xf32>
    tpu.vector_store %arg13[%swap3A_45, %swap3A_46], %broadcast_in_dim3A_44 {strides = array<i32>} : memref<1x4096xf32, #tpu.memory_space<vmem>>, vector<1x4096xf32>,
    %iota3A = tpu.iota {dimensions = array<i32: 1>} : vector<512x1408xi32>
    %iota3A_48 = tpu.iota {dimensions = array<i32: 1>} : vector<512x20xi32>
    %get3A_49 = arith.constant 0 : index
    %get3A_50 = memref.load %arg5[%get3A_49] : memref<8xi32, #tpu.memory_space<smem>>
    %multiple_of3A = tpu.assume_multiple %get3A_50, 128 : i32
    %get3A_51 = arith.constant 0 : index
    %get3A_52 = arith.index_cast %multiple_of3A : i32 to index
    %get3A_53 = vector.load %arg12[%get3A_51, %get3A_52] : memref<128x4096xf32, #tpu.memory_space<vmem>>, vector<128x1408xf32>
    %get3A_54 = arith.constant 0 : index
    %get3A_55 = arith.index_cast %multiple_of3A : i32 to index
    %get3A_56 = vector.load %arg13[%get3A_54, %get3A_55] : memref<1x4096xf32, #tpu.memory_space<vmem>>, vector<1x1408xf32>
    %get3A_57 = arith.constant 0 : index
    %get3A_58 = arith.index_cast %multiple_of3A : i32 to index
    %get3A_59 = vector.load %arg4[%get3A_57, %get3A_58] : memref<1x4096xi32, #tpu.memory_space<vmem>>, vector<1x1408xi32>
    %get3A_60 = arith.constant 4 : index
    %get3A_61 = memref.load %arg5[%get3A_60] : memref<8xi32, #tpu.memory_space<smem>>
    %while3A = arith.constant 0 : i32
    %while3A_62 = arith.constant 0 : i32
    %while3A_63 = arith.subi %get3A_61, %while3A : i32
    %while3A_64 = arith.addi %while3A, %while3A_63 : i32
    %while3A_65 = arith.constant 1 : i32
    %while3A_66 = arith.divsi %while3A_63, %while3A_65 : i32
    %while3A_67 = arith.muli %while3A_66, %while3A_65 : i32
    %while3A_68 = arith.addi %while3A, %while3A_67 : i32
    %while3A_69 = arith.constant 1 : i32
    %while3A_70 = scf.for %while3A_151 = %while3A to %while3A_68 step %while3A_69 iter_args(%while3A_152 = %while3A_62) -> (i32)  : i32 {
      %mul3A_153 = arith.constant 512 : i32
      %mul3A_154 = arith.muli %while3A_151, %mul3A_153 : i32
      %add3A_155 = arith.addi %multiple_of3A, %mul3A_154 : i32
      %min3A = arith.constant 3584 : i32
      %min3A_156 = arith.minsi %add3A_155, %min3A : i32
      %multiple_of3A_157 = tpu.assume_multiple %min3A_156, 128 : i32
      %get3A_158 = arith.index_cast %multiple_of3A_157 : i32 to index
      %get3A_159 = arith.constant 0 : index
      %get3A_160 = vector.load %arg10[%get3A_158, %get3A_159] : memref<4096x128xf32, #tpu.memory_space<vmem>>, vector<512x128xf32>
      %dot_general3A_161 = arith.constant dense<0.000000e+00> : vector<512x1408xf32>
      %dot_general3A_162 = tpu.matmul %get3A_160, %get3A_53, %dot_general3A_161 {dimension_numbers = #tpu.dot_dimension_numbers<[1], [0], [0], [1], [0, 0, 1, 1], [], []>, transpose_lhs_hint = false} : vector<512x128xf32>, vector<128x1408xf32>, vector<512x1408xf32> -> vector<512x1408xf32>
      %mul3A_163 = arith.mulf %get3A_160, %get3A_160 : vector<512x128xf32>
      %reduce_sum3A_164 = arith.constant dense<0.000000e+00> : vector<512xf32>
      %reduce_sum3A_165 = vector.multi_reduction <add>, %mul3A_163, %reduce_sum3A_164 [1] : vector<512x128xf32> to vector<512xf32>
      %broadcast_in_dim3A_166 = vector.shape_cast %reduce_sum3A_165 : vector<512xf32> to vector<512x1xf32>
      %add3A_167 = vector.broadcast %broadcast_in_dim3A_166 : vector<512x1xf32> to vector<512x1408xf32>
      %add3A_168 = vector.broadcast %get3A_56 : vector<1x1408xf32> to vector<512x1408xf32>
      %add3A_169 = arith.addf %add3A_167, %add3A_168 : vector<512x1408xf32>
      %mul3A_170 = arith.constant 2.000000e+00 : f32
      %mul3A_171 = vector.broadcast %mul3A_170 : f32 to vector<512x1408xf32>
      %mul3A_172 = arith.mulf %mul3A_171, %dot_general3A_162 : vector<512x1408xf32>
      %sub3A = arith.subf %add3A_169, %mul3A_172 : vector<512x1408xf32>
      %get3A_173 = arith.index_cast %multiple_of3A_157 : i32 to index
      %get3A_174 = arith.constant 0 : index
      %get3A_175 = vector.load %arg3[%get3A_173, %get3A_174] : memref<4096x1xi32, #tpu.memory_space<vmem>>, vector<512x1xi32>
      %ne3A = vector.broadcast %get3A_175 : vector<512x1xi32> to vector<512x1408xi32>
      %ne3A_176 = vector.broadcast %get3A_59 : vector<1x1408xi32> to vector<512x1408xi32>
      %ne3A_177 = arith.cmpi ne, %ne3A, %ne3A_176 : vector<512x1408xi32>
      %jit3A = arith.constant 1.000000e+10 : f32
      %broadcast_in_dim3A_178 = vector.broadcast %jit3A : f32 to vector<512x1408xf32>
      %select_n3A = arith.select %ne3A_177, %broadcast_in_dim3A_178, %sub3A : vector<512x1408xi1>, vector<512x1408xf32>
      %swap3A_179 = arith.constant 0 : index
      %swap3A_180 = arith.constant 0 : index
      %swap3A_181 = vector.load %arg14[%swap3A_179, %swap3A_180] : memref<512x1408xf32, #tpu.memory_space<vmem>>, vector<512x1408xf32>
      tpu.vector_store %arg14[%swap3A_179, %swap3A_180], %select_n3A {strides = array<i32>} : memref<512x1408xf32, #tpu.memory_space<vmem>>, vector<512x1408xf32>,
      %broadcast_in_dim3A_182 = arith.constant 0 : i32
      %broadcast_in_dim3A_183 = vector.broadcast %broadcast_in_dim3A_182 : i32 to vector<512x20xi32>
      %broadcast_in_dim3A_184 = arith.constant -1 : i32
      %broadcast_in_dim3A_185 = vector.broadcast %broadcast_in_dim3A_184 : i32 to vector<512x1xi32>
      %scan3A_186 = arith.constant 0 : i32
      %scan3A_187 = arith.constant 20 : i32
      %scan3A_188 = arith.addi %scan3A_186, %scan3A_187 : i32
      %scan3A_189 = arith.constant 1 : i32
      %scan3A_190:2 = scf.for %scan3A_206 = %scan3A_186 to %scan3A_188 step %scan3A_189 iter_args(%scan3A_207 = %broadcast_in_dim3A_183, %scan3A_208 = %broadcast_in_dim3A_185) -> (vector<512x20xi32>, vector<512x1xi32>)  : i32 {
        %eq3A_209 = vector.broadcast %scan3A_208 : vector<512x1xi32> to vector<512x1408xi32>
        %eq3A_210 = arith.cmpi eq, %iota3A, %eq3A_209 : vector<512x1408xi32>
        %get3A_211 = arith.constant 0 : index
        %get3A_212 = arith.constant 0 : index
        %get3A_213 = vector.load %arg14[%get3A_211, %get3A_212] : memref<512x1408xf32, #tpu.memory_space<vmem>>, vector<512x1408xf32>
        %jit3A_214 = arith.constant 0x7F800000 : f32
        %broadcast_in_dim3A_215 = vector.broadcast %jit3A_214 : f32 to vector<512x1408xf32>
        %select_n3A_216 = arith.select %eq3A_210, %broadcast_in_dim3A_215, %get3A_213 : vector<512x1408xi1>, vector<512x1408xf32>
        %swap3A_217 = arith.constant 0 : index
        %swap3A_218 = arith.constant 0 : index
        %swap3A_219 = vector.load %arg14[%swap3A_217, %swap3A_218] : memref<512x1408xf32, #tpu.memory_space<vmem>>, vector<512x1408xf32>
        tpu.vector_store %arg14[%swap3A_217, %swap3A_218], %select_n3A_216 {strides = array<i32>} : memref<512x1408xf32, #tpu.memory_space<vmem>>, vector<512x1408xf32>,
        %reduce_min3A = arith.constant dense<0x7F800000> : vector<512xf32>
        %reduce_min3A_220 = vector.multi_reduction <minimumf>, %select_n3A_216, %reduce_min3A [1] : vector<512x1408xf32> to vector<512xf32>
        %broadcast_in_dim3A_221 = vector.shape_cast %reduce_min3A_220 : vector<512xf32> to vector<512x1xf32>
        %eq3A_222 = vector.broadcast %broadcast_in_dim3A_221 : vector<512x1xf32> to vector<512x1408xf32>
        %eq3A_223 = arith.cmpf oeq, %select_n3A_216, %eq3A_222 : vector<512x1408xf32>
        %jit3A_224 = arith.constant 1073741824 : i32
        %broadcast_in_dim3A_225 = vector.broadcast %jit3A_224 : i32 to vector<512x1408xi32>
        %select_n3A_226 = arith.select %eq3A_223, %iota3A, %broadcast_in_dim3A_225 : vector<512x1408xi1>, vector<512x1408xi32>
        %reduce_min3A_227 = arith.constant dense<2147483647> : vector<512xi32>
        %reduce_min3A_228 = vector.multi_reduction <minsi>, %select_n3A_226, %reduce_min3A_227 [1] : vector<512x1408xi32> to vector<512xi32>
        %broadcast_in_dim3A_229 = vector.shape_cast %reduce_min3A_228 : vector<512xi32> to vector<512x1xi32>
        %eq3A_230 = vector.broadcast %scan3A_206 : i32 to vector<512x20xi32>
        %eq3A_231 = arith.cmpi eq, %iota3A_48, %eq3A_230 : vector<512x20xi32>
        %broadcast_in_dim3A_232 = vector.shape_cast %broadcast_in_dim3A_229 : vector<512x1xi32> to vector<512x1xi32>
        %broadcast_in_dim3A_233 = vector.broadcast %broadcast_in_dim3A_232 : vector<512x1xi32> to vector<512x20xi32>
        %select_n3A_234 = arith.select %eq3A_231, %broadcast_in_dim3A_233, %scan3A_207 : vector<512x20xi1>, vector<512x20xi32>
        scf.yield %select_n3A_234, %broadcast_in_dim3A_229 : vector<512x20xi32>, vector<512x1xi32>
      }
      %scan3A_191 = arith.constant 20 : i32
      %get3A_192 = arith.index_cast %multiple_of3A_157 : i32 to index
      %get3A_193 = arith.constant 0 : index
      %get3A_194 = vector.load %arg9[%get3A_192, %get3A_193] : memref<4096x20xi32, #tpu.memory_space<vmem>>, vector<512x20xi32>
      %eq3A = arith.constant 0 : i32
      %eq3A_195 = vector.broadcast %eq3A : i32 to vector<512x1xi32>
      %eq3A_196 = arith.cmpi eq, %get3A_175, %eq3A_195 : vector<512x1xi32>
      %add3A_197 = vector.broadcast %multiple_of3A : i32 to vector<512x20xi32>
      %add3A_198 = arith.addi %scan3A_190#0, %add3A_197 : vector<512x20xi32>
      %broadcast_in_dim3A_199 = vector.shape_cast %eq3A_196 : vector<512x1xi1> to vector<512x1xi1>
      %broadcast_in_dim3A_200 = vector.broadcast %broadcast_in_dim3A_199 : vector<512x1xi1> to vector<512x20xi1>
      %select_n3A_201 = arith.select %broadcast_in_dim3A_200, %add3A_198, %get3A_194 : vector<512x20xi1>, vector<512x20xi32>
      %swap3A_202 = arith.index_cast %multiple_of3A_157 : i32 to index
      %swap3A_203 = arith.constant 0 : index
      %swap3A_204 = vector.load %arg9[%swap3A_202, %swap3A_203] : memref<4096x20xi32, #tpu.memory_space<vmem>>, vector<512x20xi32>
      tpu.vector_store %arg9[%swap3A_202, %swap3A_203], %select_n3A_201 {strides = array<i32>} : memref<4096x20xi32, #tpu.memory_space<vmem>>, vector<512x20xi32>,
      %while3A_205 = arith.constant 0 : i32
      scf.yield %while3A_205 : i32
    }
    %while3A_71 = arith.constant 1 : i32
    %while3A_72 = scf.for %while3A_151 = %while3A_68 to %while3A_64 step %while3A_71 iter_args(%while3A_152 = %while3A_70) -> (i32)  : i32 {
      %mul3A_153 = arith.constant 512 : i32
      %mul3A_154 = arith.muli %while3A_151, %mul3A_153 : i32
      %add3A_155 = arith.addi %multiple_of3A, %mul3A_154 : i32
      %min3A = arith.constant 3584 : i32
      %min3A_156 = arith.minsi %add3A_155, %min3A : i32
      %multiple_of3A_157 = tpu.assume_multiple %min3A_156, 128 : i32
      %get3A_158 = arith.index_cast %multiple_of3A_157 : i32 to index
      %get3A_159 = arith.constant 0 : index
      %get3A_160 = vector.load %arg10[%get3A_158, %get3A_159] : memref<4096x128xf32, #tpu.memory_space<vmem>>, vector<512x128xf32>
      %dot_general3A_161 = arith.constant dense<0.000000e+00> : vector<512x1408xf32>
      %dot_general3A_162 = tpu.matmul %get3A_160, %get3A_53, %dot_general3A_161 {dimension_numbers = #tpu.dot_dimension_numbers<[1], [0], [0], [1], [0, 0, 1, 1], [], []>, transpose_lhs_hint = false} : vector<512x128xf32>, vector<128x1408xf32>, vector<512x1408xf32> -> vector<512x1408xf32>
      %mul3A_163 = arith.mulf %get3A_160, %get3A_160 : vector<512x128xf32>
      %reduce_sum3A_164 = arith.constant dense<0.000000e+00> : vector<512xf32>
      %reduce_sum3A_165 = vector.multi_reduction <add>, %mul3A_163, %reduce_sum3A_164 [1] : vector<512x128xf32> to vector<512xf32>
      %broadcast_in_dim3A_166 = vector.shape_cast %reduce_sum3A_165 : vector<512xf32> to vector<512x1xf32>
      %add3A_167 = vector.broadcast %broadcast_in_dim3A_166 : vector<512x1xf32> to vector<512x1408xf32>
      %add3A_168 = vector.broadcast %get3A_56 : vector<1x1408xf32> to vector<512x1408xf32>
      %add3A_169 = arith.addf %add3A_167, %add3A_168 : vector<512x1408xf32>
      %mul3A_170 = arith.constant 2.000000e+00 : f32
      %mul3A_171 = vector.broadcast %mul3A_170 : f32 to vector<512x1408xf32>
      %mul3A_172 = arith.mulf %mul3A_171, %dot_general3A_162 : vector<512x1408xf32>
      %sub3A = arith.subf %add3A_169, %mul3A_172 : vector<512x1408xf32>
      %get3A_173 = arith.index_cast %multiple_of3A_157 : i32 to index
      %get3A_174 = arith.constant 0 : index
      %get3A_175 = vector.load %arg3[%get3A_173, %get3A_174] : memref<4096x1xi32, #tpu.memory_space<vmem>>, vector<512x1xi32>
      %ne3A = vector.broadcast %get3A_175 : vector<512x1xi32> to vector<512x1408xi32>
      %ne3A_176 = vector.broadcast %get3A_59 : vector<1x1408xi32> to vector<512x1408xi32>
      %ne3A_177 = arith.cmpi ne, %ne3A, %ne3A_176 : vector<512x1408xi32>
      %jit3A = arith.constant 1.000000e+10 : f32
      %broadcast_in_dim3A_178 = vector.broadcast %jit3A : f32 to vector<512x1408xf32>
      %select_n3A = arith.select %ne3A_177, %broadcast_in_dim3A_178, %sub3A : vector<512x1408xi1>, vector<512x1408xf32>
      %swap3A_179 = arith.constant 0 : index
      %swap3A_180 = arith.constant 0 : index
      %swap3A_181 = vector.load %arg14[%swap3A_179, %swap3A_180] : memref<512x1408xf32, #tpu.memory_space<vmem>>, vector<512x1408xf32>
      tpu.vector_store %arg14[%swap3A_179, %swap3A_180], %select_n3A {strides = array<i32>} : memref<512x1408xf32, #tpu.memory_space<vmem>>, vector<512x1408xf32>,
      %broadcast_in_dim3A_182 = arith.constant 0 : i32
      %broadcast_in_dim3A_183 = vector.broadcast %broadcast_in_dim3A_182 : i32 to vector<512x20xi32>
      %broadcast_in_dim3A_184 = arith.constant -1 : i32
      %broadcast_in_dim3A_185 = vector.broadcast %broadcast_in_dim3A_184 : i32 to vector<512x1xi32>
      %scan3A_186 = arith.constant 0 : i32
      %scan3A_187 = arith.constant 20 : i32
      %scan3A_188 = arith.addi %scan3A_186, %scan3A_187 : i32
      %scan3A_189 = arith.constant 1 : i32
      %scan3A_190:2 = scf.for %scan3A_206 = %scan3A_186 to %scan3A_188 step %scan3A_189 iter_args(%scan3A_207 = %broadcast_in_dim3A_183, %scan3A_208 = %broadcast_in_dim3A_185) -> (vector<512x20xi32>, vector<512x1xi32>)  : i32 {
        %eq3A_209 = vector.broadcast %scan3A_208 : vector<512x1xi32> to vector<512x1408xi32>
        %eq3A_210 = arith.cmpi eq, %iota3A, %eq3A_209 : vector<512x1408xi32>
        %get3A_211 = arith.constant 0 : index
        %get3A_212 = arith.constant 0 : index
        %get3A_213 = vector.load %arg14[%get3A_211, %get3A_212] : memref<512x1408xf32, #tpu.memory_space<vmem>>, vector<512x1408xf32>
        %jit3A_214 = arith.constant 0x7F800000 : f32
        %broadcast_in_dim3A_215 = vector.broadcast %jit3A_214 : f32 to vector<512x1408xf32>
        %select_n3A_216 = arith.select %eq3A_210, %broadcast_in_dim3A_215, %get3A_213 : vector<512x1408xi1>, vector<512x1408xf32>
        %swap3A_217 = arith.constant 0 : index
        %swap3A_218 = arith.constant 0 : index
        %swap3A_219 = vector.load %arg14[%swap3A_217, %swap3A_218] : memref<512x1408xf32, #tpu.memory_space<vmem>>, vector<512x1408xf32>
        tpu.vector_store %arg14[%swap3A_217, %swap3A_218], %select_n3A_216 {strides = array<i32>} : memref<512x1408xf32, #tpu.memory_space<vmem>>, vector<512x1408xf32>,
        %reduce_min3A = arith.constant dense<0x7F800000> : vector<512xf32>
        %reduce_min3A_220 = vector.multi_reduction <minimumf>, %select_n3A_216, %reduce_min3A [1] : vector<512x1408xf32> to vector<512xf32>
        %broadcast_in_dim3A_221 = vector.shape_cast %reduce_min3A_220 : vector<512xf32> to vector<512x1xf32>
        %eq3A_222 = vector.broadcast %broadcast_in_dim3A_221 : vector<512x1xf32> to vector<512x1408xf32>
        %eq3A_223 = arith.cmpf oeq, %select_n3A_216, %eq3A_222 : vector<512x1408xf32>
        %jit3A_224 = arith.constant 1073741824 : i32
        %broadcast_in_dim3A_225 = vector.broadcast %jit3A_224 : i32 to vector<512x1408xi32>
        %select_n3A_226 = arith.select %eq3A_223, %iota3A, %broadcast_in_dim3A_225 : vector<512x1408xi1>, vector<512x1408xi32>
        %reduce_min3A_227 = arith.constant dense<2147483647> : vector<512xi32>
        %reduce_min3A_228 = vector.multi_reduction <minsi>, %select_n3A_226, %reduce_min3A_227 [1] : vector<512x1408xi32> to vector<512xi32>
        %broadcast_in_dim3A_229 = vector.shape_cast %reduce_min3A_228 : vector<512xi32> to vector<512x1xi32>
        %eq3A_230 = vector.broadcast %scan3A_206 : i32 to vector<512x20xi32>
        %eq3A_231 = arith.cmpi eq, %iota3A_48, %eq3A_230 : vector<512x20xi32>
        %broadcast_in_dim3A_232 = vector.shape_cast %broadcast_in_dim3A_229 : vector<512x1xi32> to vector<512x1xi32>
        %broadcast_in_dim3A_233 = vector.broadcast %broadcast_in_dim3A_232 : vector<512x1xi32> to vector<512x20xi32>
        %select_n3A_234 = arith.select %eq3A_231, %broadcast_in_dim3A_233, %scan3A_207 : vector<512x20xi1>, vector<512x20xi32>
        scf.yield %select_n3A_234, %broadcast_in_dim3A_229 : vector<512x20xi32>, vector<512x1xi32>
      }
      %scan3A_191 = arith.constant 20 : i32
      %get3A_192 = arith.index_cast %multiple_of3A_157 : i32 to index
      %get3A_193 = arith.constant 0 : index
      %get3A_194 = vector.load %arg9[%get3A_192, %get3A_193] : memref<4096x20xi32, #tpu.memory_space<vmem>>, vector<512x20xi32>
      %eq3A = arith.constant 0 : i32
      %eq3A_195 = vector.broadcast %eq3A : i32 to vector<512x1xi32>
      %eq3A_196 = arith.cmpi eq, %get3A_175, %eq3A_195 : vector<512x1xi32>
      %add3A_197 = vector.broadcast %multiple_of3A : i32 to vector<512x20xi32>
      %add3A_198 = arith.addi %scan3A_190#0, %add3A_197 : vector<512x20xi32>
      %broadcast_in_dim3A_199 = vector.shape_cast %eq3A_196 : vector<512x1xi1> to vector<512x1xi1>
      %broadcast_in_dim3A_200 = vector.broadcast %broadcast_in_dim3A_199 : vector<512x1xi1> to vector<512x20xi1>
      %select_n3A_201 = arith.select %broadcast_in_dim3A_200, %add3A_198, %get3A_194 : vector<512x20xi1>, vector<512x20xi32>
      %swap3A_202 = arith.index_cast %multiple_of3A_157 : i32 to index
      %swap3A_203 = arith.constant 0 : index
      %swap3A_204 = vector.load %arg9[%swap3A_202, %swap3A_203] : memref<4096x20xi32, #tpu.memory_space<vmem>>, vector<512x20xi32>
      tpu.vector_store %arg9[%swap3A_202, %swap3A_203], %select_n3A_201 {strides = array<i32>} : memref<4096x20xi32, #tpu.memory_space<vmem>>, vector<512x20xi32>,
      %while3A_205 = arith.constant 0 : i32
      scf.yield %while3A_205 : i32
    }
    %get3A_73 = arith.constant 1 : index
    %get3A_74 = memref.load %arg5[%get3A_73] : memref<8xi32, #tpu.memory_space<smem>>
    %multiple_of3A_75 = tpu.assume_multiple %get3A_74, 128 : i32
    %get3A_76 = arith.constant 0 : index
    %get3A_77 = arith.index_cast %multiple_of3A_75 : i32 to index
    %get3A_78 = vector.load %arg12[%get3A_76, %get3A_77] : memref<128x4096xf32, #tpu.memory_space<vmem>>, vector<128x1408xf32>
    %get3A_79 = arith.constant 0 : index
    %get3A_80 = arith.index_cast %multiple_of3A_75 : i32 to index
    %get3A_81 = vector.load %arg13[%get3A_79, %get3A_80] : memref<1x4096xf32, #tpu.memory_space<vmem>>, vector<1x1408xf32>
    %get3A_82 = arith.constant 0 : index
    %get3A_83 = arith.index_cast %multiple_of3A_75 : i32 to index
    %get3A_84 = vector.load %arg4[%get3A_82, %get3A_83] : memref<1x4096xi32, #tpu.memory_space<vmem>>, vector<1x1408xi32>
    %get3A_85 = arith.constant 5 : index
    %get3A_86 = memref.load %arg5[%get3A_85] : memref<8xi32, #tpu.memory_space<smem>>
    %while3A_87 = arith.constant 0 : i32
    %while3A_88 = arith.constant 0 : i32
    %while3A_89 = arith.subi %get3A_86, %while3A_87 : i32
    %while3A_90 = arith.addi %while3A_87, %while3A_89 : i32
    %while3A_91 = arith.constant 1 : i32
    %while3A_92 = arith.divsi %while3A_89, %while3A_91 : i32
    %while3A_93 = arith.muli %while3A_92, %while3A_91 : i32
    %while3A_94 = arith.addi %while3A_87, %while3A_93 : i32
    %while3A_95 = arith.constant 1 : i32
    %while3A_96 = scf.for %while3A_151 = %while3A_87 to %while3A_94 step %while3A_95 iter_args(%while3A_152 = %while3A_88) -> (i32)  : i32 {
      %mul3A_153 = arith.constant 512 : i32
      %mul3A_154 = arith.muli %while3A_151, %mul3A_153 : i32
      %add3A_155 = arith.addi %multiple_of3A_75, %mul3A_154 : i32
      %min3A = arith.constant 3584 : i32
      %min3A_156 = arith.minsi %add3A_155, %min3A : i32
      %multiple_of3A_157 = tpu.assume_multiple %min3A_156, 128 : i32
      %get3A_158 = arith.index_cast %multiple_of3A_157 : i32 to index
      %get3A_159 = arith.constant 0 : index
      %get3A_160 = vector.load %arg10[%get3A_158, %get3A_159] : memref<4096x128xf32, #tpu.memory_space<vmem>>, vector<512x128xf32>
      %dot_general3A_161 = arith.constant dense<0.000000e+00> : vector<512x1408xf32>
      %dot_general3A_162 = tpu.matmul %get3A_160, %get3A_78, %dot_general3A_161 {dimension_numbers = #tpu.dot_dimension_numbers<[1], [0], [0], [1], [0, 0, 1, 1], [], []>, transpose_lhs_hint = false} : vector<512x128xf32>, vector<128x1408xf32>, vector<512x1408xf32> -> vector<512x1408xf32>
      %mul3A_163 = arith.mulf %get3A_160, %get3A_160 : vector<512x128xf32>
      %reduce_sum3A_164 = arith.constant dense<0.000000e+00> : vector<512xf32>
      %reduce_sum3A_165 = vector.multi_reduction <add>, %mul3A_163, %reduce_sum3A_164 [1] : vector<512x128xf32> to vector<512xf32>
      %broadcast_in_dim3A_166 = vector.shape_cast %reduce_sum3A_165 : vector<512xf32> to vector<512x1xf32>
      %add3A_167 = vector.broadcast %broadcast_in_dim3A_166 : vector<512x1xf32> to vector<512x1408xf32>
      %add3A_168 = vector.broadcast %get3A_81 : vector<1x1408xf32> to vector<512x1408xf32>
      %add3A_169 = arith.addf %add3A_167, %add3A_168 : vector<512x1408xf32>
      %mul3A_170 = arith.constant 2.000000e+00 : f32
      %mul3A_171 = vector.broadcast %mul3A_170 : f32 to vector<512x1408xf32>
      %mul3A_172 = arith.mulf %mul3A_171, %dot_general3A_162 : vector<512x1408xf32>
      %sub3A = arith.subf %add3A_169, %mul3A_172 : vector<512x1408xf32>
      %get3A_173 = arith.index_cast %multiple_of3A_157 : i32 to index
      %get3A_174 = arith.constant 0 : index
      %get3A_175 = vector.load %arg3[%get3A_173, %get3A_174] : memref<4096x1xi32, #tpu.memory_space<vmem>>, vector<512x1xi32>
      %ne3A = vector.broadcast %get3A_175 : vector<512x1xi32> to vector<512x1408xi32>
      %ne3A_176 = vector.broadcast %get3A_84 : vector<1x1408xi32> to vector<512x1408xi32>
      %ne3A_177 = arith.cmpi ne, %ne3A, %ne3A_176 : vector<512x1408xi32>
      %jit3A = arith.constant 1.000000e+10 : f32
      %broadcast_in_dim3A_178 = vector.broadcast %jit3A : f32 to vector<512x1408xf32>
      %select_n3A = arith.select %ne3A_177, %broadcast_in_dim3A_178, %sub3A : vector<512x1408xi1>, vector<512x1408xf32>
      %swap3A_179 = arith.constant 0 : index
      %swap3A_180 = arith.constant 0 : index
      %swap3A_181 = vector.load %arg14[%swap3A_179, %swap3A_180] : memref<512x1408xf32, #tpu.memory_space<vmem>>, vector<512x1408xf32>
      tpu.vector_store %arg14[%swap3A_179, %swap3A_180], %select_n3A {strides = array<i32>} : memref<512x1408xf32, #tpu.memory_space<vmem>>, vector<512x1408xf32>,
      %broadcast_in_dim3A_182 = arith.constant 0 : i32
      %broadcast_in_dim3A_183 = vector.broadcast %broadcast_in_dim3A_182 : i32 to vector<512x20xi32>
      %broadcast_in_dim3A_184 = arith.constant -1 : i32
      %broadcast_in_dim3A_185 = vector.broadcast %broadcast_in_dim3A_184 : i32 to vector<512x1xi32>
      %scan3A_186 = arith.constant 0 : i32
      %scan3A_187 = arith.constant 20 : i32
      %scan3A_188 = arith.addi %scan3A_186, %scan3A_187 : i32
      %scan3A_189 = arith.constant 1 : i32
      %scan3A_190:2 = scf.for %scan3A_206 = %scan3A_186 to %scan3A_188 step %scan3A_189 iter_args(%scan3A_207 = %broadcast_in_dim3A_183, %scan3A_208 = %broadcast_in_dim3A_185) -> (vector<512x20xi32>, vector<512x1xi32>)  : i32 {
        %eq3A_209 = vector.broadcast %scan3A_208 : vector<512x1xi32> to vector<512x1408xi32>
        %eq3A_210 = arith.cmpi eq, %iota3A, %eq3A_209 : vector<512x1408xi32>
        %get3A_211 = arith.constant 0 : index
        %get3A_212 = arith.constant 0 : index
        %get3A_213 = vector.load %arg14[%get3A_211, %get3A_212] : memref<512x1408xf32, #tpu.memory_space<vmem>>, vector<512x1408xf32>
        %jit3A_214 = arith.constant 0x7F800000 : f32
        %broadcast_in_dim3A_215 = vector.broadcast %jit3A_214 : f32 to vector<512x1408xf32>
        %select_n3A_216 = arith.select %eq3A_210, %broadcast_in_dim3A_215, %get3A_213 : vector<512x1408xi1>, vector<512x1408xf32>
        %swap3A_217 = arith.constant 0 : index
        %swap3A_218 = arith.constant 0 : index
        %swap3A_219 = vector.load %arg14[%swap3A_217, %swap3A_218] : memref<512x1408xf32, #tpu.memory_space<vmem>>, vector<512x1408xf32>
        tpu.vector_store %arg14[%swap3A_217, %swap3A_218], %select_n3A_216 {strides = array<i32>} : memref<512x1408xf32, #tpu.memory_space<vmem>>, vector<512x1408xf32>,
        %reduce_min3A = arith.constant dense<0x7F800000> : vector<512xf32>
        %reduce_min3A_220 = vector.multi_reduction <minimumf>, %select_n3A_216, %reduce_min3A [1] : vector<512x1408xf32> to vector<512xf32>
        %broadcast_in_dim3A_221 = vector.shape_cast %reduce_min3A_220 : vector<512xf32> to vector<512x1xf32>
        %eq3A_222 = vector.broadcast %broadcast_in_dim3A_221 : vector<512x1xf32> to vector<512x1408xf32>
        %eq3A_223 = arith.cmpf oeq, %select_n3A_216, %eq3A_222 : vector<512x1408xf32>
        %jit3A_224 = arith.constant 1073741824 : i32
        %broadcast_in_dim3A_225 = vector.broadcast %jit3A_224 : i32 to vector<512x1408xi32>
        %select_n3A_226 = arith.select %eq3A_223, %iota3A, %broadcast_in_dim3A_225 : vector<512x1408xi1>, vector<512x1408xi32>
        %reduce_min3A_227 = arith.constant dense<2147483647> : vector<512xi32>
        %reduce_min3A_228 = vector.multi_reduction <minsi>, %select_n3A_226, %reduce_min3A_227 [1] : vector<512x1408xi32> to vector<512xi32>
        %broadcast_in_dim3A_229 = vector.shape_cast %reduce_min3A_228 : vector<512xi32> to vector<512x1xi32>
        %eq3A_230 = vector.broadcast %scan3A_206 : i32 to vector<512x20xi32>
        %eq3A_231 = arith.cmpi eq, %iota3A_48, %eq3A_230 : vector<512x20xi32>
        %broadcast_in_dim3A_232 = vector.shape_cast %broadcast_in_dim3A_229 : vector<512x1xi32> to vector<512x1xi32>
        %broadcast_in_dim3A_233 = vector.broadcast %broadcast_in_dim3A_232 : vector<512x1xi32> to vector<512x20xi32>
        %select_n3A_234 = arith.select %eq3A_231, %broadcast_in_dim3A_233, %scan3A_207 : vector<512x20xi1>, vector<512x20xi32>
        scf.yield %select_n3A_234, %broadcast_in_dim3A_229 : vector<512x20xi32>, vector<512x1xi32>
      }
      %scan3A_191 = arith.constant 20 : i32
      %get3A_192 = arith.index_cast %multiple_of3A_157 : i32 to index
      %get3A_193 = arith.constant 0 : index
      %get3A_194 = vector.load %arg9[%get3A_192, %get3A_193] : memref<4096x20xi32, #tpu.memory_space<vmem>>, vector<512x20xi32>
      %eq3A = arith.constant 1 : i32
      %eq3A_195 = vector.broadcast %eq3A : i32 to vector<512x1xi32>
      %eq3A_196 = arith.cmpi eq, %get3A_175, %eq3A_195 : vector<512x1xi32>
      %add3A_197 = vector.broadcast %multiple_of3A_75 : i32 to vector<512x20xi32>
      %add3A_198 = arith.addi %scan3A_190#0, %add3A_197 : vector<512x20xi32>
      %broadcast_in_dim3A_199 = vector.shape_cast %eq3A_196 : vector<512x1xi1> to vector<512x1xi1>
      %broadcast_in_dim3A_200 = vector.broadcast %broadcast_in_dim3A_199 : vector<512x1xi1> to vector<512x20xi1>
      %select_n3A_201 = arith.select %broadcast_in_dim3A_200, %add3A_198, %get3A_194 : vector<512x20xi1>, vector<512x20xi32>
      %swap3A_202 = arith.index_cast %multiple_of3A_157 : i32 to index
      %swap3A_203 = arith.constant 0 : index
      %swap3A_204 = vector.load %arg9[%swap3A_202, %swap3A_203] : memref<4096x20xi32, #tpu.memory_space<vmem>>, vector<512x20xi32>
      tpu.vector_store %arg9[%swap3A_202, %swap3A_203], %select_n3A_201 {strides = array<i32>} : memref<4096x20xi32, #tpu.memory_space<vmem>>, vector<512x20xi32>,
      %while3A_205 = arith.constant 0 : i32
      scf.yield %while3A_205 : i32
    }
    %while3A_97 = arith.constant 1 : i32
    %while3A_98 = scf.for %while3A_151 = %while3A_94 to %while3A_90 step %while3A_97 iter_args(%while3A_152 = %while3A_96) -> (i32)  : i32 {
      %mul3A_153 = arith.constant 512 : i32
      %mul3A_154 = arith.muli %while3A_151, %mul3A_153 : i32
      %add3A_155 = arith.addi %multiple_of3A_75, %mul3A_154 : i32
      %min3A = arith.constant 3584 : i32
      %min3A_156 = arith.minsi %add3A_155, %min3A : i32
      %multiple_of3A_157 = tpu.assume_multiple %min3A_156, 128 : i32
      %get3A_158 = arith.index_cast %multiple_of3A_157 : i32 to index
      %get3A_159 = arith.constant 0 : index
      %get3A_160 = vector.load %arg10[%get3A_158, %get3A_159] : memref<4096x128xf32, #tpu.memory_space<vmem>>, vector<512x128xf32>
      %dot_general3A_161 = arith.constant dense<0.000000e+00> : vector<512x1408xf32>
      %dot_general3A_162 = tpu.matmul %get3A_160, %get3A_78, %dot_general3A_161 {dimension_numbers = #tpu.dot_dimension_numbers<[1], [0], [0], [1], [0, 0, 1, 1], [], []>, transpose_lhs_hint = false} : vector<512x128xf32>, vector<128x1408xf32>, vector<512x1408xf32> -> vector<512x1408xf32>
      %mul3A_163 = arith.mulf %get3A_160, %get3A_160 : vector<512x128xf32>
      %reduce_sum3A_164 = arith.constant dense<0.000000e+00> : vector<512xf32>
      %reduce_sum3A_165 = vector.multi_reduction <add>, %mul3A_163, %reduce_sum3A_164 [1] : vector<512x128xf32> to vector<512xf32>
      %broadcast_in_dim3A_166 = vector.shape_cast %reduce_sum3A_165 : vector<512xf32> to vector<512x1xf32>
      %add3A_167 = vector.broadcast %broadcast_in_dim3A_166 : vector<512x1xf32> to vector<512x1408xf32>
      %add3A_168 = vector.broadcast %get3A_81 : vector<1x1408xf32> to vector<512x1408xf32>
      %add3A_169 = arith.addf %add3A_167, %add3A_168 : vector<512x1408xf32>
      %mul3A_170 = arith.constant 2.000000e+00 : f32
      %mul3A_171 = vector.broadcast %mul3A_170 : f32 to vector<512x1408xf32>
      %mul3A_172 = arith.mulf %mul3A_171, %dot_general3A_162 : vector<512x1408xf32>
      %sub3A = arith.subf %add3A_169, %mul3A_172 : vector<512x1408xf32>
      %get3A_173 = arith.index_cast %multiple_of3A_157 : i32 to index
      %get3A_174 = arith.constant 0 : index
      %get3A_175 = vector.load %arg3[%get3A_173, %get3A_174] : memref<4096x1xi32, #tpu.memory_space<vmem>>, vector<512x1xi32>
      %ne3A = vector.broadcast %get3A_175 : vector<512x1xi32> to vector<512x1408xi32>
      %ne3A_176 = vector.broadcast %get3A_84 : vector<1x1408xi32> to vector<512x1408xi32>
      %ne3A_177 = arith.cmpi ne, %ne3A, %ne3A_176 : vector<512x1408xi32>
      %jit3A = arith.constant 1.000000e+10 : f32
      %broadcast_in_dim3A_178 = vector.broadcast %jit3A : f32 to vector<512x1408xf32>
      %select_n3A = arith.select %ne3A_177, %broadcast_in_dim3A_178, %sub3A : vector<512x1408xi1>, vector<512x1408xf32>
      %swap3A_179 = arith.constant 0 : index
      %swap3A_180 = arith.constant 0 : index
      %swap3A_181 = vector.load %arg14[%swap3A_179, %swap3A_180] : memref<512x1408xf32, #tpu.memory_space<vmem>>, vector<512x1408xf32>
      tpu.vector_store %arg14[%swap3A_179, %swap3A_180], %select_n3A {strides = array<i32>} : memref<512x1408xf32, #tpu.memory_space<vmem>>, vector<512x1408xf32>,
      %broadcast_in_dim3A_182 = arith.constant 0 : i32
      %broadcast_in_dim3A_183 = vector.broadcast %broadcast_in_dim3A_182 : i32 to vector<512x20xi32>
      %broadcast_in_dim3A_184 = arith.constant -1 : i32
      %broadcast_in_dim3A_185 = vector.broadcast %broadcast_in_dim3A_184 : i32 to vector<512x1xi32>
      %scan3A_186 = arith.constant 0 : i32
      %scan3A_187 = arith.constant 20 : i32
      %scan3A_188 = arith.addi %scan3A_186, %scan3A_187 : i32
      %scan3A_189 = arith.constant 1 : i32
      %scan3A_190:2 = scf.for %scan3A_206 = %scan3A_186 to %scan3A_188 step %scan3A_189 iter_args(%scan3A_207 = %broadcast_in_dim3A_183, %scan3A_208 = %broadcast_in_dim3A_185) -> (vector<512x20xi32>, vector<512x1xi32>)  : i32 {
        %eq3A_209 = vector.broadcast %scan3A_208 : vector<512x1xi32> to vector<512x1408xi32>
        %eq3A_210 = arith.cmpi eq, %iota3A, %eq3A_209 : vector<512x1408xi32>
        %get3A_211 = arith.constant 0 : index
        %get3A_212 = arith.constant 0 : index
        %get3A_213 = vector.load %arg14[%get3A_211, %get3A_212] : memref<512x1408xf32, #tpu.memory_space<vmem>>, vector<512x1408xf32>
        %jit3A_214 = arith.constant 0x7F800000 : f32
        %broadcast_in_dim3A_215 = vector.broadcast %jit3A_214 : f32 to vector<512x1408xf32>
        %select_n3A_216 = arith.select %eq3A_210, %broadcast_in_dim3A_215, %get3A_213 : vector<512x1408xi1>, vector<512x1408xf32>
        %swap3A_217 = arith.constant 0 : index
        %swap3A_218 = arith.constant 0 : index
        %swap3A_219 = vector.load %arg14[%swap3A_217, %swap3A_218] : memref<512x1408xf32, #tpu.memory_space<vmem>>, vector<512x1408xf32>
        tpu.vector_store %arg14[%swap3A_217, %swap3A_218], %select_n3A_216 {strides = array<i32>} : memref<512x1408xf32, #tpu.memory_space<vmem>>, vector<512x1408xf32>,
        %reduce_min3A = arith.constant dense<0x7F800000> : vector<512xf32>
        %reduce_min3A_220 = vector.multi_reduction <minimumf>, %select_n3A_216, %reduce_min3A [1] : vector<512x1408xf32> to vector<512xf32>
        %broadcast_in_dim3A_221 = vector.shape_cast %reduce_min3A_220 : vector<512xf32> to vector<512x1xf32>
        %eq3A_222 = vector.broadcast %broadcast_in_dim3A_221 : vector<512x1xf32> to vector<512x1408xf32>
        %eq3A_223 = arith.cmpf oeq, %select_n3A_216, %eq3A_222 : vector<512x1408xf32>
        %jit3A_224 = arith.constant 1073741824 : i32
        %broadcast_in_dim3A_225 = vector.broadcast %jit3A_224 : i32 to vector<512x1408xi32>
        %select_n3A_226 = arith.select %eq3A_223, %iota3A, %broadcast_in_dim3A_225 : vector<512x1408xi1>, vector<512x1408xi32>
        %reduce_min3A_227 = arith.constant dense<2147483647> : vector<512xi32>
        %reduce_min3A_228 = vector.multi_reduction <minsi>, %select_n3A_226, %reduce_min3A_227 [1] : vector<512x1408xi32> to vector<512xi32>
        %broadcast_in_dim3A_229 = vector.shape_cast %reduce_min3A_228 : vector<512xi32> to vector<512x1xi32>
        %eq3A_230 = vector.broadcast %scan3A_206 : i32 to vector<512x20xi32>
        %eq3A_231 = arith.cmpi eq, %iota3A_48, %eq3A_230 : vector<512x20xi32>
        %broadcast_in_dim3A_232 = vector.shape_cast %broadcast_in_dim3A_229 : vector<512x1xi32> to vector<512x1xi32>
        %broadcast_in_dim3A_233 = vector.broadcast %broadcast_in_dim3A_232 : vector<512x1xi32> to vector<512x20xi32>
        %select_n3A_234 = arith.select %eq3A_231, %broadcast_in_dim3A_233, %scan3A_207 : vector<512x20xi1>, vector<512x20xi32>
        scf.yield %select_n3A_234, %broadcast_in_dim3A_229 : vector<512x20xi32>, vector<512x1xi32>
      }
      %scan3A_191 = arith.constant 20 : i32
      %get3A_192 = arith.index_cast %multiple_of3A_157 : i32 to index
      %get3A_193 = arith.constant 0 : index
      %get3A_194 = vector.load %arg9[%get3A_192, %get3A_193] : memref<4096x20xi32, #tpu.memory_space<vmem>>, vector<512x20xi32>
      %eq3A = arith.constant 1 : i32
      %eq3A_195 = vector.broadcast %eq3A : i32 to vector<512x1xi32>
      %eq3A_196 = arith.cmpi eq, %get3A_175, %eq3A_195 : vector<512x1xi32>
      %add3A_197 = vector.broadcast %multiple_of3A_75 : i32 to vector<512x20xi32>
      %add3A_198 = arith.addi %scan3A_190#0, %add3A_197 : vector<512x20xi32>
      %broadcast_in_dim3A_199 = vector.shape_cast %eq3A_196 : vector<512x1xi1> to vector<512x1xi1>
      %broadcast_in_dim3A_200 = vector.broadcast %broadcast_in_dim3A_199 : vector<512x1xi1> to vector<512x20xi1>
      %select_n3A_201 = arith.select %broadcast_in_dim3A_200, %add3A_198, %get3A_194 : vector<512x20xi1>, vector<512x20xi32>
      %swap3A_202 = arith.index_cast %multiple_of3A_157 : i32 to index
      %swap3A_203 = arith.constant 0 : index
      %swap3A_204 = vector.load %arg9[%swap3A_202, %swap3A_203] : memref<4096x20xi32, #tpu.memory_space<vmem>>, vector<512x20xi32>
      tpu.vector_store %arg9[%swap3A_202, %swap3A_203], %select_n3A_201 {strides = array<i32>} : memref<4096x20xi32, #tpu.memory_space<vmem>>, vector<512x20xi32>,
      %while3A_205 = arith.constant 0 : i32
      scf.yield %while3A_205 : i32
    }
    %get3A_99 = arith.constant 2 : index
    %get3A_100 = memref.load %arg5[%get3A_99] : memref<8xi32, #tpu.memory_space<smem>>
    %multiple_of3A_101 = tpu.assume_multiple %get3A_100, 128 : i32
    %get3A_102 = arith.constant 0 : index
    %get3A_103 = arith.index_cast %multiple_of3A_101 : i32 to index
    %get3A_104 = vector.load %arg12[%get3A_102, %get3A_103] : memref<128x4096xf32, #tpu.memory_space<vmem>>, vector<128x1408xf32>
    %get3A_105 = arith.constant 0 : index
    %get3A_106 = arith.index_cast %multiple_of3A_101 : i32 to index
    %get3A_107 = vector.load %arg13[%get3A_105, %get3A_106] : memref<1x4096xf32, #tpu.memory_space<vmem>>, vector<1x1408xf32>
    %get3A_108 = arith.constant 0 : index
    %get3A_109 = arith.index_cast %multiple_of3A_101 : i32 to index
    %get3A_110 = vector.load %arg4[%get3A_108, %get3A_109] : memref<1x4096xi32, #tpu.memory_space<vmem>>, vector<1x1408xi32>
    %get3A_111 = arith.constant 6 : index
    %get3A_112 = memref.load %arg5[%get3A_111] : memref<8xi32, #tpu.memory_space<smem>>
    %while3A_113 = arith.constant 0 : i32
    %while3A_114 = arith.constant 0 : i32
    %while3A_115 = arith.subi %get3A_112, %while3A_113 : i32
    %while3A_116 = arith.addi %while3A_113, %while3A_115 : i32
    %while3A_117 = arith.constant 1 : i32
    %while3A_118 = arith.divsi %while3A_115, %while3A_117 : i32
    %while3A_119 = arith.muli %while3A_118, %while3A_117 : i32
    %while3A_120 = arith.addi %while3A_113, %while3A_119 : i32
    %while3A_121 = arith.constant 1 : i32
    %while3A_122 = scf.for %while3A_151 = %while3A_113 to %while3A_120 step %while3A_121 iter_args(%while3A_152 = %while3A_114) -> (i32)  : i32 {
      %mul3A_153 = arith.constant 512 : i32
      %mul3A_154 = arith.muli %while3A_151, %mul3A_153 : i32
      %add3A_155 = arith.addi %multiple_of3A_101, %mul3A_154 : i32
      %min3A = arith.constant 3584 : i32
      %min3A_156 = arith.minsi %add3A_155, %min3A : i32
      %multiple_of3A_157 = tpu.assume_multiple %min3A_156, 128 : i32
      %get3A_158 = arith.index_cast %multiple_of3A_157 : i32 to index
      %get3A_159 = arith.constant 0 : index
      %get3A_160 = vector.load %arg10[%get3A_158, %get3A_159] : memref<4096x128xf32, #tpu.memory_space<vmem>>, vector<512x128xf32>
      %dot_general3A_161 = arith.constant dense<0.000000e+00> : vector<512x1408xf32>
      %dot_general3A_162 = tpu.matmul %get3A_160, %get3A_104, %dot_general3A_161 {dimension_numbers = #tpu.dot_dimension_numbers<[1], [0], [0], [1], [0, 0, 1, 1], [], []>, transpose_lhs_hint = false} : vector<512x128xf32>, vector<128x1408xf32>, vector<512x1408xf32> -> vector<512x1408xf32>
      %mul3A_163 = arith.mulf %get3A_160, %get3A_160 : vector<512x128xf32>
      %reduce_sum3A_164 = arith.constant dense<0.000000e+00> : vector<512xf32>
      %reduce_sum3A_165 = vector.multi_reduction <add>, %mul3A_163, %reduce_sum3A_164 [1] : vector<512x128xf32> to vector<512xf32>
      %broadcast_in_dim3A_166 = vector.shape_cast %reduce_sum3A_165 : vector<512xf32> to vector<512x1xf32>
      %add3A_167 = vector.broadcast %broadcast_in_dim3A_166 : vector<512x1xf32> to vector<512x1408xf32>
      %add3A_168 = vector.broadcast %get3A_107 : vector<1x1408xf32> to vector<512x1408xf32>
      %add3A_169 = arith.addf %add3A_167, %add3A_168 : vector<512x1408xf32>
      %mul3A_170 = arith.constant 2.000000e+00 : f32
      %mul3A_171 = vector.broadcast %mul3A_170 : f32 to vector<512x1408xf32>
      %mul3A_172 = arith.mulf %mul3A_171, %dot_general3A_162 : vector<512x1408xf32>
      %sub3A = arith.subf %add3A_169, %mul3A_172 : vector<512x1408xf32>
      %get3A_173 = arith.index_cast %multiple_of3A_157 : i32 to index
      %get3A_174 = arith.constant 0 : index
      %get3A_175 = vector.load %arg3[%get3A_173, %get3A_174] : memref<4096x1xi32, #tpu.memory_space<vmem>>, vector<512x1xi32>
      %ne3A = vector.broadcast %get3A_175 : vector<512x1xi32> to vector<512x1408xi32>
      %ne3A_176 = vector.broadcast %get3A_110 : vector<1x1408xi32> to vector<512x1408xi32>
      %ne3A_177 = arith.cmpi ne, %ne3A, %ne3A_176 : vector<512x1408xi32>
      %jit3A = arith.constant 1.000000e+10 : f32
      %broadcast_in_dim3A_178 = vector.broadcast %jit3A : f32 to vector<512x1408xf32>
      %select_n3A = arith.select %ne3A_177, %broadcast_in_dim3A_178, %sub3A : vector<512x1408xi1>, vector<512x1408xf32>
      %swap3A_179 = arith.constant 0 : index
      %swap3A_180 = arith.constant 0 : index
      %swap3A_181 = vector.load %arg14[%swap3A_179, %swap3A_180] : memref<512x1408xf32, #tpu.memory_space<vmem>>, vector<512x1408xf32>
      tpu.vector_store %arg14[%swap3A_179, %swap3A_180], %select_n3A {strides = array<i32>} : memref<512x1408xf32, #tpu.memory_space<vmem>>, vector<512x1408xf32>,
      %broadcast_in_dim3A_182 = arith.constant 0 : i32
      %broadcast_in_dim3A_183 = vector.broadcast %broadcast_in_dim3A_182 : i32 to vector<512x20xi32>
      %broadcast_in_dim3A_184 = arith.constant -1 : i32
      %broadcast_in_dim3A_185 = vector.broadcast %broadcast_in_dim3A_184 : i32 to vector<512x1xi32>
      %scan3A_186 = arith.constant 0 : i32
      %scan3A_187 = arith.constant 20 : i32
      %scan3A_188 = arith.addi %scan3A_186, %scan3A_187 : i32
      %scan3A_189 = arith.constant 1 : i32
      %scan3A_190:2 = scf.for %scan3A_206 = %scan3A_186 to %scan3A_188 step %scan3A_189 iter_args(%scan3A_207 = %broadcast_in_dim3A_183, %scan3A_208 = %broadcast_in_dim3A_185) -> (vector<512x20xi32>, vector<512x1xi32>)  : i32 {
        %eq3A_209 = vector.broadcast %scan3A_208 : vector<512x1xi32> to vector<512x1408xi32>
        %eq3A_210 = arith.cmpi eq, %iota3A, %eq3A_209 : vector<512x1408xi32>
        %get3A_211 = arith.constant 0 : index
        %get3A_212 = arith.constant 0 : index
        %get3A_213 = vector.load %arg14[%get3A_211, %get3A_212] : memref<512x1408xf32, #tpu.memory_space<vmem>>, vector<512x1408xf32>
        %jit3A_214 = arith.constant 0x7F800000 : f32
        %broadcast_in_dim3A_215 = vector.broadcast %jit3A_214 : f32 to vector<512x1408xf32>
        %select_n3A_216 = arith.select %eq3A_210, %broadcast_in_dim3A_215, %get3A_213 : vector<512x1408xi1>, vector<512x1408xf32>
        %swap3A_217 = arith.constant 0 : index
        %swap3A_218 = arith.constant 0 : index
        %swap3A_219 = vector.load %arg14[%swap3A_217, %swap3A_218] : memref<512x1408xf32, #tpu.memory_space<vmem>>, vector<512x1408xf32>
        tpu.vector_store %arg14[%swap3A_217, %swap3A_218], %select_n3A_216 {strides = array<i32>} : memref<512x1408xf32, #tpu.memory_space<vmem>>, vector<512x1408xf32>,
        %reduce_min3A = arith.constant dense<0x7F800000> : vector<512xf32>
        %reduce_min3A_220 = vector.multi_reduction <minimumf>, %select_n3A_216, %reduce_min3A [1] : vector<512x1408xf32> to vector<512xf32>
        %broadcast_in_dim3A_221 = vector.shape_cast %reduce_min3A_220 : vector<512xf32> to vector<512x1xf32>
        %eq3A_222 = vector.broadcast %broadcast_in_dim3A_221 : vector<512x1xf32> to vector<512x1408xf32>
        %eq3A_223 = arith.cmpf oeq, %select_n3A_216, %eq3A_222 : vector<512x1408xf32>
        %jit3A_224 = arith.constant 1073741824 : i32
        %broadcast_in_dim3A_225 = vector.broadcast %jit3A_224 : i32 to vector<512x1408xi32>
        %select_n3A_226 = arith.select %eq3A_223, %iota3A, %broadcast_in_dim3A_225 : vector<512x1408xi1>, vector<512x1408xi32>
        %reduce_min3A_227 = arith.constant dense<2147483647> : vector<512xi32>
        %reduce_min3A_228 = vector.multi_reduction <minsi>, %select_n3A_226, %reduce_min3A_227 [1] : vector<512x1408xi32> to vector<512xi32>
        %broadcast_in_dim3A_229 = vector.shape_cast %reduce_min3A_228 : vector<512xi32> to vector<512x1xi32>
        %eq3A_230 = vector.broadcast %scan3A_206 : i32 to vector<512x20xi32>
        %eq3A_231 = arith.cmpi eq, %iota3A_48, %eq3A_230 : vector<512x20xi32>
        %broadcast_in_dim3A_232 = vector.shape_cast %broadcast_in_dim3A_229 : vector<512x1xi32> to vector<512x1xi32>
        %broadcast_in_dim3A_233 = vector.broadcast %broadcast_in_dim3A_232 : vector<512x1xi32> to vector<512x20xi32>
        %select_n3A_234 = arith.select %eq3A_231, %broadcast_in_dim3A_233, %scan3A_207 : vector<512x20xi1>, vector<512x20xi32>
        scf.yield %select_n3A_234, %broadcast_in_dim3A_229 : vector<512x20xi32>, vector<512x1xi32>
      }
      %scan3A_191 = arith.constant 20 : i32
      %get3A_192 = arith.index_cast %multiple_of3A_157 : i32 to index
      %get3A_193 = arith.constant 0 : index
      %get3A_194 = vector.load %arg9[%get3A_192, %get3A_193] : memref<4096x20xi32, #tpu.memory_space<vmem>>, vector<512x20xi32>
      %eq3A = arith.constant 2 : i32
      %eq3A_195 = vector.broadcast %eq3A : i32 to vector<512x1xi32>
      %eq3A_196 = arith.cmpi eq, %get3A_175, %eq3A_195 : vector<512x1xi32>
      %add3A_197 = vector.broadcast %multiple_of3A_101 : i32 to vector<512x20xi32>
      %add3A_198 = arith.addi %scan3A_190#0, %add3A_197 : vector<512x20xi32>
      %broadcast_in_dim3A_199 = vector.shape_cast %eq3A_196 : vector<512x1xi1> to vector<512x1xi1>
      %broadcast_in_dim3A_200 = vector.broadcast %broadcast_in_dim3A_199 : vector<512x1xi1> to vector<512x20xi1>
      %select_n3A_201 = arith.select %broadcast_in_dim3A_200, %add3A_198, %get3A_194 : vector<512x20xi1>, vector<512x20xi32>
      %swap3A_202 = arith.index_cast %multiple_of3A_157 : i32 to index
      %swap3A_203 = arith.constant 0 : index
      %swap3A_204 = vector.load %arg9[%swap3A_202, %swap3A_203] : memref<4096x20xi32, #tpu.memory_space<vmem>>, vector<512x20xi32>
      tpu.vector_store %arg9[%swap3A_202, %swap3A_203], %select_n3A_201 {strides = array<i32>} : memref<4096x20xi32, #tpu.memory_space<vmem>>, vector<512x20xi32>,
      %while3A_205 = arith.constant 0 : i32
      scf.yield %while3A_205 : i32
    }
    %while3A_123 = arith.constant 1 : i32
    %while3A_124 = scf.for %while3A_151 = %while3A_120 to %while3A_116 step %while3A_123 iter_args(%while3A_152 = %while3A_122) -> (i32)  : i32 {
      %mul3A_153 = arith.constant 512 : i32
      %mul3A_154 = arith.muli %while3A_151, %mul3A_153 : i32
      %add3A_155 = arith.addi %multiple_of3A_101, %mul3A_154 : i32
      %min3A = arith.constant 3584 : i32
      %min3A_156 = arith.minsi %add3A_155, %min3A : i32
      %multiple_of3A_157 = tpu.assume_multiple %min3A_156, 128 : i32
      %get3A_158 = arith.index_cast %multiple_of3A_157 : i32 to index
      %get3A_159 = arith.constant 0 : index
      %get3A_160 = vector.load %arg10[%get3A_158, %get3A_159] : memref<4096x128xf32, #tpu.memory_space<vmem>>, vector<512x128xf32>
      %dot_general3A_161 = arith.constant dense<0.000000e+00> : vector<512x1408xf32>
      %dot_general3A_162 = tpu.matmul %get3A_160, %get3A_104, %dot_general3A_161 {dimension_numbers = #tpu.dot_dimension_numbers<[1], [0], [0], [1], [0, 0, 1, 1], [], []>, transpose_lhs_hint = false} : vector<512x128xf32>, vector<128x1408xf32>, vector<512x1408xf32> -> vector<512x1408xf32>
      %mul3A_163 = arith.mulf %get3A_160, %get3A_160 : vector<512x128xf32>
      %reduce_sum3A_164 = arith.constant dense<0.000000e+00> : vector<512xf32>
      %reduce_sum3A_165 = vector.multi_reduction <add>, %mul3A_163, %reduce_sum3A_164 [1] : vector<512x128xf32> to vector<512xf32>
      %broadcast_in_dim3A_166 = vector.shape_cast %reduce_sum3A_165 : vector<512xf32> to vector<512x1xf32>
      %add3A_167 = vector.broadcast %broadcast_in_dim3A_166 : vector<512x1xf32> to vector<512x1408xf32>
      %add3A_168 = vector.broadcast %get3A_107 : vector<1x1408xf32> to vector<512x1408xf32>
      %add3A_169 = arith.addf %add3A_167, %add3A_168 : vector<512x1408xf32>
      %mul3A_170 = arith.constant 2.000000e+00 : f32
      %mul3A_171 = vector.broadcast %mul3A_170 : f32 to vector<512x1408xf32>
      %mul3A_172 = arith.mulf %mul3A_171, %dot_general3A_162 : vector<512x1408xf32>
      %sub3A = arith.subf %add3A_169, %mul3A_172 : vector<512x1408xf32>
      %get3A_173 = arith.index_cast %multiple_of3A_157 : i32 to index
      %get3A_174 = arith.constant 0 : index
      %get3A_175 = vector.load %arg3[%get3A_173, %get3A_174] : memref<4096x1xi32, #tpu.memory_space<vmem>>, vector<512x1xi32>
      %ne3A = vector.broadcast %get3A_175 : vector<512x1xi32> to vector<512x1408xi32>
      %ne3A_176 = vector.broadcast %get3A_110 : vector<1x1408xi32> to vector<512x1408xi32>
      %ne3A_177 = arith.cmpi ne, %ne3A, %ne3A_176 : vector<512x1408xi32>
      %jit3A = arith.constant 1.000000e+10 : f32
      %broadcast_in_dim3A_178 = vector.broadcast %jit3A : f32 to vector<512x1408xf32>
      %select_n3A = arith.select %ne3A_177, %broadcast_in_dim3A_178, %sub3A : vector<512x1408xi1>, vector<512x1408xf32>
      %swap3A_179 = arith.constant 0 : index
      %swap3A_180 = arith.constant 0 : index
      %swap3A_181 = vector.load %arg14[%swap3A_179, %swap3A_180] : memref<512x1408xf32, #tpu.memory_space<vmem>>, vector<512x1408xf32>
      tpu.vector_store %arg14[%swap3A_179, %swap3A_180], %select_n3A {strides = array<i32>} : memref<512x1408xf32, #tpu.memory_space<vmem>>, vector<512x1408xf32>,
      %broadcast_in_dim3A_182 = arith.constant 0 : i32
      %broadcast_in_dim3A_183 = vector.broadcast %broadcast_in_dim3A_182 : i32 to vector<512x20xi32>
      %broadcast_in_dim3A_184 = arith.constant -1 : i32
      %broadcast_in_dim3A_185 = vector.broadcast %broadcast_in_dim3A_184 : i32 to vector<512x1xi32>
      %scan3A_186 = arith.constant 0 : i32
      %scan3A_187 = arith.constant 20 : i32
      %scan3A_188 = arith.addi %scan3A_186, %scan3A_187 : i32
      %scan3A_189 = arith.constant 1 : i32
      %scan3A_190:2 = scf.for %scan3A_206 = %scan3A_186 to %scan3A_188 step %scan3A_189 iter_args(%scan3A_207 = %broadcast_in_dim3A_183, %scan3A_208 = %broadcast_in_dim3A_185) -> (vector<512x20xi32>, vector<512x1xi32>)  : i32 {
        %eq3A_209 = vector.broadcast %scan3A_208 : vector<512x1xi32> to vector<512x1408xi32>
        %eq3A_210 = arith.cmpi eq, %iota3A, %eq3A_209 : vector<512x1408xi32>
        %get3A_211 = arith.constant 0 : index
        %get3A_212 = arith.constant 0 : index
        %get3A_213 = vector.load %arg14[%get3A_211, %get3A_212] : memref<512x1408xf32, #tpu.memory_space<vmem>>, vector<512x1408xf32>
        %jit3A_214 = arith.constant 0x7F800000 : f32
        %broadcast_in_dim3A_215 = vector.broadcast %jit3A_214 : f32 to vector<512x1408xf32>
        %select_n3A_216 = arith.select %eq3A_210, %broadcast_in_dim3A_215, %get3A_213 : vector<512x1408xi1>, vector<512x1408xf32>
        %swap3A_217 = arith.constant 0 : index
        %swap3A_218 = arith.constant 0 : index
        %swap3A_219 = vector.load %arg14[%swap3A_217, %swap3A_218] : memref<512x1408xf32, #tpu.memory_space<vmem>>, vector<512x1408xf32>
        tpu.vector_store %arg14[%swap3A_217, %swap3A_218], %select_n3A_216 {strides = array<i32>} : memref<512x1408xf32, #tpu.memory_space<vmem>>, vector<512x1408xf32>,
        %reduce_min3A = arith.constant dense<0x7F800000> : vector<512xf32>
        %reduce_min3A_220 = vector.multi_reduction <minimumf>, %select_n3A_216, %reduce_min3A [1] : vector<512x1408xf32> to vector<512xf32>
        %broadcast_in_dim3A_221 = vector.shape_cast %reduce_min3A_220 : vector<512xf32> to vector<512x1xf32>
        %eq3A_222 = vector.broadcast %broadcast_in_dim3A_221 : vector<512x1xf32> to vector<512x1408xf32>
        %eq3A_223 = arith.cmpf oeq, %select_n3A_216, %eq3A_222 : vector<512x1408xf32>
        %jit3A_224 = arith.constant 1073741824 : i32
        %broadcast_in_dim3A_225 = vector.broadcast %jit3A_224 : i32 to vector<512x1408xi32>
        %select_n3A_226 = arith.select %eq3A_223, %iota3A, %broadcast_in_dim3A_225 : vector<512x1408xi1>, vector<512x1408xi32>
        %reduce_min3A_227 = arith.constant dense<2147483647> : vector<512xi32>
        %reduce_min3A_228 = vector.multi_reduction <minsi>, %select_n3A_226, %reduce_min3A_227 [1] : vector<512x1408xi32> to vector<512xi32>
        %broadcast_in_dim3A_229 = vector.shape_cast %reduce_min3A_228 : vector<512xi32> to vector<512x1xi32>
        %eq3A_230 = vector.broadcast %scan3A_206 : i32 to vector<512x20xi32>
        %eq3A_231 = arith.cmpi eq, %iota3A_48, %eq3A_230 : vector<512x20xi32>
        %broadcast_in_dim3A_232 = vector.shape_cast %broadcast_in_dim3A_229 : vector<512x1xi32> to vector<512x1xi32>
        %broadcast_in_dim3A_233 = vector.broadcast %broadcast_in_dim3A_232 : vector<512x1xi32> to vector<512x20xi32>
        %select_n3A_234 = arith.select %eq3A_231, %broadcast_in_dim3A_233, %scan3A_207 : vector<512x20xi1>, vector<512x20xi32>
        scf.yield %select_n3A_234, %broadcast_in_dim3A_229 : vector<512x20xi32>, vector<512x1xi32>
      }
      %scan3A_191 = arith.constant 20 : i32
      %get3A_192 = arith.index_cast %multiple_of3A_157 : i32 to index
      %get3A_193 = arith.constant 0 : index
      %get3A_194 = vector.load %arg9[%get3A_192, %get3A_193] : memref<4096x20xi32, #tpu.memory_space<vmem>>, vector<512x20xi32>
      %eq3A = arith.constant 2 : i32
      %eq3A_195 = vector.broadcast %eq3A : i32 to vector<512x1xi32>
      %eq3A_196 = arith.cmpi eq, %get3A_175, %eq3A_195 : vector<512x1xi32>
      %add3A_197 = vector.broadcast %multiple_of3A_101 : i32 to vector<512x20xi32>
      %add3A_198 = arith.addi %scan3A_190#0, %add3A_197 : vector<512x20xi32>
      %broadcast_in_dim3A_199 = vector.shape_cast %eq3A_196 : vector<512x1xi1> to vector<512x1xi1>
      %broadcast_in_dim3A_200 = vector.broadcast %broadcast_in_dim3A_199 : vector<512x1xi1> to vector<512x20xi1>
      %select_n3A_201 = arith.select %broadcast_in_dim3A_200, %add3A_198, %get3A_194 : vector<512x20xi1>, vector<512x20xi32>
      %swap3A_202 = arith.index_cast %multiple_of3A_157 : i32 to index
      %swap3A_203 = arith.constant 0 : index
      %swap3A_204 = vector.load %arg9[%swap3A_202, %swap3A_203] : memref<4096x20xi32, #tpu.memory_space<vmem>>, vector<512x20xi32>
      tpu.vector_store %arg9[%swap3A_202, %swap3A_203], %select_n3A_201 {strides = array<i32>} : memref<4096x20xi32, #tpu.memory_space<vmem>>, vector<512x20xi32>,
      %while3A_205 = arith.constant 0 : i32
      scf.yield %while3A_205 : i32
    }
    %get3A_125 = arith.constant 3 : index
    %get3A_126 = memref.load %arg5[%get3A_125] : memref<8xi32, #tpu.memory_space<smem>>
    %multiple_of3A_127 = tpu.assume_multiple %get3A_126, 128 : i32
    %get3A_128 = arith.constant 0 : index
    %get3A_129 = arith.index_cast %multiple_of3A_127 : i32 to index
    %get3A_130 = vector.load %arg12[%get3A_128, %get3A_129] : memref<128x4096xf32, #tpu.memory_space<vmem>>, vector<128x1408xf32>
    %get3A_131 = arith.constant 0 : index
    %get3A_132 = arith.index_cast %multiple_of3A_127 : i32 to index
    %get3A_133 = vector.load %arg13[%get3A_131, %get3A_132] : memref<1x4096xf32, #tpu.memory_space<vmem>>, vector<1x1408xf32>
    %get3A_134 = arith.constant 0 : index
    %get3A_135 = arith.index_cast %multiple_of3A_127 : i32 to index
    %get3A_136 = vector.load %arg4[%get3A_134, %get3A_135] : memref<1x4096xi32, #tpu.memory_space<vmem>>, vector<1x1408xi32>
    %get3A_137 = arith.constant 7 : index
    %get3A_138 = memref.load %arg5[%get3A_137] : memref<8xi32, #tpu.memory_space<smem>>
    %while3A_139 = arith.constant 0 : i32
    %while3A_140 = arith.constant 0 : i32
    %while3A_141 = arith.subi %get3A_138, %while3A_139 : i32
    %while3A_142 = arith.addi %while3A_139, %while3A_141 : i32
    %while3A_143 = arith.constant 1 : i32
    %while3A_144 = arith.divsi %while3A_141, %while3A_143 : i32
    %while3A_145 = arith.muli %while3A_144, %while3A_143 : i32
    %while3A_146 = arith.addi %while3A_139, %while3A_145 : i32
    %while3A_147 = arith.constant 1 : i32
    %while3A_148 = scf.for %while3A_151 = %while3A_139 to %while3A_146 step %while3A_147 iter_args(%while3A_152 = %while3A_140) -> (i32)  : i32 {
      %mul3A_153 = arith.constant 512 : i32
      %mul3A_154 = arith.muli %while3A_151, %mul3A_153 : i32
      %add3A_155 = arith.addi %multiple_of3A_127, %mul3A_154 : i32
      %min3A = arith.constant 3584 : i32
      %min3A_156 = arith.minsi %add3A_155, %min3A : i32
      %multiple_of3A_157 = tpu.assume_multiple %min3A_156, 128 : i32
      %get3A_158 = arith.index_cast %multiple_of3A_157 : i32 to index
      %get3A_159 = arith.constant 0 : index
      %get3A_160 = vector.load %arg10[%get3A_158, %get3A_159] : memref<4096x128xf32, #tpu.memory_space<vmem>>, vector<512x128xf32>
      %dot_general3A_161 = arith.constant dense<0.000000e+00> : vector<512x1408xf32>
      %dot_general3A_162 = tpu.matmul %get3A_160, %get3A_130, %dot_general3A_161 {dimension_numbers = #tpu.dot_dimension_numbers<[1], [0], [0], [1], [0, 0, 1, 1], [], []>, transpose_lhs_hint = false} : vector<512x128xf32>, vector<128x1408xf32>, vector<512x1408xf32> -> vector<512x1408xf32>
      %mul3A_163 = arith.mulf %get3A_160, %get3A_160 : vector<512x128xf32>
      %reduce_sum3A_164 = arith.constant dense<0.000000e+00> : vector<512xf32>
      %reduce_sum3A_165 = vector.multi_reduction <add>, %mul3A_163, %reduce_sum3A_164 [1] : vector<512x128xf32> to vector<512xf32>
      %broadcast_in_dim3A_166 = vector.shape_cast %reduce_sum3A_165 : vector<512xf32> to vector<512x1xf32>
      %add3A_167 = vector.broadcast %broadcast_in_dim3A_166 : vector<512x1xf32> to vector<512x1408xf32>
      %add3A_168 = vector.broadcast %get3A_133 : vector<1x1408xf32> to vector<512x1408xf32>
      %add3A_169 = arith.addf %add3A_167, %add3A_168 : vector<512x1408xf32>
      %mul3A_170 = arith.constant 2.000000e+00 : f32
      %mul3A_171 = vector.broadcast %mul3A_170 : f32 to vector<512x1408xf32>
      %mul3A_172 = arith.mulf %mul3A_171, %dot_general3A_162 : vector<512x1408xf32>
      %sub3A = arith.subf %add3A_169, %mul3A_172 : vector<512x1408xf32>
      %get3A_173 = arith.index_cast %multiple_of3A_157 : i32 to index
      %get3A_174 = arith.constant 0 : index
      %get3A_175 = vector.load %arg3[%get3A_173, %get3A_174] : memref<4096x1xi32, #tpu.memory_space<vmem>>, vector<512x1xi32>
      %ne3A = vector.broadcast %get3A_175 : vector<512x1xi32> to vector<512x1408xi32>
      %ne3A_176 = vector.broadcast %get3A_136 : vector<1x1408xi32> to vector<512x1408xi32>
      %ne3A_177 = arith.cmpi ne, %ne3A, %ne3A_176 : vector<512x1408xi32>
      %jit3A = arith.constant 1.000000e+10 : f32
      %broadcast_in_dim3A_178 = vector.broadcast %jit3A : f32 to vector<512x1408xf32>
      %select_n3A = arith.select %ne3A_177, %broadcast_in_dim3A_178, %sub3A : vector<512x1408xi1>, vector<512x1408xf32>
      %swap3A_179 = arith.constant 0 : index
      %swap3A_180 = arith.constant 0 : index
      %swap3A_181 = vector.load %arg14[%swap3A_179, %swap3A_180] : memref<512x1408xf32, #tpu.memory_space<vmem>>, vector<512x1408xf32>
      tpu.vector_store %arg14[%swap3A_179, %swap3A_180], %select_n3A {strides = array<i32>} : memref<512x1408xf32, #tpu.memory_space<vmem>>, vector<512x1408xf32>,
      %broadcast_in_dim3A_182 = arith.constant 0 : i32
      %broadcast_in_dim3A_183 = vector.broadcast %broadcast_in_dim3A_182 : i32 to vector<512x20xi32>
      %broadcast_in_dim3A_184 = arith.constant -1 : i32
      %broadcast_in_dim3A_185 = vector.broadcast %broadcast_in_dim3A_184 : i32 to vector<512x1xi32>
      %scan3A_186 = arith.constant 0 : i32
      %scan3A_187 = arith.constant 20 : i32
      %scan3A_188 = arith.addi %scan3A_186, %scan3A_187 : i32
      %scan3A_189 = arith.constant 1 : i32
      %scan3A_190:2 = scf.for %scan3A_206 = %scan3A_186 to %scan3A_188 step %scan3A_189 iter_args(%scan3A_207 = %broadcast_in_dim3A_183, %scan3A_208 = %broadcast_in_dim3A_185) -> (vector<512x20xi32>, vector<512x1xi32>)  : i32 {
        %eq3A_209 = vector.broadcast %scan3A_208 : vector<512x1xi32> to vector<512x1408xi32>
        %eq3A_210 = arith.cmpi eq, %iota3A, %eq3A_209 : vector<512x1408xi32>
        %get3A_211 = arith.constant 0 : index
        %get3A_212 = arith.constant 0 : index
        %get3A_213 = vector.load %arg14[%get3A_211, %get3A_212] : memref<512x1408xf32, #tpu.memory_space<vmem>>, vector<512x1408xf32>
        %jit3A_214 = arith.constant 0x7F800000 : f32
        %broadcast_in_dim3A_215 = vector.broadcast %jit3A_214 : f32 to vector<512x1408xf32>
        %select_n3A_216 = arith.select %eq3A_210, %broadcast_in_dim3A_215, %get3A_213 : vector<512x1408xi1>, vector<512x1408xf32>
        %swap3A_217 = arith.constant 0 : index
        %swap3A_218 = arith.constant 0 : index
        %swap3A_219 = vector.load %arg14[%swap3A_217, %swap3A_218] : memref<512x1408xf32, #tpu.memory_space<vmem>>, vector<512x1408xf32>
        tpu.vector_store %arg14[%swap3A_217, %swap3A_218], %select_n3A_216 {strides = array<i32>} : memref<512x1408xf32, #tpu.memory_space<vmem>>, vector<512x1408xf32>,
        %reduce_min3A = arith.constant dense<0x7F800000> : vector<512xf32>
        %reduce_min3A_220 = vector.multi_reduction <minimumf>, %select_n3A_216, %reduce_min3A [1] : vector<512x1408xf32> to vector<512xf32>
        %broadcast_in_dim3A_221 = vector.shape_cast %reduce_min3A_220 : vector<512xf32> to vector<512x1xf32>
        %eq3A_222 = vector.broadcast %broadcast_in_dim3A_221 : vector<512x1xf32> to vector<512x1408xf32>
        %eq3A_223 = arith.cmpf oeq, %select_n3A_216, %eq3A_222 : vector<512x1408xf32>
        %jit3A_224 = arith.constant 1073741824 : i32
        %broadcast_in_dim3A_225 = vector.broadcast %jit3A_224 : i32 to vector<512x1408xi32>
        %select_n3A_226 = arith.select %eq3A_223, %iota3A, %broadcast_in_dim3A_225 : vector<512x1408xi1>, vector<512x1408xi32>
        %reduce_min3A_227 = arith.constant dense<2147483647> : vector<512xi32>
        %reduce_min3A_228 = vector.multi_reduction <minsi>, %select_n3A_226, %reduce_min3A_227 [1] : vector<512x1408xi32> to vector<512xi32>
        %broadcast_in_dim3A_229 = vector.shape_cast %reduce_min3A_228 : vector<512xi32> to vector<512x1xi32>
        %eq3A_230 = vector.broadcast %scan3A_206 : i32 to vector<512x20xi32>
        %eq3A_231 = arith.cmpi eq, %iota3A_48, %eq3A_230 : vector<512x20xi32>
        %broadcast_in_dim3A_232 = vector.shape_cast %broadcast_in_dim3A_229 : vector<512x1xi32> to vector<512x1xi32>
        %broadcast_in_dim3A_233 = vector.broadcast %broadcast_in_dim3A_232 : vector<512x1xi32> to vector<512x20xi32>
        %select_n3A_234 = arith.select %eq3A_231, %broadcast_in_dim3A_233, %scan3A_207 : vector<512x20xi1>, vector<512x20xi32>
        scf.yield %select_n3A_234, %broadcast_in_dim3A_229 : vector<512x20xi32>, vector<512x1xi32>
      }
      %scan3A_191 = arith.constant 20 : i32
      %get3A_192 = arith.index_cast %multiple_of3A_157 : i32 to index
      %get3A_193 = arith.constant 0 : index
      %get3A_194 = vector.load %arg9[%get3A_192, %get3A_193] : memref<4096x20xi32, #tpu.memory_space<vmem>>, vector<512x20xi32>
      %eq3A = arith.constant 3 : i32
      %eq3A_195 = vector.broadcast %eq3A : i32 to vector<512x1xi32>
      %eq3A_196 = arith.cmpi eq, %get3A_175, %eq3A_195 : vector<512x1xi32>
      %add3A_197 = vector.broadcast %multiple_of3A_127 : i32 to vector<512x20xi32>
      %add3A_198 = arith.addi %scan3A_190#0, %add3A_197 : vector<512x20xi32>
      %broadcast_in_dim3A_199 = vector.shape_cast %eq3A_196 : vector<512x1xi1> to vector<512x1xi1>
      %broadcast_in_dim3A_200 = vector.broadcast %broadcast_in_dim3A_199 : vector<512x1xi1> to vector<512x20xi1>
      %select_n3A_201 = arith.select %broadcast_in_dim3A_200, %add3A_198, %get3A_194 : vector<512x20xi1>, vector<512x20xi32>
      %swap3A_202 = arith.index_cast %multiple_of3A_157 : i32 to index
      %swap3A_203 = arith.constant 0 : index
      %swap3A_204 = vector.load %arg9[%swap3A_202, %swap3A_203] : memref<4096x20xi32, #tpu.memory_space<vmem>>, vector<512x20xi32>
      tpu.vector_store %arg9[%swap3A_202, %swap3A_203], %select_n3A_201 {strides = array<i32>} : memref<4096x20xi32, #tpu.memory_space<vmem>>, vector<512x20xi32>,
      %while3A_205 = arith.constant 0 : i32
      scf.yield %while3A_205 : i32
    }
    %while3A_149 = arith.constant 1 : i32
    %while3A_150 = scf.for %while3A_151 = %while3A_146 to %while3A_142 step %while3A_149 iter_args(%while3A_152 = %while3A_148) -> (i32)  : i32 {
      %mul3A_153 = arith.constant 512 : i32
      %mul3A_154 = arith.muli %while3A_151, %mul3A_153 : i32
      %add3A_155 = arith.addi %multiple_of3A_127, %mul3A_154 : i32
      %min3A = arith.constant 3584 : i32
      %min3A_156 = arith.minsi %add3A_155, %min3A : i32
      %multiple_of3A_157 = tpu.assume_multiple %min3A_156, 128 : i32
      %get3A_158 = arith.index_cast %multiple_of3A_157 : i32 to index
      %get3A_159 = arith.constant 0 : index
      %get3A_160 = vector.load %arg10[%get3A_158, %get3A_159] : memref<4096x128xf32, #tpu.memory_space<vmem>>, vector<512x128xf32>
      %dot_general3A_161 = arith.constant dense<0.000000e+00> : vector<512x1408xf32>
      %dot_general3A_162 = tpu.matmul %get3A_160, %get3A_130, %dot_general3A_161 {dimension_numbers = #tpu.dot_dimension_numbers<[1], [0], [0], [1], [0, 0, 1, 1], [], []>, transpose_lhs_hint = false} : vector<512x128xf32>, vector<128x1408xf32>, vector<512x1408xf32> -> vector<512x1408xf32>
      %mul3A_163 = arith.mulf %get3A_160, %get3A_160 : vector<512x128xf32>
      %reduce_sum3A_164 = arith.constant dense<0.000000e+00> : vector<512xf32>
      %reduce_sum3A_165 = vector.multi_reduction <add>, %mul3A_163, %reduce_sum3A_164 [1] : vector<512x128xf32> to vector<512xf32>
      %broadcast_in_dim3A_166 = vector.shape_cast %reduce_sum3A_165 : vector<512xf32> to vector<512x1xf32>
      %add3A_167 = vector.broadcast %broadcast_in_dim3A_166 : vector<512x1xf32> to vector<512x1408xf32>
      %add3A_168 = vector.broadcast %get3A_133 : vector<1x1408xf32> to vector<512x1408xf32>
      %add3A_169 = arith.addf %add3A_167, %add3A_168 : vector<512x1408xf32>
      %mul3A_170 = arith.constant 2.000000e+00 : f32
      %mul3A_171 = vector.broadcast %mul3A_170 : f32 to vector<512x1408xf32>
      %mul3A_172 = arith.mulf %mul3A_171, %dot_general3A_162 : vector<512x1408xf32>
      %sub3A = arith.subf %add3A_169, %mul3A_172 : vector<512x1408xf32>
      %get3A_173 = arith.index_cast %multiple_of3A_157 : i32 to index
      %get3A_174 = arith.constant 0 : index
      %get3A_175 = vector.load %arg3[%get3A_173, %get3A_174] : memref<4096x1xi32, #tpu.memory_space<vmem>>, vector<512x1xi32>
      %ne3A = vector.broadcast %get3A_175 : vector<512x1xi32> to vector<512x1408xi32>
      %ne3A_176 = vector.broadcast %get3A_136 : vector<1x1408xi32> to vector<512x1408xi32>
      %ne3A_177 = arith.cmpi ne, %ne3A, %ne3A_176 : vector<512x1408xi32>
      %jit3A = arith.constant 1.000000e+10 : f32
      %broadcast_in_dim3A_178 = vector.broadcast %jit3A : f32 to vector<512x1408xf32>
      %select_n3A = arith.select %ne3A_177, %broadcast_in_dim3A_178, %sub3A : vector<512x1408xi1>, vector<512x1408xf32>
      %swap3A_179 = arith.constant 0 : index
      %swap3A_180 = arith.constant 0 : index
      %swap3A_181 = vector.load %arg14[%swap3A_179, %swap3A_180] : memref<512x1408xf32, #tpu.memory_space<vmem>>, vector<512x1408xf32>
      tpu.vector_store %arg14[%swap3A_179, %swap3A_180], %select_n3A {strides = array<i32>} : memref<512x1408xf32, #tpu.memory_space<vmem>>, vector<512x1408xf32>,
      %broadcast_in_dim3A_182 = arith.constant 0 : i32
      %broadcast_in_dim3A_183 = vector.broadcast %broadcast_in_dim3A_182 : i32 to vector<512x20xi32>
      %broadcast_in_dim3A_184 = arith.constant -1 : i32
      %broadcast_in_dim3A_185 = vector.broadcast %broadcast_in_dim3A_184 : i32 to vector<512x1xi32>
      %scan3A_186 = arith.constant 0 : i32
      %scan3A_187 = arith.constant 20 : i32
      %scan3A_188 = arith.addi %scan3A_186, %scan3A_187 : i32
      %scan3A_189 = arith.constant 1 : i32
      %scan3A_190:2 = scf.for %scan3A_206 = %scan3A_186 to %scan3A_188 step %scan3A_189 iter_args(%scan3A_207 = %broadcast_in_dim3A_183, %scan3A_208 = %broadcast_in_dim3A_185) -> (vector<512x20xi32>, vector<512x1xi32>)  : i32 {
        %eq3A_209 = vector.broadcast %scan3A_208 : vector<512x1xi32> to vector<512x1408xi32>
        %eq3A_210 = arith.cmpi eq, %iota3A, %eq3A_209 : vector<512x1408xi32>
        %get3A_211 = arith.constant 0 : index
        %get3A_212 = arith.constant 0 : index
        %get3A_213 = vector.load %arg14[%get3A_211, %get3A_212] : memref<512x1408xf32, #tpu.memory_space<vmem>>, vector<512x1408xf32>
        %jit3A_214 = arith.constant 0x7F800000 : f32
        %broadcast_in_dim3A_215 = vector.broadcast %jit3A_214 : f32 to vector<512x1408xf32>
        %select_n3A_216 = arith.select %eq3A_210, %broadcast_in_dim3A_215, %get3A_213 : vector<512x1408xi1>, vector<512x1408xf32>
        %swap3A_217 = arith.constant 0 : index
        %swap3A_218 = arith.constant 0 : index
        %swap3A_219 = vector.load %arg14[%swap3A_217, %swap3A_218] : memref<512x1408xf32, #tpu.memory_space<vmem>>, vector<512x1408xf32>
        tpu.vector_store %arg14[%swap3A_217, %swap3A_218], %select_n3A_216 {strides = array<i32>} : memref<512x1408xf32, #tpu.memory_space<vmem>>, vector<512x1408xf32>,
        %reduce_min3A = arith.constant dense<0x7F800000> : vector<512xf32>
        %reduce_min3A_220 = vector.multi_reduction <minimumf>, %select_n3A_216, %reduce_min3A [1] : vector<512x1408xf32> to vector<512xf32>
        %broadcast_in_dim3A_221 = vector.shape_cast %reduce_min3A_220 : vector<512xf32> to vector<512x1xf32>
        %eq3A_222 = vector.broadcast %broadcast_in_dim3A_221 : vector<512x1xf32> to vector<512x1408xf32>
        %eq3A_223 = arith.cmpf oeq, %select_n3A_216, %eq3A_222 : vector<512x1408xf32>
        %jit3A_224 = arith.constant 1073741824 : i32
        %broadcast_in_dim3A_225 = vector.broadcast %jit3A_224 : i32 to vector<512x1408xi32>
        %select_n3A_226 = arith.select %eq3A_223, %iota3A, %broadcast_in_dim3A_225 : vector<512x1408xi1>, vector<512x1408xi32>
        %reduce_min3A_227 = arith.constant dense<2147483647> : vector<512xi32>
        %reduce_min3A_228 = vector.multi_reduction <minsi>, %select_n3A_226, %reduce_min3A_227 [1] : vector<512x1408xi32> to vector<512xi32>
        %broadcast_in_dim3A_229 = vector.shape_cast %reduce_min3A_228 : vector<512xi32> to vector<512x1xi32>
        %eq3A_230 = vector.broadcast %scan3A_206 : i32 to vector<512x20xi32>
        %eq3A_231 = arith.cmpi eq, %iota3A_48, %eq3A_230 : vector<512x20xi32>
        %broadcast_in_dim3A_232 = vector.shape_cast %broadcast_in_dim3A_229 : vector<512x1xi32> to vector<512x1xi32>
        %broadcast_in_dim3A_233 = vector.broadcast %broadcast_in_dim3A_232 : vector<512x1xi32> to vector<512x20xi32>
        %select_n3A_234 = arith.select %eq3A_231, %broadcast_in_dim3A_233, %scan3A_207 : vector<512x20xi1>, vector<512x20xi32>
        scf.yield %select_n3A_234, %broadcast_in_dim3A_229 : vector<512x20xi32>, vector<512x1xi32>
      }
      %scan3A_191 = arith.constant 20 : i32
      %get3A_192 = arith.index_cast %multiple_of3A_157 : i32 to index
      %get3A_193 = arith.constant 0 : index
      %get3A_194 = vector.load %arg9[%get3A_192, %get3A_193] : memref<4096x20xi32, #tpu.memory_space<vmem>>, vector<512x20xi32>
      %eq3A = arith.constant 3 : i32
      %eq3A_195 = vector.broadcast %eq3A : i32 to vector<512x1xi32>
      %eq3A_196 = arith.cmpi eq, %get3A_175, %eq3A_195 : vector<512x1xi32>
      %add3A_197 = vector.broadcast %multiple_of3A_127 : i32 to vector<512x20xi32>
      %add3A_198 = arith.addi %scan3A_190#0, %add3A_197 : vector<512x20xi32>
      %broadcast_in_dim3A_199 = vector.shape_cast %eq3A_196 : vector<512x1xi1> to vector<512x1xi1>
      %broadcast_in_dim3A_200 = vector.broadcast %broadcast_in_dim3A_199 : vector<512x1xi1> to vector<512x20xi1>
      %select_n3A_201 = arith.select %broadcast_in_dim3A_200, %add3A_198, %get3A_194 : vector<512x20xi1>, vector<512x20xi32>
      %swap3A_202 = arith.index_cast %multiple_of3A_157 : i32 to index
      %swap3A_203 = arith.constant 0 : index
      %swap3A_204 = vector.load %arg9[%swap3A_202, %swap3A_203] : memref<4096x20xi32, #tpu.memory_space<vmem>>, vector<512x20xi32>
      tpu.vector_store %arg9[%swap3A_202, %swap3A_203], %select_n3A_201 {strides = array<i32>} : memref<4096x20xi32, #tpu.memory_space<vmem>>, vector<512x20xi32>,
      %while3A_205 = arith.constant 0 : i32
      scf.yield %while3A_205 : i32
    }
    return
  }
}

module attributes {stable_mosaic.version = 14 : i64} {
  func.func @_last_body(%arg0: memref<4096x128xf32, #tpu.memory_space<vmem>>, %arg1: memref<4096x256xf32, #tpu.memory_space<vmem>>, %arg2: memref<81920x128xf32, #tpu.memory_space<any>>, %arg3: memref<256x256xf32, #tpu.memory_space<vmem>>, %arg4: memref<256x128xf32, #tpu.memory_space<vmem>>, %arg5: memref<1x128xf32, #tpu.memory_space<vmem>>, %arg6: memref<4096x128xf32, #tpu.memory_space<vmem>>, %arg7: memref<2x4096x128xf32, #tpu.memory_space<vmem>>, %arg8: memref<2x!tpu.dma_semaphore, #tpu.memory_space<semaphore_mem>>) attributes {dimension_semantics = [], scalar_prefetch = 0 : i64, scratch_operands = 2 : i64, tpu.core_type = #tpu.core_type<tc>} {
    %get3A = arith.constant 0 : index
    %get3A_0 = arith.constant 0 : index
    %get3A_1 = vector.load %arg0[%get3A, %get3A_0] : memref<4096x128xf32, #tpu.memory_space<vmem>>, vector<4096x128xf32>
    %get3A_2 = arith.constant 0 : index
    %get3A_3 = arith.constant 0 : index
    %get3A_4 = vector.load %arg1[%get3A_2, %get3A_3] : memref<4096x256xf32, #tpu.memory_space<vmem>>, vector<4096x256xf32>
    %get3A_5 = arith.constant 128 : index
    %get3A_6 = arith.constant 0 : index
    %get3A_7 = vector.load %arg3[%get3A_5, %get3A_6] : memref<256x256xf32, #tpu.memory_space<vmem>>, vector<128x256xf32>
    %dma_start3A = arith.constant 0 : i32
    %dma_start3A_8 = arith.constant 0 : i32
    %dma_start3A_9 = tpu.memref_slice %arg8[%dma_start3A_8] : memref<2x!tpu.dma_semaphore, #tpu.memory_space<semaphore_mem>> -> memref<1x!tpu.dma_semaphore, #tpu.memory_space<semaphore_mem>>
    %dma_start3A_10 = tpu.memref_squeeze %dma_start3A_9 : memref<1x!tpu.dma_semaphore, #tpu.memory_space<semaphore_mem>> -> memref<!tpu.dma_semaphore, #tpu.memory_space<semaphore_mem>>
    %dma_start3A_11 = arith.constant 0 : i32
    %dma_start3A_12 = arith.constant 0 : i32
    %dma_start3A_13 = tpu.memref_slice %arg7[%dma_start3A, %dma_start3A_11, %dma_start3A_12] : memref<2x4096x128xf32, #tpu.memory_space<vmem>> -> memref<1x4096x128xf32, #tpu.memory_space<vmem>>
    %dma_start3A_14 = tpu.memref_squeeze %dma_start3A_13 : memref<1x4096x128xf32, #tpu.memory_space<vmem>> -> memref<4096x128xf32, #tpu.memory_space<vmem>>
    %dma_start3A_15 = arith.constant 0 : i32
    %dma_start3A_16 = arith.constant 0 : i32
    %dma_start3A_17 = tpu.memref_slice %arg2[%dma_start3A_15, %dma_start3A_16] : memref<81920x128xf32, #tpu.memory_space<any>> -> memref<4096x128xf32, #tpu.memory_space<any>>
    tpu.enqueue_dma source(%dma_start3A_17 : memref<4096x128xf32, #tpu.memory_space<any>>) target(%dma_start3A_14 : memref<4096x128xf32, #tpu.memory_space<vmem>>) target_semaphore(%dma_start3A_10 : memref<!tpu.dma_semaphore, #tpu.memory_space<semaphore_mem>>)
    %broadcast_in_dim3A = arith.constant 0xFF800000 : f32
    %broadcast_in_dim3A_18 = vector.broadcast %broadcast_in_dim3A : f32 to vector<4096x256xf32>
    %scan3A = arith.constant 0 : i32
    %scan3A_19 = arith.constant 20 : i32
    %scan3A_20 = arith.addi %scan3A, %scan3A_19 : i32
    %scan3A_21 = arith.constant 1 : i32
    %scan3A_22 = scf.for %scan3A_34 = %scan3A to %scan3A_20 step %scan3A_21 iter_args(%scan3A_35 = %broadcast_in_dim3A_18) -> (vector<4096x256xf32>)  : i32 {
      %jit3A = arith.constant 2 : i32
      %eq3A = arith.constant 0 : i32
      %eq3A_36 = arith.cmpi eq, %jit3A, %eq3A : i32
      %jit3A_37 = arith.constant 1 : i32
      %select_n3A = arith.select %eq3A_36, %jit3A_37, %jit3A : i32
      %rem3A = arith.remsi %scan3A_34, %select_n3A : i32
      %ne3A = arith.constant 0 : i32
      %ne3A_38 = arith.cmpi ne, %rem3A, %ne3A : i32
      %lt3A = arith.constant 0 : i32
      %lt3A_39 = arith.cmpi slt, %rem3A, %lt3A : i32
      %lt3A_40 = arith.constant 0 : i32
      %lt3A_41 = arith.cmpi slt, %select_n3A, %lt3A_40 : i32
      %ne3A_42 = arith.xori %lt3A_39, %lt3A_41 : i1
      %and3A = arith.andi %ne3A_42, %ne3A_38 : i1
      %add3A_43 = arith.addi %rem3A, %select_n3A : i32
      %select_n3A_44 = arith.select %and3A, %add3A_43, %rem3A : i32
      %add3A_45 = arith.constant 1 : i32
      %add3A_46 = arith.addi %scan3A_34, %add3A_45 : i32
      %lt3A_47 = arith.constant 20 : i32
      %lt3A_48 = arith.cmpi slt, %add3A_46, %lt3A_47 : i32
      %convert_element_type3A = arith.extui %lt3A_48 : i1 to i32
      %cond3A = arith.constant 0 : i32
      %cond3A_49 = arith.cmpi ne, %convert_element_type3A, %cond3A : i32
      scf.if %cond3A_49 {
        %add3A_69 = arith.constant 1 : i32
        %add3A_70 = arith.addi %scan3A_34, %add3A_69 : i32
        %sub3A_71 = arith.constant 1 : i32
        %sub3A_72 = arith.subi %sub3A_71, %select_n3A_44 : i32
        %mul3A_73 = arith.constant 4096 : i32
        %mul3A_74 = arith.muli %add3A_70, %mul3A_73 : i32
        %dma_start3A_75 = tpu.memref_slice %arg8[%sub3A_72] : memref<2x!tpu.dma_semaphore, #tpu.memory_space<semaphore_mem>> -> memref<1x!tpu.dma_semaphore, #tpu.memory_space<semaphore_mem>>
        %dma_start3A_76 = tpu.memref_squeeze %dma_start3A_75 : memref<1x!tpu.dma_semaphore, #tpu.memory_space<semaphore_mem>> -> memref<!tpu.dma_semaphore, #tpu.memory_space<semaphore_mem>>
        %dma_start3A_77 = arith.constant 0 : i32
        %dma_start3A_78 = arith.constant 0 : i32
        %dma_start3A_79 = tpu.memref_slice %arg7[%sub3A_72, %dma_start3A_77, %dma_start3A_78] : memref<2x4096x128xf32, #tpu.memory_space<vmem>> -> memref<1x4096x128xf32, #tpu.memory_space<vmem>>
        %dma_start3A_80 = tpu.memref_squeeze %dma_start3A_79 : memref<1x4096x128xf32, #tpu.memory_space<vmem>> -> memref<4096x128xf32, #tpu.memory_space<vmem>>
        %dma_start3A_81 = arith.constant 0 : i32
        %dma_start3A_82 = tpu.memref_slice %arg2[%mul3A_74, %dma_start3A_81] : memref<81920x128xf32, #tpu.memory_space<any>> -> memref<4096x128xf32, #tpu.memory_space<any>>
        tpu.enqueue_dma source(%dma_start3A_82 : memref<4096x128xf32, #tpu.memory_space<any>>) target(%dma_start3A_80 : memref<4096x128xf32, #tpu.memory_space<vmem>>) target_semaphore(%dma_start3A_76 : memref<!tpu.dma_semaphore, #tpu.memory_space<semaphore_mem>>)
      } else {
      }
      %mul3A = arith.constant 4096 : i32
      %mul3A_50 = arith.muli %scan3A_34, %mul3A : i32
      %dma_wait3A = tpu.memref_slice %arg8[%select_n3A_44] : memref<2x!tpu.dma_semaphore, #tpu.memory_space<semaphore_mem>> -> memref<1x!tpu.dma_semaphore, #tpu.memory_space<semaphore_mem>>
      %dma_wait3A_51 = tpu.memref_squeeze %dma_wait3A : memref<1x!tpu.dma_semaphore, #tpu.memory_space<semaphore_mem>> -> memref<!tpu.dma_semaphore, #tpu.memory_space<semaphore_mem>>
      %dma_wait3A_52 = arith.constant 0 : i32
      %dma_wait3A_53 = arith.constant 0 : i32
      %dma_wait3A_54 = tpu.memref_slice %arg7[%select_n3A_44, %dma_wait3A_52, %dma_wait3A_53] : memref<2x4096x128xf32, #tpu.memory_space<vmem>> -> memref<1x4096x128xf32, #tpu.memory_space<vmem>>
      %dma_wait3A_55 = tpu.memref_squeeze %dma_wait3A_54 : memref<1x4096x128xf32, #tpu.memory_space<vmem>> -> memref<4096x128xf32, #tpu.memory_space<vmem>>
      %dma_wait3A_56 = arith.constant 0 : i32
      %dma_wait3A_57 = tpu.memref_slice %arg2[%mul3A_50, %dma_wait3A_56] : memref<81920x128xf32, #tpu.memory_space<any>> -> memref<4096x128xf32, #tpu.memory_space<any>>
      tpu.wait_dma2 semaphore(%dma_wait3A_51 : memref<!tpu.dma_semaphore, #tpu.memory_space<semaphore_mem>>) src(%dma_wait3A_57 : memref<4096x128xf32, #tpu.memory_space<any>>) dst(%dma_wait3A_55 : memref<4096x128xf32, #tpu.memory_space<vmem>>)
      %get3A_58 = arith.index_cast %select_n3A_44 : i32 to index
      %get3A_59 = arith.constant 0 : index
      %get3A_60 = arith.constant 0 : index
      %get3A_61 = vector.load %arg7[%get3A_58, %get3A_59, %get3A_60] : memref<2x4096x128xf32, #tpu.memory_space<vmem>>, vector<1x4096x128xf32>
      %get3A_62 = vector.shape_cast %get3A_61 : vector<1x4096x128xf32> to vector<4096x128xf32>
      %sub3A = arith.subf %get3A_62, %get3A_1 : vector<4096x128xf32>
      %dot_general3A_63 = arith.constant dense<0.000000e+00> : vector<4096x256xf32>
      %dot_general3A_64 = tpu.matmul %sub3A, %get3A_7, %dot_general3A_63 {dimension_numbers = #tpu.dot_dimension_numbers<[1], [0], [0], [1], [0, 0, 1, 1], [], []>, transpose_lhs_hint = false} : vector<4096x128xf32>, vector<128x256xf32>, vector<4096x256xf32> -> vector<4096x256xf32>
      %add3A_65 = arith.addf %get3A_4, %dot_general3A_64 : vector<4096x256xf32>
      %max3A = arith.constant 0.000000e+00 : f32
      %max3A_66 = vector.broadcast %max3A : f32 to vector<4096x256xf32>
      %max3A_67 = arith.maximumf %add3A_65, %max3A_66 : vector<4096x256xf32>
      %max3A_68 = arith.maximumf %scan3A_35, %max3A_67 : vector<4096x256xf32>
      scf.yield %max3A_68 : vector<4096x256xf32>
    }
    %scan3A_23 = arith.constant 20 : i32
    %get3A_24 = arith.constant 0 : index
    %get3A_25 = arith.constant 0 : index
    %get3A_26 = vector.load %arg4[%get3A_24, %get3A_25] : memref<256x128xf32, #tpu.memory_space<vmem>>, vector<256x128xf32>
    %dot_general3A = arith.constant dense<0.000000e+00> : vector<4096x128xf32>
    %dot_general3A_27 = tpu.matmul %scan3A_22, %get3A_26, %dot_general3A {dimension_numbers = #tpu.dot_dimension_numbers<[1], [0], [0], [1], [0, 0, 1, 1], [], []>, transpose_lhs_hint = false} : vector<4096x256xf32>, vector<256x128xf32>, vector<4096x128xf32> -> vector<4096x128xf32>
    %get3A_28 = arith.constant 0 : index
    %get3A_29 = arith.constant 0 : index
    %get3A_30 = vector.load %arg5[%get3A_28, %get3A_29] : memref<1x128xf32, #tpu.memory_space<vmem>>, vector<1x128xf32>
    %add3A = vector.broadcast %get3A_30 : vector<1x128xf32> to vector<4096x128xf32>
    %add3A_31 = arith.addf %dot_general3A_27, %add3A : vector<4096x128xf32>
    %swap3A = arith.constant 0 : index
    %swap3A_32 = arith.constant 0 : index
    %swap3A_33 = vector.load %arg6[%swap3A, %swap3A_32] : memref<4096x128xf32, #tpu.memory_space<vmem>>, vector<4096x128xf32>
    tpu.vector_store %arg6[%swap3A, %swap3A_32], %add3A_31 {strides = array<i32>} : memref<4096x128xf32, #tpu.memory_space<vmem>>, vector<4096x128xf32>,
    return
  }
}

</mosaic_0001>

<sc_bundles>
// kernel: kernel.10.cloned.1.call-start
scs
__scs_entry_jumppad:
0x0: {  	(pc) =	sbr.rel $0x88, $3  }
0x1: {  	(tag) =	ssettag $0x0;
	lr =	simm.s32 $0x1  }
0x2: {  	[smem:$0x3F97] =	sst lr;
	_ =	strace $0xD0000000  }
0x3: {  	_ = 	snop  }
0x4: {  	_ = 	snop  }
0x5: {  	_ = 	snop  }
0x6: {  	_ = 	snop  }
0x7: {  	_ = 	snop  }
__scs_overlays_trampoline_lowered:
0x8: {  	[smem:$0x3FA6] =	sst s0  }
0x9: {  	[smem:$0x3FA7] =	sst s1  }
0xa: {  	[smem:$0x3FA8] =	sst s2  }
0xb: {  	[smem:$0x3FA9] =	sst s3  }
0xc: {  	[smem:$0x3FAA] =	sst s4  }
0xd: {  	[smem:$0x3FAB] =	sst s5  }
0xe: {  	[smem:$0x3FAC] =	sst s6  }
0xf: {  	[smem:$0x3FAD] =	sst s7  }
0x10: {  	[smem:$0x3FAE] =	sst s8  }
0x11: {  	[smem:$0x3FAF] =	sst s9;
	s0 =	simm.s32 @!p0 $0x0  }
0x12: {  	s1 =	sld [smem:$0x3F95];
	s0 =	simm.s32 @p0 $0x1  }
0x13: {  	[smem:$0x3FB0] =	sst s0;
	s0 =	simm.s32 @!p1 $0x0  }
0x14: {  	s2 =	sld [smem:$0x3F94];
	s0 =	simm.s32 @p1 $0x1  }
0x15: {  	[smem:$0x3FB1] =	sst s0;
	s0 =	simm.s32 @!p2 $0x0  }
0x16: {  	s3 =	sld [smem:$0x3FDB];
	s0 =	simm.s32 @p2 $0x1  }
0x17: {  	s4 =	simm.s32 $0x1BF5;
	[smem:$0x3FB3] =	sst s0  }
0x18: {  	s0 =	sld [smem:$0x3F96];
	_ =	swait.ge [sflag:s4], $0x0  }
0x19: {  	s7 =	sld [smem:$0x3F97]  }
0x1a: {  	s8 =	sadd.s32 $0xFFFFE003, lr  }
0x1b: {  	s9 =	sadd.s32 $0xFFFFFEF7, lr;
	s5 =	simm.s32 $0xFFFFFFFF;
	p2 =	slt.u32 s8, $0xFFFFF086  }
0x1c: {  	p1 =	slt.u32 s9, $0xF7A;
	s5 =	simm.s32 @!p2 $0x0  }
0x1d: {  	s5 =	simm.s32 @p1 $0x1;
	p0 =	seq.s32 s7, s2  }
0x1e: {  	s7 =	smul.u32 @!p0 $0xF7A, s2;
	p2 =	seq.s32 @!p0 s5, $0x0  }
0x1f: {  	s9 =	smul.u32 $0xF7A, s1;
	s8 =	simm.s32 @!p0 $0x1BF5;
	p2 =	por !p2, p0  }
0x20: {  	[sflag:s8] =	ssyncset.s32 @!p0 $0xFFFFF086;
	s6 =	sadd.s32 @!p0 s3, s7;
	s7 =	simm.s32 @!p0 $0x108  }
0x21: {  	s3 =	sadd.s32 s3, s9;
	s6 =	sadd.s32 @!p0 $0x88, s6;
	s7 =	simm.s32 @p2 $0x1082  }
0x22: {  	[simem:s7], [sflag:s8] =	dma.local @!p0 [hbm:s6], $0xF7A  }
0x23: {  	s9 =	sor.u32 $0xD0000000, s2;
	s6 =	simm.s32 $0x108;
	_ =	swait.ge @!p0 [sflag:s8], $0x0  }
0x24: {  	s3 =	sadd.s32 $0x88, s3;
	s6 =	simm.s32 @!p1 $0x1082;
	[sflag:s4] =	ssyncset.s32 $0xFFFFF086  }
0x25: {  	[simem:s6], [sflag:s4] =	dma.local [hbm:s3], $0xF7A  }
0x26: {  	[smem:$0x3F97] =	sst s1;
	(tag) =	ssettag s2;
	_ =	strace s9  }
0x27: {  	s1 =	sld [smem:$0x3FA7]  }
0x28: {  	s2 =	sld [smem:$0x3FA8]  }
0x29: {  	s4 =	sld [smem:$0x3FAA]  }
0x2a: {  	p0 =	seq.s32 s5, $0x0;
	s5 =	sld [smem:$0x3FAB]  }
0x2b: {  	s6 =	sld [smem:$0x3FAC]  }
0x2c: {  	s7 =	sld [smem:$0x3FAD]  }
0x2d: {  	s3 =	simm.s32 $0x108;
	s8 =	sld [smem:$0x3FAE]  }
0x2e: {  	s3 =	simm.s32 @!p0 $0x1082;
	s9 =	sld [smem:$0x3FAF]  }
0x2f: {  	lr =	sadd.s32 s0, s3;
	s0 =	sld [smem:$0x3FA6]  }
0x30: {  	s3 =	sld [smem:$0x3FA9]  }
0x31: {  	[smem:$0x3FB2] =	sst s10  }
0x32: {  	s10 =	sld [smem:$0x3FB0];
	_ =	sdelay $0x3  }
0x33: {  	p0 =	seq.s32 s10, $0x1;
	s10 =	sld [smem:$0x3FB2];
	_ =	sdelay $0x3  }
0x34: {  	[smem:$0x3FB2] =	sst s10  }
0x35: {  	s10 =	sld [smem:$0x3FB1];
	_ =	sdelay $0x3  }
0x36: {  	p1 =	seq.s32 s10, $0x1;
	s10 =	sld [smem:$0x3FB2];
	_ =	sdelay $0x3  }
0x37: {  	[smem:$0x3FB2] =	sst s10  }
0x38: {  	s10 =	sld [smem:$0x3FB3]  }
0x39: {  	_ = 	snop;
	(pc) =	sbr.ind lr, $3  }
0x3a: {  	_ = 	snop  }
0x3b: {  	_ = 	snop  }
0x3c: {  	p2 =	seq.s32 s10, $0x1;
	s10 =	sld [smem:$0x3FB2]  }
0x3d: {  	_ =	shalt  }
0x3e: {  	_ =	shalt  }
0x3f: {  	_ =	shalt  }
0x40: {  	_ =	shalt  }
0x41: {  	_ =	shalt  }
0x42: {  	_ =	shalt  }
0x43: {  	_ =	shalt  }
0x44: {  	_ =	shalt  }
0x45: {  	_ =	shalt  }
0x46: {  	_ =	shalt  }
0x47: {  	_ =	shalt  }
0x48: {  	_ =	shalt  }
0x49: {  	_ =	shalt  }
0x4a: {  	_ =	shalt  }
0x4b: {  	_ =	shalt  }
0x4c: {  	_ =	shalt  }
0x4d: {  	_ =	shalt  }
0x4e: {  	_ =	shalt  }
0x4f: {  	_ =	shalt  }
0x50: {  	_ =	shalt  }
0x51: {  	_ =	shalt  }
0x52: {  	_ =	shalt  }
0x53: {  	_ =	shalt  }
0x54: {  	_ =	shalt  }
0x55: {  	_ =	shalt  }
0x56: {  	_ =	shalt  }
0x57: {  	_ =	shalt  }
0x58: {  	_ =	shalt  }
0x59: {  	_ =	shalt  }
0x5a: {  	_ =	shalt  }
0x5b: {  	_ =	shalt  }
0x5c: {  	_ =	shalt  }
0x5d: {  	_ =	shalt  }
0x5e: {  	_ =	shalt  }
0x5f: {  	_ =	shalt  }
0x60: {  	_ =	shalt  }
0x61: {  	_ =	shalt  }
0x62: {  	_ =	shalt  }
0x63: {  	_ =	shalt  }
0x64: {  	_ =	shalt  }
0x65: {  	_ =	shalt  }
0x66: {  	_ =	shalt  }
0x67: {  	_ =	shalt  }
0x68: {  	_ =	shalt  }
0x69: {  	_ =	shalt  }
0x6a: {  	_ =	shalt  }
0x6b: {  	_ =	shalt  }
0x6c: {  	_ =	shalt  }
0x6d: {  	_ =	shalt  }
0x6e: {  	_ =	shalt  }
0x6f: {  	_ =	shalt  }
0x70: {  	_ =	shalt  }
0x71: {  	_ =	shalt  }
0x72: {  	_ =	shalt  }
0x73: {  	_ =	shalt  }
0x74: {  	_ =	shalt  }
0x75: {  	_ =	shalt  }
0x76: {  	_ =	shalt  }
0x77: {  	_ =	shalt  }
0x78: {  	_ =	shalt  }
0x79: {  	_ =	shalt  }
0x7a: {  	_ =	shalt  }
0x7b: {  	_ =	shalt  }
0x7c: {  	_ =	shalt  }
0x7d: {  	_ =	shalt  }
0x7e: {  	_ =	shalt  }
0x7f: {  	_ =	shalt  }
0x80: {  	_ =	shalt  }
0x81: {  	_ =	shalt  }
0x82: {  	_ =	shalt  }
0x83: {  	_ =	shalt  }
0x84: {  	_ =	shalt  }
0x85: {  	_ =	shalt  }
0x86: {  	_ =	shalt  }
0x87: {  	_ =	shalt  }
.Lfunc_end0:
.L_simem_size_0:
called_computation.1_lowered:
.L_overlay_start_0:
0x88: {  	s2 =	sld [smem:$0x3FD9]  }
0x89: {  	s3 =	sld [smem:$0x3FFE];
	_ =	sdelay $0x1  }
0x8a: {  	s1 =	srdreg.scid  }
0x8b: {  	s0 =	sand.u32 $0x1, s1  }
0x8c: {  	s17 =	sshll.u32 s0, $0xA;
	s2 =	sadd.s32 s3, s2  }
0x8d: {  	s2 =	sadd.s32 s2, s17  }
0x8e: {  	[smem:$0x3FBE] =	sst s2  }
0x8f: {  	_ = 	snop  }
0x90: {  	s2 =	sld [smem:$0x3FD0];
	(tm) =	ssettm $0x1  }
0x91: {  	s18 =	sld [smem:$0x3FFB];
	_ =	sdelay $0x3  }
0x92: {  	_ =	strace s18  }
0x93: {  	s3 =	sld [smem:$0x3FFC];
	_ =	sdelay $0x3  }
0x94: {  	_ =	strace s3  }
0x95: {  	s3 =	sld [smem:$0x3FFD];
	_ =	sdelay $0x3  }
0x96: {  	_ =	strace s3  }
0x97: {  	_ =	strace $0x8FFFFFFF  }
0x98: {  	s19 =	sld [smem:$0x3FDB];
	_ =	sdelay $0x1  }
0x99: {  	s4 =	simm.s32 $_scs_section_size  }
0x9a: {  	s5 =	simm.s32 $_size__tile_overlayer_lowered;
	s6 =	simm.s32 $_tile_overlayer_lowered  }
0x9b: {  	s22 =	simm.s32 $0x1BFF;
	s21 =	sshll.u32 s6, $0x1;
	s3 =	sadd.s32 s4, s19  }
0x9c: {  	s7 =	simm.s32 $0x0;
	s20 =	sshll.u32 s5, $0x1;
	s5 =	sadd.s32 s21, s3  }
0x9d: {  	[timem:s7], [sflag:s22] =	dma.local [hbm:s5], s20  }
0x9e: {  	_ =	swait.ge [sflag:s22], s20  }
0x9f: {  	s4 =	ssub.s32 $0x0, s20;
	[sflag:s22] =	ssyncset.done $0x0  }
0xa0: {  	[sflag:s22] =	ssyncadd.s32 s4;
	_ =	sdelay $0x1  }
0xa1: {  	s23 =	simm.s32 $0x1B8B  }
0xa2: {  	_ =	swait.ge [sflag:s23], $0x1  }
0xa3: {  	[sflag:s23] =	ssyncset.done $0x0  }
0xa4: {  	s25 =	simm.s32 $0x1B8E;
	s24 =	sld [smem:$0x3FFE];
	[sflag:s23] =	ssyncadd.s32 $0xFFFFFFFF  }
0xa5: {  	s26 =	simm.s32 $execute0_lowered;
	[smem:$0x3FD2] =	sst s25  }
0xa6: {  	s5 =	sshll.u32 s26, $0x1;
	_ =	strace $0x80000049;
	[dreg:$0x1] =	wrdreg $0xFFFFFFFF  }
0xa7: {  	s28 =	simm.s32 $_size_execute0_lowered;
	s3 =	sadd.s32 s3, s5;
	[dreg:$0x0] =	wrdreg $0x0  }
0xa8: {  	s5 =	sshll.u32 s28, $0x1;
	[dreg:$0x2] =	wrdreg s3  }
0xa9: {  	[dreg:$0x3] =	wrdreg s5  }
0xaa: {  	[dreg:$0x4] =	wrdreg $0xC0  }
0xab: {  	_ =	task [dreg:s7], $0x5FFFF  }
0xac: {  	[dreg:$0x1] =	wrdreg $0xFFFFFFFF  }
0xad: {  	[dreg:$0x0] =	wrdreg $0x60  }
0xae: {  	[dreg:$0x2] =	wrdreg s24  }
0xaf: {  	[dreg:$0x3] =	wrdreg s2  }
0xb0: {  	[dreg:$0x4] =	wrdreg $0x9  }
0xb1: {  	_ =	task.clear_ibuf [dreg:s7], $0x5FFFF;
	_ =	strace $0x90000049  }
0xb2: {  	s29 =	simm.s32 $0x9;
	_ =	strace $0x8000004B  }
0xb3: {  	_ =	swait.ge [sflag:s29], $0x1  }
0xb4: {  	[sflag:s29] =	ssyncadd.s32 $0xFFFFFFFF  }
0xb5: {  	_ =	strace $0x9000004B  }
0xb6: {  	_ =	sfence  }
0xb7: {  	s30 =	sld [smem:$0x0];
	_ =	sdelay $0x2  }
0xb8: {  	s31 =	sshll.u32 s1, $0xD;
	s1 =	sshrl.u32 s1, $0x2  }
0xb9: {  	s3 =	sand.u32 $0x4000, s31;
	s1 =	sadd.s32 s1, s30  }
0xba: {  	s0 =	sor.u32 s3, s0;
	s1 =	sshll.u32 s1, $0x11  }
0xbb: {  	s0 =	sor.u32 s1, s0  }
0xbc: {  	s0 =	sadd.s32 $0x8F2B, s0  }
0xbd: {  	[sflag:s0] =	ssyncadd.remote.s32 $0x1  }
0xbe: {  	_ =	sfence.sel $0xFFFF  }
0xbf: {  	[dreg:$0x0] =	wrdreg $0xFFFFFFFF;
	(pc) =	sbr.abs _section_cstart, $3  }
0xc0: {  	[dreg:$0x1] =	wrdreg $0xFFFFFFFF  }
0xc1: {  	_ =	task.clear_ibuf [dreg:s7], $0x2FFFF;
	_ =	strace $0x9FFFFFFF  }
0xc2: {  	(tm) =	ssettm $0x7FFFFFFF  }
0xc3: {  	_ =	shalt  }
tec
execute0_lowered:
.L_overlay_start_1:
0x0: {  	(tag) =	ssettag $0x1  }
0x1: {  	s4 =	rddreg [dreg:$0x0]  }
0x2: {  	s2 =	rddreg [dreg:$0x1]  }
0x3: {  	s0 =	rddreg [dreg:$0x2];
	s1 =	stileid.u32  }
0x4: {  	s5 =	srdreg.scid;
	s3 =	simm.s32 $0x0;
	s6 =	smul.u32 $0x1400, s1  }
0x5: {  	s10 =	simm.s32 $0x0;
	s5 =	sand.u32 $0x1, s5;
	s8 =	smul.u32 $0x14000, s1  }
0x6: {  	[smem:$0x7FF] =	sst s3;
	s7 =	smul.u32 $0xA00, s5;
	s9 =	ssub.s32 $0x2, s5  }
0x7: {  	_ =	strace $0x8000004A;
	s5 =	smul.u32 $0xA000, s5;
	s31 =	sshrl.u32 s9, $0x1  }
0x8: {  	s8 =	sadd.s32 s8, s4;
	s6 =	sadd.s32 s7, s6;
	s7 =	ssub.s32 s9, s31  }
0x9: {  	s5 =	sadd.s32 s5, s8;
	s8 =	simm.s32 $0x80;
	s6 =	sshrl.u32 s6, $0x3  }
0xa: {  	s9 =	simm.s32 $0x1;
	s5 =	sadd.s32 $0x5600, s5;
	s6 =	sadd.s32 s6, s4  }
0xb: {  	s4 =	smax.u32 s7, $0x1;
	s7 =	simm.s32 $0x2;
	s6 =	sadd.s32 $0x2E00, s6  }
.LBB2_1:
0xc: {  	s11 =	sadd.s32 $0x0, s6  }
0xd: {  	[tilespmem:s3], [sflag:$0x2] =	stream.linear.gather [hbm4b:s11+s3], $0x80, $0x38;
	[tilespmem:$0x4080] =	vst v63  }
0xe: {  	_ =	swait.ge [sflag:s7], $0x80  }
0xf: {  	[sflag:s7] =	ssyncset.done $0x0  }
0x10: {  	[sflag:s7] =	ssyncadd.s32 $0xFFFFFF80  }
0x11: {  	[tilespmem:s8], [sflag:$0x1] =	stream.indirect.gather [hbm4b:s2+s8], $0x80, s3, s8, $0xb8;
	[tilespmem:$0x4080] =	vst v63  }
0x12: {  	_ =	swait.ge [sflag:s9], $0x4000  }
0x13: {  	[sflag:s9] =	ssyncset.done $0x0  }
0x14: {  	[sflag:s9] =	ssyncadd.s32 $0xFFFFC000  }
0x15: {  	[hbm4b:s5+s3] =	stream.linear.scatter [tilespmem:s8], [sflag:$0x2], $0x4000, $0x38;
	[tilespmem:$0x4080] =	vst v63  }
0x16: {  	s12 =	simm.s32 $0x10;
	_ =	swait.ge [sflag:s7], $0x4000  }
0x17: {  	s13 =	simm.s32 $0x20;
	s11 =	sadd.s32 $0x800, s5;
	[sflag:s7] =	ssyncset.done $0x0  }
.LBB2_2:
0x18: {  	s14 =	sadd.s32 s12, s6  }
0x19: {  	[sflag:s7] =	ssyncadd.s32 $0xFFFFC000;
	s12 =	smov.u32 s13;
	s15 =	sadd.s32 $0x10, s13  }
0x1a: {  	[tilespmem:s3], [sflag:$0x2] =	stream.linear.gather [hbm4b:s14+s3], $0x80, $0x38;
	[tilespmem:$0x4080] =	vst v63  }
0x1b: {  	p0 =	sne.s32 s13, $0x130;
	_ =	swait.ge [sflag:s7], $0x80  }
0x1c: {  	[sflag:s7] =	ssyncset.done $0x0  }
0x1d: {  	[sflag:s7] =	ssyncadd.s32 $0xFFFFFF80  }
0x1e: {  	[tilespmem:s8], [sflag:$0x1] =	stream.indirect.gather [hbm4b:s2+s8], $0x80, s3, s8, $0xb8;
	[tilespmem:$0x4080] =	vst v63  }
0x1f: {  	_ =	swait.ge [sflag:s9], $0x4000  }
.Ltmp0:
0x20: {  	[sflag:s9] =	ssyncset.done $0x0;
	(pc) =	sbr.rel @p0 .LBB2_2-.Ltmp0, $4  }
0x21: {  	[sflag:s9] =	ssyncadd.s32 $0xFFFFC000  }
0x22: {  	[hbm4b:s11+s3] =	stream.linear.scatter [tilespmem:s8], [sflag:$0x2], $0x4000, $0x38;
	[tilespmem:$0x4080] =	vst v63  }
0x23: {  	_ =	swait.ge [sflag:s7], $0x4000  }
0x24: {  	s13 =	smov.u32 s15;
	s11 =	sadd.s32 $0x800, s11;
	[sflag:s7] =	ssyncset.done $0x0  }
0x25: {  	s12 =	sadd.s32 s12, s6;
	[sflag:s7] =	ssyncadd.s32 $0xFFFFC000  }
0x26: {  	[tilespmem:s3], [sflag:$0x2] =	stream.linear.gather [hbm4b:s12+s3], $0x80, $0x38;
	[tilespmem:$0x4080] =	vst v63  }
0x27: {  	_ =	swait.ge [sflag:s7], $0x80  }
0x28: {  	[sflag:s7] =	ssyncset.done $0x0  }
0x29: {  	[sflag:s7] =	ssyncadd.s32 $0xFFFFFF80  }
0x2a: {  	[tilespmem:s8], [sflag:$0x1] =	stream.indirect.gather [hbm4b:s2+s8], $0x80, s3, s8, $0xb8;
	[tilespmem:$0x4080] =	vst v63  }
0x2b: {  	s10 =	sadd.s32 $0x1, s10;
	_ =	swait.ge [sflag:s9], $0x4000  }
0x2c: {  	p0 =	sne.s32 s10, s4;
	[sflag:s9] =	ssyncset.done $0x0  }
.Ltmp1:
0x2d: {  	[sflag:s9] =	ssyncadd.s32 $0xFFFFC000;
	(pc) =	sbr.rel @p0 .LBB2_1-.Ltmp1, $4  }
0x2e: {  	[hbm4b:s11+s3] =	stream.linear.scatter [tilespmem:s8], [sflag:$0x2], $0x4000, $0x38;
	[tilespmem:$0x4080] =	vst v63  }
0x2f: {  	_ =	swait.ge [sflag:s7], $0x4000  }
0x30: {  	[sflag:s7] =	ssyncset.done $0x0  }
0x31: {  	[sflag:s7] =	ssyncadd.s32 $0xFFFFC000  }
0x32: {  	_ =	sfence.sel $0x180000  }
0x33: {  	[bflag:$0x0] =	sbarrier.arrive $0xFFFF  }
0x34: {  	p0 =	sne.s32 s1, $0x0;
	_ =	strace $0x9000004A  }
0x35: {  	s0 =	sadd.s32 @!p0 $0x100000, s0;
	[bflag:$0x2] =	sbarrier.arrive $0xFFFF  }
0x36: {  	[sflag:s0] =	ssyncadd.tile.s32 @!p0 $0x1;
	_ =	shalt  }
.Lfunc_end2:
_tile_overlayer_lowered:
.L_overlay_start_2:
0x37: {  	(tag) =	ssettag $0x2  }
0x38: {  	s0 =	rddreg [dreg:$0x0];
	s2 =	stileid.u32  }
0x39: {  	s1 =	rddreg [dreg:$0x1];
	p0 =	sne.s32 s2, $0x0  }
0x3a: {  	s3 =	rddreg [dreg:$0x2];
	[bflag:$0x3] =	sbarrier.arrive $0xFFFF;
	s2 =	simm.s32 @!p0 $0x1C02  }
0x3b: {  	[timem:s3], [sflag:s2] =	dma.local @!p0 [hbm:s0], s1  }
0x3c: {  	s0 =	simm.s32 @!p0 $0x2  }
0x3d: {  	_ =	swait.ge @!p0 [sflag:s0], s1  }
0x3e: {  	s1 =	ssub.s32 @!p0 $0x0, s1;
	[sflag:s0] =	ssyncset.done @!p0 $0x0  }
0x3f: {  	[sflag:s0] =	ssyncadd.s32 @!p0 s1  }
0x40: {  	[bflag:$0x3] =	sbarrier.arrive $0xFFFF  }
0x41: {  	_ =	shalt  }

// kernel: kernel.7.cloned.1.call-start
scs
__scs_entry_jumppad:
0x0: {  	(pc) =	sbr.rel $0x88, $3  }
0x1: {  	(tag) =	ssettag $0x0;
	lr =	simm.s32 $0x1  }
0x2: {  	[smem:$0x3F97] =	sst lr;
	_ =	strace $0xD0000000  }
0x3: {  	_ = 	snop  }
0x4: {  	_ = 	snop  }
0x5: {  	_ = 	snop  }
0x6: {  	_ = 	snop  }
0x7: {  	_ = 	snop  }
__scs_overlays_trampoline_lowered:
0x8: {  	[smem:$0x3FA6] =	sst s0  }
0x9: {  	[smem:$0x3FA7] =	sst s1  }
0xa: {  	[smem:$0x3FA8] =	sst s2  }
0xb: {  	[smem:$0x3FA9] =	sst s3  }
0xc: {  	[smem:$0x3FAA] =	sst s4  }
0xd: {  	[smem:$0x3FAB] =	sst s5  }
0xe: {  	[smem:$0x3FAC] =	sst s6  }
0xf: {  	[smem:$0x3FAD] =	sst s7  }
0x10: {  	[smem:$0x3FAE] =	sst s8  }
0x11: {  	[smem:$0x3FAF] =	sst s9;
	s0 =	simm.s32 @!p0 $0x0  }
0x12: {  	s1 =	sld [smem:$0x3F95];
	s0 =	simm.s32 @p0 $0x1  }
0x13: {  	[smem:$0x3FB0] =	sst s0;
	s0 =	simm.s32 @!p1 $0x0  }
0x14: {  	s2 =	sld [smem:$0x3F94];
	s0 =	simm.s32 @p1 $0x1  }
0x15: {  	[smem:$0x3FB1] =	sst s0;
	s0 =	simm.s32 @!p2 $0x0  }
0x16: {  	s3 =	sld [smem:$0x3FDB];
	s0 =	simm.s32 @p2 $0x1  }
0x17: {  	s4 =	simm.s32 $0x1BF5;
	[smem:$0x3FB3] =	sst s0  }
0x18: {  	s0 =	sld [smem:$0x3F96];
	_ =	swait.ge [sflag:s4], $0x0  }
0x19: {  	s7 =	sld [smem:$0x3F97]  }
0x1a: {  	s8 =	sadd.s32 $0xFFFFE003, lr  }
0x1b: {  	s9 =	sadd.s32 $0xFFFFFEF7, lr;
	s5 =	simm.s32 $0xFFFFFFFF;
	p2 =	slt.u32 s8, $0xFFFFF086  }
0x1c: {  	p1 =	slt.u32 s9, $0xF7A;
	s5 =	simm.s32 @!p2 $0x0  }
0x1d: {  	s5 =	simm.s32 @p1 $0x1;
	p0 =	seq.s32 s7, s2  }
0x1e: {  	s7 =	smul.u32 @!p0 $0xF7A, s2;
	p2 =	seq.s32 @!p0 s5, $0x0  }
0x1f: {  	s9 =	smul.u32 $0xF7A, s1;
	s8 =	simm.s32 @!p0 $0x1BF5;
	p2 =	por !p2, p0  }
0x20: {  	[sflag:s8] =	ssyncset.s32 @!p0 $0xFFFFF086;
	s6 =	sadd.s32 @!p0 s3, s7;
	s7 =	simm.s32 @!p0 $0x108  }
0x21: {  	s3 =	sadd.s32 s3, s9;
	s6 =	sadd.s32 @!p0 $0x88, s6;
	s7 =	simm.s32 @p2 $0x1082  }
0x22: {  	[simem:s7], [sflag:s8] =	dma.local @!p0 [hbm:s6], $0xF7A  }
0x23: {  	s9 =	sor.u32 $0xD0000000, s2;
	s6 =	simm.s32 $0x108;
	_ =	swait.ge @!p0 [sflag:s8], $0x0  }
0x24: {  	s3 =	sadd.s32 $0x88, s3;
	s6 =	simm.s32 @!p1 $0x1082;
	[sflag:s4] =	ssyncset.s32 $0xFFFFF086  }
0x25: {  	[simem:s6], [sflag:s4] =	dma.local [hbm:s3], $0xF7A  }
0x26: {  	[smem:$0x3F97] =	sst s1;
	(tag) =	ssettag s2;
	_ =	strace s9  }
0x27: {  	s1 =	sld [smem:$0x3FA7]  }
0x28: {  	s2 =	sld [smem:$0x3FA8]  }
0x29: {  	s4 =	sld [smem:$0x3FAA]  }
0x2a: {  	p0 =	seq.s32 s5, $0x0;
	s5 =	sld [smem:$0x3FAB]  }
0x2b: {  	s6 =	sld [smem:$0x3FAC]  }
0x2c: {  	s7 =	sld [smem:$0x3FAD]  }
0x2d: {  	s3 =	simm.s32 $0x108;
	s8 =	sld [smem:$0x3FAE]  }
0x2e: {  	s3 =	simm.s32 @!p0 $0x1082;
	s9 =	sld [smem:$0x3FAF]  }
0x2f: {  	lr =	sadd.s32 s0, s3;
	s0 =	sld [smem:$0x3FA6]  }
0x30: {  	s3 =	sld [smem:$0x3FA9]  }
0x31: {  	[smem:$0x3FB2] =	sst s10  }
0x32: {  	s10 =	sld [smem:$0x3FB0];
	_ =	sdelay $0x3  }
0x33: {  	p0 =	seq.s32 s10, $0x1;
	s10 =	sld [smem:$0x3FB2];
	_ =	sdelay $0x3  }
0x34: {  	[smem:$0x3FB2] =	sst s10  }
0x35: {  	s10 =	sld [smem:$0x3FB1];
	_ =	sdelay $0x3  }
0x36: {  	p1 =	seq.s32 s10, $0x1;
	s10 =	sld [smem:$0x3FB2];
	_ =	sdelay $0x3  }
0x37: {  	[smem:$0x3FB2] =	sst s10  }
0x38: {  	s10 =	sld [smem:$0x3FB3]  }
0x39: {  	_ = 	snop;
	(pc) =	sbr.ind lr, $3  }
0x3a: {  	_ = 	snop  }
0x3b: {  	_ = 	snop  }
0x3c: {  	p2 =	seq.s32 s10, $0x1;
	s10 =	sld [smem:$0x3FB2]  }
0x3d: {  	_ =	shalt  }
0x3e: {  	_ =	shalt  }
0x3f: {  	_ =	shalt  }
0x40: {  	_ =	shalt  }
0x41: {  	_ =	shalt  }
0x42: {  	_ =	shalt  }
0x43: {  	_ =	shalt  }
0x44: {  	_ =	shalt  }
0x45: {  	_ =	shalt  }
0x46: {  	_ =	shalt  }
0x47: {  	_ =	shalt  }
0x48: {  	_ =	shalt  }
0x49: {  	_ =	shalt  }
0x4a: {  	_ =	shalt  }
0x4b: {  	_ =	shalt  }
0x4c: {  	_ =	shalt  }
0x4d: {  	_ =	shalt  }
0x4e: {  	_ =	shalt  }
0x4f: {  	_ =	shalt  }
0x50: {  	_ =	shalt  }
0x51: {  	_ =	shalt  }
0x52: {  	_ =	shalt  }
0x53: {  	_ =	shalt  }
0x54: {  	_ =	shalt  }
0x55: {  	_ =	shalt  }
0x56: {  	_ =	shalt  }
0x57: {  	_ =	shalt  }
0x58: {  	_ =	shalt  }
0x59: {  	_ =	shalt  }
0x5a: {  	_ =	shalt  }
0x5b: {  	_ =	shalt  }
0x5c: {  	_ =	shalt  }
0x5d: {  	_ =	shalt  }
0x5e: {  	_ =	shalt  }
0x5f: {  	_ =	shalt  }
0x60: {  	_ =	shalt  }
0x61: {  	_ =	shalt  }
0x62: {  	_ =	shalt  }
0x63: {  	_ =	shalt  }
0x64: {  	_ =	shalt  }
0x65: {  	_ =	shalt  }
0x66: {  	_ =	shalt  }
0x67: {  	_ =	shalt  }
0x68: {  	_ =	shalt  }
0x69: {  	_ =	shalt  }
0x6a: {  	_ =	shalt  }
0x6b: {  	_ =	shalt  }
0x6c: {  	_ =	shalt  }
0x6d: {  	_ =	shalt  }
0x6e: {  	_ =	shalt  }
0x6f: {  	_ =	shalt  }
0x70: {  	_ =	shalt  }
0x71: {  	_ =	shalt  }
0x72: {  	_ =	shalt  }
0x73: {  	_ =	shalt  }
0x74: {  	_ =	shalt  }
0x75: {  	_ =	shalt  }
0x76: {  	_ =	shalt  }
0x77: {  	_ =	shalt  }
0x78: {  	_ =	shalt  }
0x79: {  	_ =	shalt  }
0x7a: {  	_ =	shalt  }
0x7b: {  	_ =	shalt  }
0x7c: {  	_ =	shalt  }
0x7d: {  	_ =	shalt  }
0x7e: {  	_ =	shalt  }
0x7f: {  	_ =	shalt  }
0x80: {  	_ =	shalt  }
0x81: {  	_ =	shalt  }
0x82: {  	_ =	shalt  }
0x83: {  	_ =	shalt  }
0x84: {  	_ =	shalt  }
0x85: {  	_ =	shalt  }
0x86: {  	_ =	shalt  }
0x87: {  	_ =	shalt  }
.Lfunc_end0:
.L_simem_size_0:
called_computation_lowered:
.L_overlay_start_0:
0x88: {  	s2 =	sld [smem:$0x3FD9]  }
0x89: {  	s3 =	sld [smem:$0x3FFE];
	_ =	sdelay $0x1  }
0x8a: {  	s1 =	srdreg.scid  }
0x8b: {  	s0 =	sand.u32 $0x1, s1  }
0x8c: {  	s17 =	sshll.u32 s0, $0xA;
	s2 =	sadd.s32 s3, s2  }
0x8d: {  	s2 =	sadd.s32 s2, s17  }
0x8e: {  	[smem:$0x3FBE] =	sst s2  }
0x8f: {  	_ = 	snop  }
0x90: {  	s2 =	sld [smem:$0x3FD0];
	(tm) =	ssettm $0x1  }
0x91: {  	s18 =	sld [smem:$0x3FFB];
	_ =	sdelay $0x3  }
0x92: {  	_ =	strace s18  }
0x93: {  	s3 =	sld [smem:$0x3FFC];
	_ =	sdelay $0x3  }
0x94: {  	_ =	strace s3  }
0x95: {  	s3 =	sld [smem:$0x3FFD];
	_ =	sdelay $0x3  }
0x96: {  	_ =	strace s3  }
0x97: {  	_ =	strace $0x8FFFFFFF  }
0x98: {  	s19 =	sld [smem:$0x3FDB];
	_ =	sdelay $0x1  }
0x99: {  	s4 =	simm.s32 $_scs_section_size  }
0x9a: {  	s5 =	simm.s32 $_size__tile_overlayer_lowered;
	s6 =	simm.s32 $_tile_overlayer_lowered  }
0x9b: {  	s22 =	simm.s32 $0x1BFF;
	s21 =	sshll.u32 s6, $0x1;
	s3 =	sadd.s32 s4, s19  }
0x9c: {  	s7 =	simm.s32 $0x0;
	s20 =	sshll.u32 s5, $0x1;
	s5 =	sadd.s32 s21, s3  }
0x9d: {  	[timem:s7], [sflag:s22] =	dma.local [hbm:s5], s20  }
0x9e: {  	_ =	swait.ge [sflag:s22], s20  }
0x9f: {  	s4 =	ssub.s32 $0x0, s20;
	[sflag:s22] =	ssyncset.done $0x0  }
0xa0: {  	[sflag:s22] =	ssyncadd.s32 s4;
	_ =	sdelay $0x1  }
0xa1: {  	s23 =	simm.s32 $0x1B8B  }
0xa2: {  	_ =	swait.ge [sflag:s23], $0x1  }
0xa3: {  	[sflag:s23] =	ssyncset.done $0x0  }
0xa4: {  	s25 =	simm.s32 $0x1B8E;
	s24 =	sld [smem:$0x3FFE];
	[sflag:s23] =	ssyncadd.s32 $0xFFFFFFFF  }
0xa5: {  	s26 =	simm.s32 $execute0_lowered;
	[smem:$0x3FD2] =	sst s25  }
0xa6: {  	s5 =	sshll.u32 s26, $0x1;
	_ =	strace $0x80000046;
	[dreg:$0x1] =	wrdreg $0xFFFFFFFF  }
0xa7: {  	s28 =	simm.s32 $_size_execute0_lowered;
	s3 =	sadd.s32 s3, s5;
	[dreg:$0x0] =	wrdreg $0x0  }
0xa8: {  	s5 =	sshll.u32 s28, $0x1;
	[dreg:$0x2] =	wrdreg s3  }
0xa9: {  	[dreg:$0x3] =	wrdreg s5  }
0xaa: {  	[dreg:$0x4] =	wrdreg $0xC0  }
0xab: {  	_ =	task [dreg:s7], $0x5FFFF  }
0xac: {  	[dreg:$0x1] =	wrdreg $0xFFFFFFFF  }
0xad: {  	[dreg:$0x0] =	wrdreg $0x60  }
0xae: {  	[dreg:$0x2] =	wrdreg s24  }
0xaf: {  	[dreg:$0x3] =	wrdreg s2  }
0xb0: {  	[dreg:$0x4] =	wrdreg $0x9  }
0xb1: {  	_ =	task.clear_ibuf [dreg:s7], $0x5FFFF;
	_ =	strace $0x90000046  }
0xb2: {  	s29 =	simm.s32 $0x9;
	_ =	strace $0x80000048  }
0xb3: {  	_ =	swait.ge [sflag:s29], $0x1  }
0xb4: {  	[sflag:s29] =	ssyncadd.s32 $0xFFFFFFFF  }
0xb5: {  	_ =	strace $0x90000048  }
0xb6: {  	_ =	sfence  }
0xb7: {  	s30 =	sld [smem:$0x0];
	_ =	sdelay $0x2  }
0xb8: {  	s31 =	sshll.u32 s1, $0xD;
	s1 =	sshrl.u32 s1, $0x2  }
0xb9: {  	s3 =	sand.u32 $0x4000, s31;
	s1 =	sadd.s32 s1, s30  }
0xba: {  	s0 =	sor.u32 s3, s0;
	s1 =	sshll.u32 s1, $0x11  }
0xbb: {  	s0 =	sor.u32 s1, s0  }
0xbc: {  	s0 =	sadd.s32 $0x8F2B, s0  }
0xbd: {  	[sflag:s0] =	ssyncadd.remote.s32 $0x1  }
0xbe: {  	_ =	sfence.sel $0xFFFF  }
0xbf: {  	[dreg:$0x0] =	wrdreg $0xFFFFFFFF;
	(pc) =	sbr.abs _section_cstart, $3  }
0xc0: {  	[dreg:$0x1] =	wrdreg $0xFFFFFFFF  }
0xc1: {  	_ =	task.clear_ibuf [dreg:s7], $0x2FFFF;
	_ =	strace $0x9FFFFFFF  }
0xc2: {  	(tm) =	ssettm $0x7FFFFFFF  }
0xc3: {  	_ =	shalt  }
tec
execute0_lowered:
.L_overlay_start_1:
0x0: {  	(tag) =	ssettag $0x1  }
0x1: {  	s4 =	rddreg [dreg:$0x0]  }
0x2: {  	s2 =	rddreg [dreg:$0x1]  }
0x3: {  	s0 =	rddreg [dreg:$0x2];
	s1 =	stileid.u32  }
0x4: {  	s5 =	srdreg.scid;
	s3 =	simm.s32 $0x0;
	s6 =	smul.u32 $0x1400, s1  }
0x5: {  	s10 =	simm.s32 $0x0;
	s5 =	sand.u32 $0x1, s5;
	s8 =	smul.u32 $0x14000, s1  }
0x6: {  	[smem:$0x7FF] =	sst s3;
	s7 =	smul.u32 $0xA00, s5;
	s9 =	ssub.s32 $0x2, s5  }
0x7: {  	_ =	strace $0x80000047;
	s5 =	smul.u32 $0xA000, s5;
	s31 =	sshrl.u32 s9, $0x1  }
0x8: {  	s8 =	sadd.s32 s8, s4;
	s6 =	sadd.s32 s7, s6;
	s7 =	ssub.s32 s9, s31  }
0x9: {  	s5 =	sadd.s32 s5, s8;
	s8 =	simm.s32 $0x80;
	s6 =	sshrl.u32 s6, $0x3  }
0xa: {  	s9 =	simm.s32 $0x1;
	s5 =	sadd.s32 $0x5600, s5;
	s6 =	sadd.s32 s6, s4  }
0xb: {  	s4 =	smax.u32 s7, $0x1;
	s7 =	simm.s32 $0x2;
	s6 =	sadd.s32 $0x2E00, s6  }
.LBB2_1:
0xc: {  	s11 =	sadd.s32 $0x0, s6  }
0xd: {  	[tilespmem:s3], [sflag:$0x2] =	stream.linear.gather [hbm4b:s11+s3], $0x80, $0x38;
	[tilespmem:$0x4080] =	vst v63  }
0xe: {  	_ =	swait.ge [sflag:s7], $0x80  }
0xf: {  	[sflag:s7] =	ssyncset.done $0x0  }
0x10: {  	[sflag:s7] =	ssyncadd.s32 $0xFFFFFF80  }
0x11: {  	[tilespmem:s8], [sflag:$0x1] =	stream.indirect.gather [hbm4b:s2+s8], $0x80, s3, s8, $0xb8;
	[tilespmem:$0x4080] =	vst v63  }
0x12: {  	_ =	swait.ge [sflag:s9], $0x4000  }
0x13: {  	[sflag:s9] =	ssyncset.done $0x0  }
0x14: {  	[sflag:s9] =	ssyncadd.s32 $0xFFFFC000  }
0x15: {  	[hbm4b:s5+s3] =	stream.linear.scatter [tilespmem:s8], [sflag:$0x2], $0x4000, $0x38;
	[tilespmem:$0x4080] =	vst v63  }
0x16: {  	s12 =	simm.s32 $0x10;
	_ =	swait.ge [sflag:s7], $0x4000  }
0x17: {  	s13 =	simm.s32 $0x20;
	s11 =	sadd.s32 $0x800, s5;
	[sflag:s7] =	ssyncset.done $0x0  }
.LBB2_2:
0x18: {  	s14 =	sadd.s32 s12, s6  }
0x19: {  	[sflag:s7] =	ssyncadd.s32 $0xFFFFC000;
	s12 =	smov.u32 s13;
	s15 =	sadd.s32 $0x10, s13  }
0x1a: {  	[tilespmem:s3], [sflag:$0x2] =	stream.linear.gather [hbm4b:s14+s3], $0x80, $0x38;
	[tilespmem:$0x4080] =	vst v63  }
0x1b: {  	p0 =	sne.s32 s13, $0x130;
	_ =	swait.ge [sflag:s7], $0x80  }
0x1c: {  	[sflag:s7] =	ssyncset.done $0x0  }
0x1d: {  	[sflag:s7] =	ssyncadd.s32 $0xFFFFFF80  }
0x1e: {  	[tilespmem:s8], [sflag:$0x1] =	stream.indirect.gather [hbm4b:s2+s8], $0x80, s3, s8, $0xb8;
	[tilespmem:$0x4080] =	vst v63  }
0x1f: {  	_ =	swait.ge [sflag:s9], $0x4000  }
.Ltmp0:
0x20: {  	[sflag:s9] =	ssyncset.done $0x0;
	(pc) =	sbr.rel @p0 .LBB2_2-.Ltmp0, $4  }
0x21: {  	[sflag:s9] =	ssyncadd.s32 $0xFFFFC000  }
0x22: {  	[hbm4b:s11+s3] =	stream.linear.scatter [tilespmem:s8], [sflag:$0x2], $0x4000, $0x38;
	[tilespmem:$0x4080] =	vst v63  }
0x23: {  	_ =	swait.ge [sflag:s7], $0x4000  }
0x24: {  	s13 =	smov.u32 s15;
	s11 =	sadd.s32 $0x800, s11;
	[sflag:s7] =	ssyncset.done $0x0  }
0x25: {  	s12 =	sadd.s32 s12, s6;
	[sflag:s7] =	ssyncadd.s32 $0xFFFFC000  }
0x26: {  	[tilespmem:s3], [sflag:$0x2] =	stream.linear.gather [hbm4b:s12+s3], $0x80, $0x38;
	[tilespmem:$0x4080] =	vst v63  }
0x27: {  	_ =	swait.ge [sflag:s7], $0x80  }
0x28: {  	[sflag:s7] =	ssyncset.done $0x0  }
0x29: {  	[sflag:s7] =	ssyncadd.s32 $0xFFFFFF80  }
0x2a: {  	[tilespmem:s8], [sflag:$0x1] =	stream.indirect.gather [hbm4b:s2+s8], $0x80, s3, s8, $0xb8;
	[tilespmem:$0x4080] =	vst v63  }
0x2b: {  	s10 =	sadd.s32 $0x1, s10;
	_ =	swait.ge [sflag:s9], $0x4000  }
0x2c: {  	p0 =	sne.s32 s10, s4;
	[sflag:s9] =	ssyncset.done $0x0  }
.Ltmp1:
0x2d: {  	[sflag:s9] =	ssyncadd.s32 $0xFFFFC000;
	(pc) =	sbr.rel @p0 .LBB2_1-.Ltmp1, $4  }
0x2e: {  	[hbm4b:s11+s3] =	stream.linear.scatter [tilespmem:s8], [sflag:$0x2], $0x4000, $0x38;
	[tilespmem:$0x4080] =	vst v63  }
0x2f: {  	_ =	swait.ge [sflag:s7], $0x4000  }
0x30: {  	[sflag:s7] =	ssyncset.done $0x0  }
0x31: {  	[sflag:s7] =	ssyncadd.s32 $0xFFFFC000  }
0x32: {  	_ =	sfence.sel $0x180000  }
0x33: {  	[bflag:$0x0] =	sbarrier.arrive $0xFFFF  }
0x34: {  	p0 =	sne.s32 s1, $0x0;
	_ =	strace $0x90000047  }
0x35: {  	s0 =	sadd.s32 @!p0 $0x100000, s0;
	[bflag:$0x2] =	sbarrier.arrive $0xFFFF  }
0x36: {  	[sflag:s0] =	ssyncadd.tile.s32 @!p0 $0x1;
	_ =	shalt  }
.Lfunc_end2:
_tile_overlayer_lowered:
.L_overlay_start_2:
0x37: {  	(tag) =	ssettag $0x2  }
0x38: {  	s0 =	rddreg [dreg:$0x0];
	s2 =	stileid.u32  }
0x39: {  	s1 =	rddreg [dreg:$0x1];
	p0 =	sne.s32 s2, $0x0  }
0x3a: {  	s3 =	rddreg [dreg:$0x2];
	[bflag:$0x3] =	sbarrier.arrive $0xFFFF;
	s2 =	simm.s32 @!p0 $0x1C02  }
0x3b: {  	[timem:s3], [sflag:s2] =	dma.local @!p0 [hbm:s0], s1  }
0x3c: {  	s0 =	simm.s32 @!p0 $0x2  }
0x3d: {  	_ =	swait.ge @!p0 [sflag:s0], s1  }
0x3e: {  	s1 =	ssub.s32 @!p0 $0x0, s1;
	[sflag:s0] =	ssyncset.done @!p0 $0x0  }
0x3f: {  	[sflag:s0] =	ssyncadd.s32 @!p0 s1  }
0x40: {  	[bflag:$0x3] =	sbarrier.arrive $0xFFFF  }
0x41: {  	_ =	shalt  }

</sc_bundles>
